<compile_context>
chip_gen: v7x
topology: tpu7x:2x2x1
jax: 0.10.2.dev20260603
libtpu: 0.0.44.dev20260713+nightly
codegen_flags: <defaults>
</compile_context>

<pallas_src>
import functools

import jax
import jax.numpy as jnp
from jax import lax
from jax.experimental import pallas as pl
from jax.experimental.pallas import tpu as pltpu
from jax.experimental.pallas import tpu_sc as plsc

L = 16
ROWS = 16384
COLS = 512
NV = COLS // L
NC = 2
NS = 16
NW = NC * NS
RPW = ROWS // NW
CHUNK = 16
NCH = RPW // CHUNK


def _sort16(x, up):
    if up:
        return lax.sort(x, dimension=0)
    return plsc.sort_key_val(x, x, descending=True)[0]


def _bitonic_sort_vregs(xs, asc):
    nv = len(xs)

    def up_of(r, k):
        u = ((r * L) & k) == 0
        return u if asc else (not u)

    xs = [_sort16(x, up_of(r, L)) for r, x in enumerate(xs)]
    k = 2 * L
    while k <= nv * L:
        j = k // 2
        while j >= L:
            dv = j // L
            new = list(xs)
            for r in range(nv):
                r2 = r ^ dv
                if r2 > r:
                    up = up_of(r, k)
                    lo = jnp.minimum(xs[r], xs[r2])
                    hi = jnp.maximum(xs[r], xs[r2])
                    new[r], new[r2] = (lo, hi) if up else (hi, lo)
            xs = new
            j //= 2
        xs = [_sort16(x, up_of(r, k)) for r, x in enumerate(xs)]
        k *= 2
    return xs


def _merge_half(xs):
    nv = len(xs)
    j = nv * L // 2
    while j >= L:
        dv = j // L
        new = list(xs)
        for r in range(nv):
            r2 = r ^ dv
            if r2 > r:
                new[r] = jnp.minimum(xs[r], xs[r2])
                new[r2] = jnp.maximum(xs[r], xs[r2])
        xs = new
        j //= 2
    return [lax.sort(x, dimension=0) for x in xs]


def _losn_sc_body(
    data_hbm, wrev_hbm, bias_hbm, out_hbm, rows_v, w_v, bias_v, out_v, out_sc, dsem
):
    wid = lax.axis_index("s") * NC + lax.axis_index("c")
    base = wid * RPW
    pltpu.sync_copy(wrev_hbm, w_v)
    pltpu.sync_copy(bias_hbm, bias_v)
    bvec = bias_v[...]
    lanes = lax.broadcasted_iota(jnp.int32, (L,), 0)

    def _start(ch, slot):
        pltpu.async_copy(
            data_hbm.at[pl.ds(base + ch * CHUNK, CHUNK), :],
            rows_v.at[slot],
            dsem.at[slot],
        )

    _start(0, 0)

    def chunk_body(ch, carry):
        slot = ch % 2

        @pl.when(ch + 1 < NCH)
        def _():
            _start(ch + 1, (ch + 1) % 2)

        pltpu.make_async_copy(
            data_hbm.at[pl.ds(base, CHUNK), :],
            rows_v.at[slot],
            dsem.at[slot],
        ).wait()

        def one_row(t):
            xs = [rows_v[slot, t, pl.ds(v * L, L)] for v in range(NV)]
            xs = _bitonic_sort_vregs(xs, True)
            acc = xs[0] * w_v[pl.ds(0, L)]
            for v in range(1, NV):
                acc = acc + xs[v] * w_v[pl.ds(v * L, L)]
            return jnp.sum(acc)

        @plsc.parallel_loop(0, CHUNK, unroll=1)
        def _(t):
            total = one_row(t)
            out_sc[pl.ds((ch * CHUNK + t) * L, L)] = jnp.full((L,), total)

        return carry

    lax.fori_loop(0, NCH, chunk_body, jnp.zeros((), jnp.int32))

    def comp_body(g, carry):
        idx = g * (L * L) + lanes * L
        vals = plsc.load_gather(out_sc, [idx])
        out_v[pl.ds(g * L, L)] = vals + bvec
        return carry

    lax.fori_loop(0, RPW // L, comp_body, jnp.zeros((), jnp.int32))
    pltpu.sync_copy(out_v, out_hbm.at[pl.ds(base, RPW)])


@functools.lru_cache(maxsize=1)
def _build():
    mesh = plsc.VectorSubcoreMesh(
        core_axis_name="c", subcore_axis_name="s", num_cores=NC, num_subcores=NS
    )
    return pl.kernel(
        _losn_sc_body,
        out_type=jax.ShapeDtypeStruct((ROWS,), jnp.float32),
        mesh=mesh,
        compiler_params=pltpu.CompilerParams(needs_layout_passes=False),
        scratch_types=[
            pltpu.VMEM((2, CHUNK, COLS), jnp.float32),
            pltpu.VMEM((COLS,), jnp.float32),
            pltpu.VMEM((L,), jnp.float32),
            pltpu.VMEM((RPW,), jnp.float32),
            pltpu.VMEM((RPW * L,), jnp.float32),
            pltpu.SemaphoreType.DMA((2,)),
        ],
    )


def kernel(data, weights, bias):
    wrev = jnp.flip(weights.reshape(COLS))
    bias16 = jnp.broadcast_to(bias.reshape(()), (L,))
    out = _build()(data, wrev, bias16)
    return out.reshape(ROWS, 1)

# --- scband reference (transcript-rebuilt; emitter-appended) ---
"""Pipeline reference for scband-losn-29291676959155 (READ-ONLY COPY).

The authoritative reference and input builder live on the scoring server;
editing this copy changes nothing except your own understanding.
"""

import jax, jax.numpy as jnp
import numpy as np


def setup_inputs(seed: int = 0) -> dict:
    key = jax.random.key(seed)
    k1, k2, k3 = jax.random.split(key, 3)
    data = jax.random.normal(k1, (16384, 512), dtype=jnp.float32)
    # Parameters: weights ~ Normal(mean=-0.1, std=0.1), shape [features, 1]
    weights = jax.random.normal(k2, (512, 1), dtype=jnp.float32) * 0.1 - 0.1
    bias = jax.random.normal(k3, (1,), dtype=jnp.float32) * 0.1 - 0.1
    return {"data": data, "weights": weights, "bias": bias}


def reference(data, weights, bias):
    # torch.sort(input=data, descending=True) sorts along last dim, descending
    sorted_data = jnp.flip(jnp.sort(data, axis=-1), axis=-1)
    prediction = jnp.matmul(sorted_data, weights) + bias
    return prediction

if __name__ == "__main__":
    import jax
    _d = setup_inputs()
    print(jax.jit(kernel)(*tuple(_d.values())))

</pallas_src>

<mosaic_0001>
#map = affine_map<(d0, d1) -> (0, 0)>
#map1 = affine_map<(d0, d1) -> (0)>
module attributes {stable_mosaic.version = 14 : i64} {
  func.func @_losn_sc_body(%arg0: i32, %arg1: i32, %arg2: memref<16384x512xf32, #tpu.memory_space<hbm>>, %arg3: memref<512xf32, #tpu.memory_space<hbm>>, %arg4: memref<16xf32, #tpu.memory_space<hbm>>, %arg5: memref<16384xf32, #tpu.memory_space<hbm>>, %arg6: memref<2x16x512xf32, #tpu.memory_space<vmem>>, %arg7: memref<512xf32, #tpu.memory_space<vmem>>, %arg8: memref<16xf32, #tpu.memory_space<vmem>>, %arg9: memref<512xf32, #tpu.memory_space<vmem>>, %arg10: memref<8192xf32, #tpu.memory_space<vmem>>, %arg11: memref<2x!tpu.dma_semaphore, #tpu.memory_space<semaphore_mem>>) attributes {dimension_semantics = [#tpu.dimension_semantics<core_parallel>, #tpu.dimension_semantics<subcore_parallel>], iteration_bounds = array<i64: 2, 16>, scalar_prefetch = 0 : i64, scratch_operands = 6 : i64, tpu.core_type = #tpu.core_type<sc_vector_subcore>, window_params = [{transform_indices = #map}, {transform_indices = #map1}, {transform_indices = #map1}, {transform_indices = #map1}]} {
    %mul3A = arith.constant 2 : i32
    %mul3A_0 = arith.muli %arg1, %mul3A : i32
    %add3A = arith.addi %mul3A_0, %arg0 : i32
    %mul3A_1 = arith.constant 512 : i32
    %mul3A_2 = arith.muli %add3A, %mul3A_1 : i32
    "tpu.region"() ({
      %run_scoped3A = tpu.sem_alloc : memref<!tpu.dma_semaphore, #tpu.memory_space<semaphore_mem>>
      tpu.enqueue_dma source(%arg3 : memref<512xf32, #tpu.memory_space<hbm>>) target(%arg7 : memref<512xf32, #tpu.memory_space<vmem>>) target_semaphore(%run_scoped3A : memref<!tpu.dma_semaphore, #tpu.memory_space<semaphore_mem>>)
      tpu.wait_dma2 semaphore(%run_scoped3A : memref<!tpu.dma_semaphore, #tpu.memory_space<semaphore_mem>>) src(%arg3 : memref<512xf32, #tpu.memory_space<hbm>>) dst(%arg7 : memref<512xf32, #tpu.memory_space<vmem>>)
      tpu.yield
    }) : () -> ()
    "tpu.region"() ({
      %run_scoped3A = tpu.sem_alloc : memref<!tpu.dma_semaphore, #tpu.memory_space<semaphore_mem>>
      tpu.enqueue_dma source(%arg4 : memref<16xf32, #tpu.memory_space<hbm>>) target(%arg8 : memref<16xf32, #tpu.memory_space<vmem>>) target_semaphore(%run_scoped3A : memref<!tpu.dma_semaphore, #tpu.memory_space<semaphore_mem>>)
      tpu.wait_dma2 semaphore(%run_scoped3A : memref<!tpu.dma_semaphore, #tpu.memory_space<semaphore_mem>>) src(%arg4 : memref<16xf32, #tpu.memory_space<hbm>>) dst(%arg8 : memref<16xf32, #tpu.memory_space<vmem>>)
      tpu.yield
    }) : () -> ()
    %get3A = arith.constant 0 : index
    %get3A_3 = tpu.vector_load %arg8[%get3A] {strides = array<i32>} : memref<16xf32, #tpu.memory_space<vmem>>, vector<16xf32>,
    %iota3A = tpu.iota {dimensions = array<i32: 0>} : vector<16xi32>
    %add3A_4 = arith.constant 0 : i32
    %add3A_5 = arith.addi %mul3A_2, %add3A_4 : i32
    %dma_start3A = arith.constant 0 : i32
    %dma_start3A_6 = arith.constant 0 : i32
    %dma_start3A_7 = arith.constant 0 : i32
    %dma_start3A_8 = arith.constant 0 : i32
    %dma_start3A_9 = tpu.memref_slice %arg6[%dma_start3A, %dma_start3A_7, %dma_start3A_8] : memref<2x16x512xf32, #tpu.memory_space<vmem>> -> memref<1x16x512xf32, #tpu.memory_space<vmem>>
    %dma_start3A_10 = tpu.memref_squeeze %dma_start3A_9 : memref<1x16x512xf32, #tpu.memory_space<vmem>> -> memref<16x512xf32, #tpu.memory_space<vmem>>
    %dma_start3A_11 = arith.constant 0 : i32
    %dma_start3A_12 = tpu.memref_slice %arg2[%add3A_5, %dma_start3A_11] : memref<16384x512xf32, #tpu.memory_space<hbm>> -> memref<16x512xf32, #tpu.memory_space<hbm>>
    %dma_start3A_13 = tpu.memref_slice %arg11[%dma_start3A_6] : memref<2x!tpu.dma_semaphore, #tpu.memory_space<semaphore_mem>> -> memref<1x!tpu.dma_semaphore, #tpu.memory_space<semaphore_mem>>
    %dma_start3A_14 = tpu.memref_squeeze %dma_start3A_13 : memref<1x!tpu.dma_semaphore, #tpu.memory_space<semaphore_mem>> -> memref<!tpu.dma_semaphore, #tpu.memory_space<semaphore_mem>>
    %dma_start3A_15 = arith.constant 0 : i32
    %dma_start3A_16 = arith.constant 0 : i32
    %dma_start3A_17 = tpu.memref_slice %arg6[%dma_start3A, %dma_start3A_15, %dma_start3A_16] : memref<2x16x512xf32, #tpu.memory_space<vmem>> -> memref<1x16x512xf32, #tpu.memory_space<vmem>>
    %dma_start3A_18 = tpu.memref_squeeze %dma_start3A_17 : memref<1x16x512xf32, #tpu.memory_space<vmem>> -> memref<16x512xf32, #tpu.memory_space<vmem>>
    %dma_start3A_19 = arith.constant 0 : i32
    %dma_start3A_20 = tpu.memref_slice %arg2[%add3A_5, %dma_start3A_19] : memref<16384x512xf32, #tpu.memory_space<hbm>> -> memref<16x512xf32, #tpu.memory_space<hbm>>
    tpu.enqueue_dma source(%dma_start3A_20 : memref<16x512xf32, #tpu.memory_space<hbm>>) target(%dma_start3A_18 : memref<16x512xf32, #tpu.memory_space<vmem>>) target_semaphore(%dma_start3A_14 : memref<!tpu.dma_semaphore, #tpu.memory_space<semaphore_mem>>)
    %scan3A = arith.constant 0 : i32
    %scan3A_21 = arith.constant 0 : i32
    %scan3A_22 = arith.constant 32 : i32
    %scan3A_23 = arith.addi %scan3A_21, %scan3A_22 : i32
    %scan3A_24 = arith.constant 1 : i32
    scf.for %scan3A_32 = %scan3A_21 to %scan3A_23 step %scan3A_24  : i32 {
      %jit3A = arith.constant 2 : i32
      %eq3A = arith.constant 0 : i32
      %eq3A_33 = arith.cmpi eq, %jit3A, %eq3A : i32
      %jit3A_34 = arith.constant 1 : i32
      %select_n3A = arith.select %eq3A_33, %jit3A_34, %jit3A : i32
      %rem3A = arith.remsi %scan3A_32, %select_n3A : i32
      %ne3A = arith.constant 0 : i32
      %ne3A_35 = arith.cmpi ne, %rem3A, %ne3A : i32
      %lt3A = arith.constant 0 : i32
      %lt3A_36 = arith.cmpi slt, %rem3A, %lt3A : i32
      %lt3A_37 = arith.constant 0 : i32
      %lt3A_38 = arith.cmpi slt, %select_n3A, %lt3A_37 : i32
      %ne3A_39 = arith.xori %lt3A_36, %lt3A_38 : i1
      %and3A = arith.andi %ne3A_39, %ne3A_35 : i1
      %add3A_40 = arith.addi %rem3A, %select_n3A : i32
      %select_n3A_41 = arith.select %and3A, %add3A_40, %rem3A : i32
      %add3A_42 = arith.constant 1 : i32
      %add3A_43 = arith.addi %scan3A_32, %add3A_42 : i32
      %lt3A_44 = arith.constant 32 : i32
      %lt3A_45 = arith.cmpi slt, %add3A_43, %lt3A_44 : i32
      %convert_element_type3A = arith.extui %lt3A_45 : i1 to i32
      %cond3A = arith.constant 0 : i32
      %cond3A_46 = arith.cmpi ne, %convert_element_type3A, %cond3A : i32
      scf.if %cond3A_46 {
        %add3A_62 = arith.constant 1 : i32
        %add3A_63 = arith.addi %scan3A_32, %add3A_62 : i32
        %add3A_64 = arith.constant 1 : i32
        %add3A_65 = arith.addi %scan3A_32, %add3A_64 : i32
        %jit3A_66 = arith.constant 2 : i32
        %eq3A_67 = arith.constant 0 : i32
        %eq3A_68 = arith.cmpi eq, %jit3A_66, %eq3A_67 : i32
        %jit3A_69 = arith.constant 1 : i32
        %select_n3A_70 = arith.select %eq3A_68, %jit3A_69, %jit3A_66 : i32
        %rem3A_71 = arith.remsi %add3A_65, %select_n3A_70 : i32
        %ne3A_72 = arith.constant 0 : i32
        %ne3A_73 = arith.cmpi ne, %rem3A_71, %ne3A_72 : i32
        %lt3A_74 = arith.constant 0 : i32
        %lt3A_75 = arith.cmpi slt, %rem3A_71, %lt3A_74 : i32
        %lt3A_76 = arith.constant 0 : i32
        %lt3A_77 = arith.cmpi slt, %select_n3A_70, %lt3A_76 : i32
        %ne3A_78 = arith.xori %lt3A_75, %lt3A_77 : i1
        %and3A_79 = arith.andi %ne3A_78, %ne3A_73 : i1
        %add3A_80 = arith.addi %rem3A_71, %select_n3A_70 : i32
        %select_n3A_81 = arith.select %and3A_79, %add3A_80, %rem3A_71 : i32
        %mul3A_82 = arith.constant 16 : i32
        %mul3A_83 = arith.muli %add3A_63, %mul3A_82 : i32
        %add3A_84 = arith.addi %mul3A_2, %mul3A_83 : i32
        %dma_start3A_85 = arith.constant 0 : i32
        %dma_start3A_86 = arith.constant 0 : i32
        %dma_start3A_87 = tpu.memref_slice %arg6[%select_n3A_81, %dma_start3A_85, %dma_start3A_86] : memref<2x16x512xf32, #tpu.memory_space<vmem>> -> memref<1x16x512xf32, #tpu.memory_space<vmem>>
        %dma_start3A_88 = tpu.memref_squeeze %dma_start3A_87 : memref<1x16x512xf32, #tpu.memory_space<vmem>> -> memref<16x512xf32, #tpu.memory_space<vmem>>
        %dma_start3A_89 = arith.constant 0 : i32
        %dma_start3A_90 = tpu.memref_slice %arg2[%add3A_84, %dma_start3A_89] : memref<16384x512xf32, #tpu.memory_space<hbm>> -> memref<16x512xf32, #tpu.memory_space<hbm>>
        %dma_start3A_91 = tpu.memref_slice %arg11[%select_n3A_81] : memref<2x!tpu.dma_semaphore, #tpu.memory_space<semaphore_mem>> -> memref<1x!tpu.dma_semaphore, #tpu.memory_space<semaphore_mem>>
        %dma_start3A_92 = tpu.memref_squeeze %dma_start3A_91 : memref<1x!tpu.dma_semaphore, #tpu.memory_space<semaphore_mem>> -> memref<!tpu.dma_semaphore, #tpu.memory_space<semaphore_mem>>
        %dma_start3A_93 = arith.constant 0 : i32
        %dma_start3A_94 = arith.constant 0 : i32
        %dma_start3A_95 = tpu.memref_slice %arg6[%select_n3A_81, %dma_start3A_93, %dma_start3A_94] : memref<2x16x512xf32, #tpu.memory_space<vmem>> -> memref<1x16x512xf32, #tpu.memory_space<vmem>>
        %dma_start3A_96 = tpu.memref_squeeze %dma_start3A_95 : memref<1x16x512xf32, #tpu.memory_space<vmem>> -> memref<16x512xf32, #tpu.memory_space<vmem>>
        %dma_start3A_97 = arith.constant 0 : i32
        %dma_start3A_98 = tpu.memref_slice %arg2[%add3A_84, %dma_start3A_97] : memref<16384x512xf32, #tpu.memory_space<hbm>> -> memref<16x512xf32, #tpu.memory_space<hbm>>
        tpu.enqueue_dma source(%dma_start3A_98 : memref<16x512xf32, #tpu.memory_space<hbm>>) target(%dma_start3A_96 : memref<16x512xf32, #tpu.memory_space<vmem>>) target_semaphore(%dma_start3A_92 : memref<!tpu.dma_semaphore, #tpu.memory_space<semaphore_mem>>)
      } else {
      }
      %dma_wait3A = arith.constant 0 : i32
      %dma_wait3A_47 = arith.constant 0 : i32
      %dma_wait3A_48 = tpu.memref_slice %arg6[%select_n3A_41, %dma_wait3A, %dma_wait3A_47] : memref<2x16x512xf32, #tpu.memory_space<vmem>> -> memref<1x16x512xf32, #tpu.memory_space<vmem>>
      %dma_wait3A_49 = tpu.memref_squeeze %dma_wait3A_48 : memref<1x16x512xf32, #tpu.memory_space<vmem>> -> memref<16x512xf32, #tpu.memory_space<vmem>>
      %dma_wait3A_50 = arith.constant 0 : i32
      %dma_wait3A_51 = tpu.memref_slice %arg2[%mul3A_2, %dma_wait3A_50] : memref<16384x512xf32, #tpu.memory_space<hbm>> -> memref<16x512xf32, #tpu.memory_space<hbm>>
      %dma_wait3A_52 = tpu.memref_slice %arg11[%select_n3A_41] : memref<2x!tpu.dma_semaphore, #tpu.memory_space<semaphore_mem>> -> memref<1x!tpu.dma_semaphore, #tpu.memory_space<semaphore_mem>>
      %dma_wait3A_53 = tpu.memref_squeeze %dma_wait3A_52 : memref<1x!tpu.dma_semaphore, #tpu.memory_space<semaphore_mem>> -> memref<!tpu.dma_semaphore, #tpu.memory_space<semaphore_mem>>
      %dma_wait3A_54 = arith.constant 0 : i32
      %dma_wait3A_55 = arith.constant 0 : i32
      %dma_wait3A_56 = tpu.memref_slice %arg6[%select_n3A_41, %dma_wait3A_54, %dma_wait3A_55] : memref<2x16x512xf32, #tpu.memory_space<vmem>> -> memref<1x16x512xf32, #tpu.memory_space<vmem>>
      %dma_wait3A_57 = tpu.memref_squeeze %dma_wait3A_56 : memref<1x16x512xf32, #tpu.memory_space<vmem>> -> memref<16x512xf32, #tpu.memory_space<vmem>>
      %dma_wait3A_58 = arith.constant 0 : i32
      %dma_wait3A_59 = tpu.memref_slice %arg2[%mul3A_2, %dma_wait3A_58] : memref<16384x512xf32, #tpu.memory_space<hbm>> -> memref<16x512xf32, #tpu.memory_space<hbm>>
      tpu.wait_dma2 semaphore(%dma_wait3A_53 : memref<!tpu.dma_semaphore, #tpu.memory_space<semaphore_mem>>) src(%dma_wait3A_59 : memref<16x512xf32, #tpu.memory_space<hbm>>) dst(%dma_wait3A_57 : memref<16x512xf32, #tpu.memory_space<vmem>>)
      %parallel_loop3A = arith.constant 0 : i32
      %parallel_loop3A_60 = arith.constant 16 : i32
      %parallel_loop3A_61 = arith.constant 1 : i32
      scf.for %parallel_loop3A_62 = %parallel_loop3A to %parallel_loop3A_60 step %parallel_loop3A_61  : i32 {
        %parallel_loop3A_63 = arith.index_cast %select_n3A_41 : i32 to index
        %parallel_loop3A_64 = arith.index_cast %parallel_loop3A_62 : i32 to index
        %parallel_loop3A_65 = arith.constant 0 : index
        %parallel_loop3A_66 = tpu.vector_load %arg6[%parallel_loop3A_63, %parallel_loop3A_64, %parallel_loop3A_65] {strides = array<i32>} : memref<2x16x512xf32, #tpu.memory_space<vmem>>, vector<16xf32>,
        %parallel_loop3A_67 = arith.index_cast %select_n3A_41 : i32 to index
        %parallel_loop3A_68 = arith.index_cast %parallel_loop3A_62 : i32 to index
        %parallel_loop3A_69 = arith.constant 16 : index
        %parallel_loop3A_70 = tpu.vector_load %arg6[%parallel_loop3A_67, %parallel_loop3A_68, %parallel_loop3A_69] {strides = array<i32>} : memref<2x16x512xf32, #tpu.memory_space<vmem>>, vector<16xf32>,
        %parallel_loop3A_71 = arith.index_cast %select_n3A_41 : i32 to index
        %parallel_loop3A_72 = arith.index_cast %parallel_loop3A_62 : i32 to index
        %parallel_loop3A_73 = arith.constant 32 : index
        %parallel_loop3A_74 = tpu.vector_load %arg6[%parallel_loop3A_71, %parallel_loop3A_72, %parallel_loop3A_73] {strides = array<i32>} : memref<2x16x512xf32, #tpu.memory_space<vmem>>, vector<16xf32>,
        %parallel_loop3A_75 = arith.index_cast %select_n3A_41 : i32 to index
        %parallel_loop3A_76 = arith.index_cast %parallel_loop3A_62 : i32 to index
        %parallel_loop3A_77 = arith.constant 48 : index
        %parallel_loop3A_78 = tpu.vector_load %arg6[%parallel_loop3A_75, %parallel_loop3A_76, %parallel_loop3A_77] {strides = array<i32>} : memref<2x16x512xf32, #tpu.memory_space<vmem>>, vector<16xf32>,
        %parallel_loop3A_79 = arith.index_cast %select_n3A_41 : i32 to index
        %parallel_loop3A_80 = arith.index_cast %parallel_loop3A_62 : i32 to index
        %parallel_loop3A_81 = arith.constant 64 : index
        %parallel_loop3A_82 = tpu.vector_load %arg6[%parallel_loop3A_79, %parallel_loop3A_80, %parallel_loop3A_81] {strides = array<i32>} : memref<2x16x512xf32, #tpu.memory_space<vmem>>, vector<16xf32>,
        %parallel_loop3A_83 = arith.index_cast %select_n3A_41 : i32 to index
        %parallel_loop3A_84 = arith.index_cast %parallel_loop3A_62 : i32 to index
        %parallel_loop3A_85 = arith.constant 80 : index
        %parallel_loop3A_86 = tpu.vector_load %arg6[%parallel_loop3A_83, %parallel_loop3A_84, %parallel_loop3A_85] {strides = array<i32>} : memref<2x16x512xf32, #tpu.memory_space<vmem>>, vector<16xf32>,
        %parallel_loop3A_87 = arith.index_cast %select_n3A_41 : i32 to index
        %parallel_loop3A_88 = arith.index_cast %parallel_loop3A_62 : i32 to index
        %parallel_loop3A_89 = arith.constant 96 : index
        %parallel_loop3A_90 = tpu.vector_load %arg6[%parallel_loop3A_87, %parallel_loop3A_88, %parallel_loop3A_89] {strides = array<i32>} : memref<2x16x512xf32, #tpu.memory_space<vmem>>, vector<16xf32>,
        %parallel_loop3A_91 = arith.index_cast %select_n3A_41 : i32 to index
        %parallel_loop3A_92 = arith.index_cast %parallel_loop3A_62 : i32 to index
        %parallel_loop3A_93 = arith.constant 112 : index
        %parallel_loop3A_94 = tpu.vector_load %arg6[%parallel_loop3A_91, %parallel_loop3A_92, %parallel_loop3A_93] {strides = array<i32>} : memref<2x16x512xf32, #tpu.memory_space<vmem>>, vector<16xf32>,
        %parallel_loop3A_95 = arith.index_cast %select_n3A_41 : i32 to index
        %parallel_loop3A_96 = arith.index_cast %parallel_loop3A_62 : i32 to index
        %parallel_loop3A_97 = arith.constant 128 : index
        %parallel_loop3A_98 = tpu.vector_load %arg6[%parallel_loop3A_95, %parallel_loop3A_96, %parallel_loop3A_97] {strides = array<i32>} : memref<2x16x512xf32, #tpu.memory_space<vmem>>, vector<16xf32>,
        %parallel_loop3A_99 = arith.index_cast %select_n3A_41 : i32 to index
        %parallel_loop3A_100 = arith.index_cast %parallel_loop3A_62 : i32 to index
        %parallel_loop3A_101 = arith.constant 144 : index
        %parallel_loop3A_102 = tpu.vector_load %arg6[%parallel_loop3A_99, %parallel_loop3A_100, %parallel_loop3A_101] {strides = array<i32>} : memref<2x16x512xf32, #tpu.memory_space<vmem>>, vector<16xf32>,
        %parallel_loop3A_103 = arith.index_cast %select_n3A_41 : i32 to index
        %parallel_loop3A_104 = arith.index_cast %parallel_loop3A_62 : i32 to index
        %parallel_loop3A_105 = arith.constant 160 : index
        %parallel_loop3A_106 = tpu.vector_load %arg6[%parallel_loop3A_103, %parallel_loop3A_104, %parallel_loop3A_105] {strides = array<i32>} : memref<2x16x512xf32, #tpu.memory_space<vmem>>, vector<16xf32>,
        %parallel_loop3A_107 = arith.index_cast %select_n3A_41 : i32 to index
        %parallel_loop3A_108 = arith.index_cast %parallel_loop3A_62 : i32 to index
        %parallel_loop3A_109 = arith.constant 176 : index
        %parallel_loop3A_110 = tpu.vector_load %arg6[%parallel_loop3A_107, %parallel_loop3A_108, %parallel_loop3A_109] {strides = array<i32>} : memref<2x16x512xf32, #tpu.memory_space<vmem>>, vector<16xf32>,
        %parallel_loop3A_111 = arith.index_cast %select_n3A_41 : i32 to index
        %parallel_loop3A_112 = arith.index_cast %parallel_loop3A_62 : i32 to index
        %parallel_loop3A_113 = arith.constant 192 : index
        %parallel_loop3A_114 = tpu.vector_load %arg6[%parallel_loop3A_111, %parallel_loop3A_112, %parallel_loop3A_113] {strides = array<i32>} : memref<2x16x512xf32, #tpu.memory_space<vmem>>, vector<16xf32>,
        %parallel_loop3A_115 = arith.index_cast %select_n3A_41 : i32 to index
        %parallel_loop3A_116 = arith.index_cast %parallel_loop3A_62 : i32 to index
        %parallel_loop3A_117 = arith.constant 208 : index
        %parallel_loop3A_118 = tpu.vector_load %arg6[%parallel_loop3A_115, %parallel_loop3A_116, %parallel_loop3A_117] {strides = array<i32>} : memref<2x16x512xf32, #tpu.memory_space<vmem>>, vector<16xf32>,
        %parallel_loop3A_119 = arith.index_cast %select_n3A_41 : i32 to index
        %parallel_loop3A_120 = arith.index_cast %parallel_loop3A_62 : i32 to index
        %parallel_loop3A_121 = arith.constant 224 : index
        %parallel_loop3A_122 = tpu.vector_load %arg6[%parallel_loop3A_119, %parallel_loop3A_120, %parallel_loop3A_121] {strides = array<i32>} : memref<2x16x512xf32, #tpu.memory_space<vmem>>, vector<16xf32>,
        %parallel_loop3A_123 = arith.index_cast %select_n3A_41 : i32 to index
        %parallel_loop3A_124 = arith.index_cast %parallel_loop3A_62 : i32 to index
        %parallel_loop3A_125 = arith.constant 240 : index
        %parallel_loop3A_126 = tpu.vector_load %arg6[%parallel_loop3A_123, %parallel_loop3A_124, %parallel_loop3A_125] {strides = array<i32>} : memref<2x16x512xf32, #tpu.memory_space<vmem>>, vector<16xf32>,
        %parallel_loop3A_127 = arith.index_cast %select_n3A_41 : i32 to index
        %parallel_loop3A_128 = arith.index_cast %parallel_loop3A_62 : i32 to index
        %parallel_loop3A_129 = arith.constant 256 : index
        %parallel_loop3A_130 = tpu.vector_load %arg6[%parallel_loop3A_127, %parallel_loop3A_128, %parallel_loop3A_129] {strides = array<i32>} : memref<2x16x512xf32, #tpu.memory_space<vmem>>, vector<16xf32>,
        %parallel_loop3A_131 = arith.index_cast %select_n3A_41 : i32 to index
        %parallel_loop3A_132 = arith.index_cast %parallel_loop3A_62 : i32 to index
        %parallel_loop3A_133 = arith.constant 272 : index
        %parallel_loop3A_134 = tpu.vector_load %arg6[%parallel_loop3A_131, %parallel_loop3A_132, %parallel_loop3A_133] {strides = array<i32>} : memref<2x16x512xf32, #tpu.memory_space<vmem>>, vector<16xf32>,
        %parallel_loop3A_135 = arith.index_cast %select_n3A_41 : i32 to index
        %parallel_loop3A_136 = arith.index_cast %parallel_loop3A_62 : i32 to index
        %parallel_loop3A_137 = arith.constant 288 : index
        %parallel_loop3A_138 = tpu.vector_load %arg6[%parallel_loop3A_135, %parallel_loop3A_136, %parallel_loop3A_137] {strides = array<i32>} : memref<2x16x512xf32, #tpu.memory_space<vmem>>, vector<16xf32>,
        %parallel_loop3A_139 = arith.index_cast %select_n3A_41 : i32 to index
        %parallel_loop3A_140 = arith.index_cast %parallel_loop3A_62 : i32 to index
        %parallel_loop3A_141 = arith.constant 304 : index
        %parallel_loop3A_142 = tpu.vector_load %arg6[%parallel_loop3A_139, %parallel_loop3A_140, %parallel_loop3A_141] {strides = array<i32>} : memref<2x16x512xf32, #tpu.memory_space<vmem>>, vector<16xf32>,
        %parallel_loop3A_143 = arith.index_cast %select_n3A_41 : i32 to index
        %parallel_loop3A_144 = arith.index_cast %parallel_loop3A_62 : i32 to index
        %parallel_loop3A_145 = arith.constant 320 : index
        %parallel_loop3A_146 = tpu.vector_load %arg6[%parallel_loop3A_143, %parallel_loop3A_144, %parallel_loop3A_145] {strides = array<i32>} : memref<2x16x512xf32, #tpu.memory_space<vmem>>, vector<16xf32>,
        %parallel_loop3A_147 = arith.index_cast %select_n3A_41 : i32 to index
        %parallel_loop3A_148 = arith.index_cast %parallel_loop3A_62 : i32 to index
        %parallel_loop3A_149 = arith.constant 336 : index
        %parallel_loop3A_150 = tpu.vector_load %arg6[%parallel_loop3A_147, %parallel_loop3A_148, %parallel_loop3A_149] {strides = array<i32>} : memref<2x16x512xf32, #tpu.memory_space<vmem>>, vector<16xf32>,
        %parallel_loop3A_151 = arith.index_cast %select_n3A_41 : i32 to index
        %parallel_loop3A_152 = arith.index_cast %parallel_loop3A_62 : i32 to index
        %parallel_loop3A_153 = arith.constant 352 : index
        %parallel_loop3A_154 = tpu.vector_load %arg6[%parallel_loop3A_151, %parallel_loop3A_152, %parallel_loop3A_153] {strides = array<i32>} : memref<2x16x512xf32, #tpu.memory_space<vmem>>, vector<16xf32>,
        %parallel_loop3A_155 = arith.index_cast %select_n3A_41 : i32 to index
        %parallel_loop3A_156 = arith.index_cast %parallel_loop3A_62 : i32 to index
        %parallel_loop3A_157 = arith.constant 368 : index
        %parallel_loop3A_158 = tpu.vector_load %arg6[%parallel_loop3A_155, %parallel_loop3A_156, %parallel_loop3A_157] {strides = array<i32>} : memref<2x16x512xf32, #tpu.memory_space<vmem>>, vector<16xf32>,
        %parallel_loop3A_159 = arith.index_cast %select_n3A_41 : i32 to index
        %parallel_loop3A_160 = arith.index_cast %parallel_loop3A_62 : i32 to index
        %parallel_loop3A_161 = arith.constant 384 : index
        %parallel_loop3A_162 = tpu.vector_load %arg6[%parallel_loop3A_159, %parallel_loop3A_160, %parallel_loop3A_161] {strides = array<i32>} : memref<2x16x512xf32, #tpu.memory_space<vmem>>, vector<16xf32>,
        %parallel_loop3A_163 = arith.index_cast %select_n3A_41 : i32 to index
        %parallel_loop3A_164 = arith.index_cast %parallel_loop3A_62 : i32 to index
        %parallel_loop3A_165 = arith.constant 400 : index
        %parallel_loop3A_166 = tpu.vector_load %arg6[%parallel_loop3A_163, %parallel_loop3A_164, %parallel_loop3A_165] {strides = array<i32>} : memref<2x16x512xf32, #tpu.memory_space<vmem>>, vector<16xf32>,
        %parallel_loop3A_167 = arith.index_cast %select_n3A_41 : i32 to index
        %parallel_loop3A_168 = arith.index_cast %parallel_loop3A_62 : i32 to index
        %parallel_loop3A_169 = arith.constant 416 : index
        %parallel_loop3A_170 = tpu.vector_load %arg6[%parallel_loop3A_167, %parallel_loop3A_168, %parallel_loop3A_169] {strides = array<i32>} : memref<2x16x512xf32, #tpu.memory_space<vmem>>, vector<16xf32>,
        %parallel_loop3A_171 = arith.index_cast %select_n3A_41 : i32 to index
        %parallel_loop3A_172 = arith.index_cast %parallel_loop3A_62 : i32 to index
        %parallel_loop3A_173 = arith.constant 432 : index
        %parallel_loop3A_174 = tpu.vector_load %arg6[%parallel_loop3A_171, %parallel_loop3A_172, %parallel_loop3A_173] {strides = array<i32>} : memref<2x16x512xf32, #tpu.memory_space<vmem>>, vector<16xf32>,
        %parallel_loop3A_175 = arith.index_cast %select_n3A_41 : i32 to index
        %parallel_loop3A_176 = arith.index_cast %parallel_loop3A_62 : i32 to index
        %parallel_loop3A_177 = arith.constant 448 : index
        %parallel_loop3A_178 = tpu.vector_load %arg6[%parallel_loop3A_175, %parallel_loop3A_176, %parallel_loop3A_177] {strides = array<i32>} : memref<2x16x512xf32, #tpu.memory_space<vmem>>, vector<16xf32>,
        %parallel_loop3A_179 = arith.index_cast %select_n3A_41 : i32 to index
        %parallel_loop3A_180 = arith.index_cast %parallel_loop3A_62 : i32 to index
        %parallel_loop3A_181 = arith.constant 464 : index
        %parallel_loop3A_182 = tpu.vector_load %arg6[%parallel_loop3A_179, %parallel_loop3A_180, %parallel_loop3A_181] {strides = array<i32>} : memref<2x16x512xf32, #tpu.memory_space<vmem>>, vector<16xf32>,
        %parallel_loop3A_183 = arith.index_cast %select_n3A_41 : i32 to index
        %parallel_loop3A_184 = arith.index_cast %parallel_loop3A_62 : i32 to index
        %parallel_loop3A_185 = arith.constant 480 : index
        %parallel_loop3A_186 = tpu.vector_load %arg6[%parallel_loop3A_183, %parallel_loop3A_184, %parallel_loop3A_185] {strides = array<i32>} : memref<2x16x512xf32, #tpu.memory_space<vmem>>, vector<16xf32>,
        %parallel_loop3A_187 = arith.index_cast %select_n3A_41 : i32 to index
        %parallel_loop3A_188 = arith.index_cast %parallel_loop3A_62 : i32 to index
        %parallel_loop3A_189 = arith.constant 496 : index
        %parallel_loop3A_190 = tpu.vector_load %arg6[%parallel_loop3A_187, %parallel_loop3A_188, %parallel_loop3A_189] {strides = array<i32>} : memref<2x16x512xf32, #tpu.memory_space<vmem>>, vector<16xf32>,
        %parallel_loop3A_191 = arith.constant dense<true> : vector<16xi1>
        %parallel_loop3A_192, %parallel_loop3A_193, %parallel_loop3A_194 = tpu.sort %parallel_loop3A_66, %parallel_loop3A_66 masked %parallel_loop3A_191 : (vector<16xf32>, vector<16xf32>, vector<16xi1>) -> (vector<16xi1>, vector<16xf32>, vector<16xf32>)
        %parallel_loop3A_195 = arith.constant dense<true> : vector<16xi1>
        %parallel_loop3A_196, %parallel_loop3A_197, %parallel_loop3A_198 = tpu.sort %parallel_loop3A_70, %parallel_loop3A_70 masked %parallel_loop3A_195 {descending = true} : (vector<16xf32>, vector<16xf32>, vector<16xi1>) -> (vector<16xi1>, vector<16xf32>, vector<16xf32>)
        %parallel_loop3A_199 = arith.constant dense<true> : vector<16xi1>
        %parallel_loop3A_200, %parallel_loop3A_201, %parallel_loop3A_202 = tpu.sort %parallel_loop3A_74, %parallel_loop3A_74 masked %parallel_loop3A_199 : (vector<16xf32>, vector<16xf32>, vector<16xi1>) -> (vector<16xi1>, vector<16xf32>, vector<16xf32>)
        %parallel_loop3A_203 = arith.constant dense<true> : vector<16xi1>
        %parallel_loop3A_204, %parallel_loop3A_205, %parallel_loop3A_206 = tpu.sort %parallel_loop3A_78, %parallel_loop3A_78 masked %parallel_loop3A_203 {descending = true} : (vector<16xf32>, vector<16xf32>, vector<16xi1>) -> (vector<16xi1>, vector<16xf32>, vector<16xf32>)
        %parallel_loop3A_207 = arith.constant dense<true> : vector<16xi1>
        %parallel_loop3A_208, %parallel_loop3A_209, %parallel_loop3A_210 = tpu.sort %parallel_loop3A_82, %parallel_loop3A_82 masked %parallel_loop3A_207 : (vector<16xf32>, vector<16xf32>, vector<16xi1>) -> (vector<16xi1>, vector<16xf32>, vector<16xf32>)
        %parallel_loop3A_211 = arith.constant dense<true> : vector<16xi1>
        %parallel_loop3A_212, %parallel_loop3A_213, %parallel_loop3A_214 = tpu.sort %parallel_loop3A_86, %parallel_loop3A_86 masked %parallel_loop3A_211 {descending = true} : (vector<16xf32>, vector<16xf32>, vector<16xi1>) -> (vector<16xi1>, vector<16xf32>, vector<16xf32>)
        %parallel_loop3A_215 = arith.constant dense<true> : vector<16xi1>
        %parallel_loop3A_216, %parallel_loop3A_217, %parallel_loop3A_218 = tpu.sort %parallel_loop3A_90, %parallel_loop3A_90 masked %parallel_loop3A_215 : (vector<16xf32>, vector<16xf32>, vector<16xi1>) -> (vector<16xi1>, vector<16xf32>, vector<16xf32>)
        %parallel_loop3A_219 = arith.constant dense<true> : vector<16xi1>
        %parallel_loop3A_220, %parallel_loop3A_221, %parallel_loop3A_222 = tpu.sort %parallel_loop3A_94, %parallel_loop3A_94 masked %parallel_loop3A_219 {descending = true} : (vector<16xf32>, vector<16xf32>, vector<16xi1>) -> (vector<16xi1>, vector<16xf32>, vector<16xf32>)
        %parallel_loop3A_223 = arith.constant dense<true> : vector<16xi1>
        %parallel_loop3A_224, %parallel_loop3A_225, %parallel_loop3A_226 = tpu.sort %parallel_loop3A_98, %parallel_loop3A_98 masked %parallel_loop3A_223 : (vector<16xf32>, vector<16xf32>, vector<16xi1>) -> (vector<16xi1>, vector<16xf32>, vector<16xf32>)
        %parallel_loop3A_227 = arith.constant dense<true> : vector<16xi1>
        %parallel_loop3A_228, %parallel_loop3A_229, %parallel_loop3A_230 = tpu.sort %parallel_loop3A_102, %parallel_loop3A_102 masked %parallel_loop3A_227 {descending = true} : (vector<16xf32>, vector<16xf32>, vector<16xi1>) -> (vector<16xi1>, vector<16xf32>, vector<16xf32>)
        %parallel_loop3A_231 = arith.constant dense<true> : vector<16xi1>
        %parallel_loop3A_232, %parallel_loop3A_233, %parallel_loop3A_234 = tpu.sort %parallel_loop3A_106, %parallel_loop3A_106 masked %parallel_loop3A_231 : (vector<16xf32>, vector<16xf32>, vector<16xi1>) -> (vector<16xi1>, vector<16xf32>, vector<16xf32>)
        %parallel_loop3A_235 = arith.constant dense<true> : vector<16xi1>
        %parallel_loop3A_236, %parallel_loop3A_237, %parallel_loop3A_238 = tpu.sort %parallel_loop3A_110, %parallel_loop3A_110 masked %parallel_loop3A_235 {descending = true} : (vector<16xf32>, vector<16xf32>, vector<16xi1>) -> (vector<16xi1>, vector<16xf32>, vector<16xf32>)
        %parallel_loop3A_239 = arith.constant dense<true> : vector<16xi1>
        %parallel_loop3A_240, %parallel_loop3A_241, %parallel_loop3A_242 = tpu.sort %parallel_loop3A_114, %parallel_loop3A_114 masked %parallel_loop3A_239 : (vector<16xf32>, vector<16xf32>, vector<16xi1>) -> (vector<16xi1>, vector<16xf32>, vector<16xf32>)
        %parallel_loop3A_243 = arith.constant dense<true> : vector<16xi1>
        %parallel_loop3A_244, %parallel_loop3A_245, %parallel_loop3A_246 = tpu.sort %parallel_loop3A_118, %parallel_loop3A_118 masked %parallel_loop3A_243 {descending = true} : (vector<16xf32>, vector<16xf32>, vector<16xi1>) -> (vector<16xi1>, vector<16xf32>, vector<16xf32>)
        %parallel_loop3A_247 = arith.constant dense<true> : vector<16xi1>
        %parallel_loop3A_248, %parallel_loop3A_249, %parallel_loop3A_250 = tpu.sort %parallel_loop3A_122, %parallel_loop3A_122 masked %parallel_loop3A_247 : (vector<16xf32>, vector<16xf32>, vector<16xi1>) -> (vector<16xi1>, vector<16xf32>, vector<16xf32>)
        %parallel_loop3A_251 = arith.constant dense<true> : vector<16xi1>
        %parallel_loop3A_252, %parallel_loop3A_253, %parallel_loop3A_254 = tpu.sort %parallel_loop3A_126, %parallel_loop3A_126 masked %parallel_loop3A_251 {descending = true} : (vector<16xf32>, vector<16xf32>, vector<16xi1>) -> (vector<16xi1>, vector<16xf32>, vector<16xf32>)
        %parallel_loop3A_255 = arith.constant dense<true> : vector<16xi1>
        %parallel_loop3A_256, %parallel_loop3A_257, %parallel_loop3A_258 = tpu.sort %parallel_loop3A_130, %parallel_loop3A_130 masked %parallel_loop3A_255 : (vector<16xf32>, vector<16xf32>, vector<16xi1>) -> (vector<16xi1>, vector<16xf32>, vector<16xf32>)
        %parallel_loop3A_259 = arith.constant dense<true> : vector<16xi1>
        %parallel_loop3A_260, %parallel_loop3A_261, %parallel_loop3A_262 = tpu.sort %parallel_loop3A_134, %parallel_loop3A_134 masked %parallel_loop3A_259 {descending = true} : (vector<16xf32>, vector<16xf32>, vector<16xi1>) -> (vector<16xi1>, vector<16xf32>, vector<16xf32>)
        %parallel_loop3A_263 = arith.constant dense<true> : vector<16xi1>
        %parallel_loop3A_264, %parallel_loop3A_265, %parallel_loop3A_266 = tpu.sort %parallel_loop3A_138, %parallel_loop3A_138 masked %parallel_loop3A_263 : (vector<16xf32>, vector<16xf32>, vector<16xi1>) -> (vector<16xi1>, vector<16xf32>, vector<16xf32>)
        %parallel_loop3A_267 = arith.constant dense<true> : vector<16xi1>
        %parallel_loop3A_268, %parallel_loop3A_269, %parallel_loop3A_270 = tpu.sort %parallel_loop3A_142, %parallel_loop3A_142 masked %parallel_loop3A_267 {descending = true} : (vector<16xf32>, vector<16xf32>, vector<16xi1>) -> (vector<16xi1>, vector<16xf32>, vector<16xf32>)
        %parallel_loop3A_271 = arith.constant dense<true> : vector<16xi1>
        %parallel_loop3A_272, %parallel_loop3A_273, %parallel_loop3A_274 = tpu.sort %parallel_loop3A_146, %parallel_loop3A_146 masked %parallel_loop3A_271 : (vector<16xf32>, vector<16xf32>, vector<16xi1>) -> (vector<16xi1>, vector<16xf32>, vector<16xf32>)
        %parallel_loop3A_275 = arith.constant dense<true> : vector<16xi1>
        %parallel_loop3A_276, %parallel_loop3A_277, %parallel_loop3A_278 = tpu.sort %parallel_loop3A_150, %parallel_loop3A_150 masked %parallel_loop3A_275 {descending = true} : (vector<16xf32>, vector<16xf32>, vector<16xi1>) -> (vector<16xi1>, vector<16xf32>, vector<16xf32>)
        %parallel_loop3A_279 = arith.constant dense<true> : vector<16xi1>
        %parallel_loop3A_280, %parallel_loop3A_281, %parallel_loop3A_282 = tpu.sort %parallel_loop3A_154, %parallel_loop3A_154 masked %parallel_loop3A_279 : (vector<16xf32>, vector<16xf32>, vector<16xi1>) -> (vector<16xi1>, vector<16xf32>, vector<16xf32>)
        %parallel_loop3A_283 = arith.constant dense<true> : vector<16xi1>
        %parallel_loop3A_284, %parallel_loop3A_285, %parallel_loop3A_286 = tpu.sort %parallel_loop3A_158, %parallel_loop3A_158 masked %parallel_loop3A_283 {descending = true} : (vector<16xf32>, vector<16xf32>, vector<16xi1>) -> (vector<16xi1>, vector<16xf32>, vector<16xf32>)
        %parallel_loop3A_287 = arith.constant dense<true> : vector<16xi1>
        %parallel_loop3A_288, %parallel_loop3A_289, %parallel_loop3A_290 = tpu.sort %parallel_loop3A_162, %parallel_loop3A_162 masked %parallel_loop3A_287 : (vector<16xf32>, vector<16xf32>, vector<16xi1>) -> (vector<16xi1>, vector<16xf32>, vector<16xf32>)
        %parallel_loop3A_291 = arith.constant dense<true> : vector<16xi1>
        %parallel_loop3A_292, %parallel_loop3A_293, %parallel_loop3A_294 = tpu.sort %parallel_loop3A_166, %parallel_loop3A_166 masked %parallel_loop3A_291 {descending = true} : (vector<16xf32>, vector<16xf32>, vector<16xi1>) -> (vector<16xi1>, vector<16xf32>, vector<16xf32>)
        %parallel_loop3A_295 = arith.constant dense<true> : vector<16xi1>
        %parallel_loop3A_296, %parallel_loop3A_297, %parallel_loop3A_298 = tpu.sort %parallel_loop3A_170, %parallel_loop3A_170 masked %parallel_loop3A_295 : (vector<16xf32>, vector<16xf32>, vector<16xi1>) -> (vector<16xi1>, vector<16xf32>, vector<16xf32>)
        %parallel_loop3A_299 = arith.constant dense<true> : vector<16xi1>
        %parallel_loop3A_300, %parallel_loop3A_301, %parallel_loop3A_302 = tpu.sort %parallel_loop3A_174, %parallel_loop3A_174 masked %parallel_loop3A_299 {descending = true} : (vector<16xf32>, vector<16xf32>, vector<16xi1>) -> (vector<16xi1>, vector<16xf32>, vector<16xf32>)
        %parallel_loop3A_303 = arith.constant dense<true> : vector<16xi1>
        %parallel_loop3A_304, %parallel_loop3A_305, %parallel_loop3A_306 = tpu.sort %parallel_loop3A_178, %parallel_loop3A_178 masked %parallel_loop3A_303 : (vector<16xf32>, vector<16xf32>, vector<16xi1>) -> (vector<16xi1>, vector<16xf32>, vector<16xf32>)
        %parallel_loop3A_307 = arith.constant dense<true> : vector<16xi1>
        %parallel_loop3A_308, %parallel_loop3A_309, %parallel_loop3A_310 = tpu.sort %parallel_loop3A_182, %parallel_loop3A_182 masked %parallel_loop3A_307 {descending = true} : (vector<16xf32>, vector<16xf32>, vector<16xi1>) -> (vector<16xi1>, vector<16xf32>, vector<16xf32>)
        %parallel_loop3A_311 = arith.constant dense<true> : vector<16xi1>
        %parallel_loop3A_312, %parallel_loop3A_313, %parallel_loop3A_314 = tpu.sort %parallel_loop3A_186, %parallel_loop3A_186 masked %parallel_loop3A_311 : (vector<16xf32>, vector<16xf32>, vector<16xi1>) -> (vector<16xi1>, vector<16xf32>, vector<16xf32>)
        %parallel_loop3A_315 = arith.constant dense<true> : vector<16xi1>
        %parallel_loop3A_316, %parallel_loop3A_317, %parallel_loop3A_318 = tpu.sort %parallel_loop3A_190, %parallel_loop3A_190 masked %parallel_loop3A_315 {descending = true} : (vector<16xf32>, vector<16xf32>, vector<16xi1>) -> (vector<16xi1>, vector<16xf32>, vector<16xf32>)
        %parallel_loop3A_319 = arith.minimumf %parallel_loop3A_193, %parallel_loop3A_197 : vector<16xf32>
        %parallel_loop3A_320 = arith.maximumf %parallel_loop3A_193, %parallel_loop3A_197 : vector<16xf32>
        %parallel_loop3A_321 = arith.minimumf %parallel_loop3A_201, %parallel_loop3A_205 : vector<16xf32>
        %parallel_loop3A_322 = arith.maximumf %parallel_loop3A_201, %parallel_loop3A_205 : vector<16xf32>
        %parallel_loop3A_323 = arith.minimumf %parallel_loop3A_209, %parallel_loop3A_213 : vector<16xf32>
        %parallel_loop3A_324 = arith.maximumf %parallel_loop3A_209, %parallel_loop3A_213 : vector<16xf32>
        %parallel_loop3A_325 = arith.minimumf %parallel_loop3A_217, %parallel_loop3A_221 : vector<16xf32>
        %parallel_loop3A_326 = arith.maximumf %parallel_loop3A_217, %parallel_loop3A_221 : vector<16xf32>
        %parallel_loop3A_327 = arith.minimumf %parallel_loop3A_225, %parallel_loop3A_229 : vector<16xf32>
        %parallel_loop3A_328 = arith.maximumf %parallel_loop3A_225, %parallel_loop3A_229 : vector<16xf32>
        %parallel_loop3A_329 = arith.minimumf %parallel_loop3A_233, %parallel_loop3A_237 : vector<16xf32>
        %parallel_loop3A_330 = arith.maximumf %parallel_loop3A_233, %parallel_loop3A_237 : vector<16xf32>
        %parallel_loop3A_331 = arith.minimumf %parallel_loop3A_241, %parallel_loop3A_245 : vector<16xf32>
        %parallel_loop3A_332 = arith.maximumf %parallel_loop3A_241, %parallel_loop3A_245 : vector<16xf32>
        %parallel_loop3A_333 = arith.minimumf %parallel_loop3A_249, %parallel_loop3A_253 : vector<16xf32>
        %parallel_loop3A_334 = arith.maximumf %parallel_loop3A_249, %parallel_loop3A_253 : vector<16xf32>
        %parallel_loop3A_335 = arith.minimumf %parallel_loop3A_257, %parallel_loop3A_261 : vector<16xf32>
        %parallel_loop3A_336 = arith.maximumf %parallel_loop3A_257, %parallel_loop3A_261 : vector<16xf32>
        %parallel_loop3A_337 = arith.minimumf %parallel_loop3A_265, %parallel_loop3A_269 : vector<16xf32>
        %parallel_loop3A_338 = arith.maximumf %parallel_loop3A_265, %parallel_loop3A_269 : vector<16xf32>
        %parallel_loop3A_339 = arith.minimumf %parallel_loop3A_273, %parallel_loop3A_277 : vector<16xf32>
        %parallel_loop3A_340 = arith.maximumf %parallel_loop3A_273, %parallel_loop3A_277 : vector<16xf32>
        %parallel_loop3A_341 = arith.minimumf %parallel_loop3A_281, %parallel_loop3A_285 : vector<16xf32>
        %parallel_loop3A_342 = arith.maximumf %parallel_loop3A_281, %parallel_loop3A_285 : vector<16xf32>
        %parallel_loop3A_343 = arith.minimumf %parallel_loop3A_289, %parallel_loop3A_293 : vector<16xf32>
        %parallel_loop3A_344 = arith.maximumf %parallel_loop3A_289, %parallel_loop3A_293 : vector<16xf32>
        %parallel_loop3A_345 = arith.minimumf %parallel_loop3A_297, %parallel_loop3A_301 : vector<16xf32>
        %parallel_loop3A_346 = arith.maximumf %parallel_loop3A_297, %parallel_loop3A_301 : vector<16xf32>
        %parallel_loop3A_347 = arith.minimumf %parallel_loop3A_305, %parallel_loop3A_309 : vector<16xf32>
        %parallel_loop3A_348 = arith.maximumf %parallel_loop3A_305, %parallel_loop3A_309 : vector<16xf32>
        %parallel_loop3A_349 = arith.minimumf %parallel_loop3A_313, %parallel_loop3A_317 : vector<16xf32>
        %parallel_loop3A_350 = arith.maximumf %parallel_loop3A_313, %parallel_loop3A_317 : vector<16xf32>
        %parallel_loop3A_351 = arith.constant dense<true> : vector<16xi1>
        %parallel_loop3A_352, %parallel_loop3A_353, %parallel_loop3A_354 = tpu.sort %parallel_loop3A_319, %parallel_loop3A_319 masked %parallel_loop3A_351 : (vector<16xf32>, vector<16xf32>, vector<16xi1>) -> (vector<16xi1>, vector<16xf32>, vector<16xf32>)
        %parallel_loop3A_355 = arith.constant dense<true> : vector<16xi1>
        %parallel_loop3A_356, %parallel_loop3A_357, %parallel_loop3A_358 = tpu.sort %parallel_loop3A_320, %parallel_loop3A_320 masked %parallel_loop3A_355 : (vector<16xf32>, vector<16xf32>, vector<16xi1>) -> (vector<16xi1>, vector<16xf32>, vector<16xf32>)
        %parallel_loop3A_359 = arith.constant dense<true> : vector<16xi1>
        %parallel_loop3A_360, %parallel_loop3A_361, %parallel_loop3A_362 = tpu.sort %parallel_loop3A_322, %parallel_loop3A_322 masked %parallel_loop3A_359 {descending = true} : (vector<16xf32>, vector<16xf32>, vector<16xi1>) -> (vector<16xi1>, vector<16xf32>, vector<16xf32>)
        %parallel_loop3A_363 = arith.constant dense<true> : vector<16xi1>
        %parallel_loop3A_364, %parallel_loop3A_365, %parallel_loop3A_366 = tpu.sort %parallel_loop3A_321, %parallel_loop3A_321 masked %parallel_loop3A_363 {descending = true} : (vector<16xf32>, vector<16xf32>, vector<16xi1>) -> (vector<16xi1>, vector<16xf32>, vector<16xf32>)
        %parallel_loop3A_367 = arith.constant dense<true> : vector<16xi1>
        %parallel_loop3A_368, %parallel_loop3A_369, %parallel_loop3A_370 = tpu.sort %parallel_loop3A_323, %parallel_loop3A_323 masked %parallel_loop3A_367 : (vector<16xf32>, vector<16xf32>, vector<16xi1>) -> (vector<16xi1>, vector<16xf32>, vector<16xf32>)
        %parallel_loop3A_371 = arith.constant dense<true> : vector<16xi1>
        %parallel_loop3A_372, %parallel_loop3A_373, %parallel_loop3A_374 = tpu.sort %parallel_loop3A_324, %parallel_loop3A_324 masked %parallel_loop3A_371 : (vector<16xf32>, vector<16xf32>, vector<16xi1>) -> (vector<16xi1>, vector<16xf32>, vector<16xf32>)
        %parallel_loop3A_375 = arith.constant dense<true> : vector<16xi1>
        %parallel_loop3A_376, %parallel_loop3A_377, %parallel_loop3A_378 = tpu.sort %parallel_loop3A_326, %parallel_loop3A_326 masked %parallel_loop3A_375 {descending = true} : (vector<16xf32>, vector<16xf32>, vector<16xi1>) -> (vector<16xi1>, vector<16xf32>, vector<16xf32>)
        %parallel_loop3A_379 = arith.constant dense<true> : vector<16xi1>
        %parallel_loop3A_380, %parallel_loop3A_381, %parallel_loop3A_382 = tpu.sort %parallel_loop3A_325, %parallel_loop3A_325 masked %parallel_loop3A_379 {descending = true} : (vector<16xf32>, vector<16xf32>, vector<16xi1>) -> (vector<16xi1>, vector<16xf32>, vector<16xf32>)
        %parallel_loop3A_383 = arith.constant dense<true> : vector<16xi1>
        %parallel_loop3A_384, %parallel_loop3A_385, %parallel_loop3A_386 = tpu.sort %parallel_loop3A_327, %parallel_loop3A_327 masked %parallel_loop3A_383 : (vector<16xf32>, vector<16xf32>, vector<16xi1>) -> (vector<16xi1>, vector<16xf32>, vector<16xf32>)
        %parallel_loop3A_387 = arith.constant dense<true> : vector<16xi1>
        %parallel_loop3A_388, %parallel_loop3A_389, %parallel_loop3A_390 = tpu.sort %parallel_loop3A_328, %parallel_loop3A_328 masked %parallel_loop3A_387 : (vector<16xf32>, vector<16xf32>, vector<16xi1>) -> (vector<16xi1>, vector<16xf32>, vector<16xf32>)
        %parallel_loop3A_391 = arith.constant dense<true> : vector<16xi1>
        %parallel_loop3A_392, %parallel_loop3A_393, %parallel_loop3A_394 = tpu.sort %parallel_loop3A_330, %parallel_loop3A_330 masked %parallel_loop3A_391 {descending = true} : (vector<16xf32>, vector<16xf32>, vector<16xi1>) -> (vector<16xi1>, vector<16xf32>, vector<16xf32>)
        %parallel_loop3A_395 = arith.constant dense<true> : vector<16xi1>
        %parallel_loop3A_396, %parallel_loop3A_397, %parallel_loop3A_398 = tpu.sort %parallel_loop3A_329, %parallel_loop3A_329 masked %parallel_loop3A_395 {descending = true} : (vector<16xf32>, vector<16xf32>, vector<16xi1>) -> (vector<16xi1>, vector<16xf32>, vector<16xf32>)
        %parallel_loop3A_399 = arith.constant dense<true> : vector<16xi1>
        %parallel_loop3A_400, %parallel_loop3A_401, %parallel_loop3A_402 = tpu.sort %parallel_loop3A_331, %parallel_loop3A_331 masked %parallel_loop3A_399 : (vector<16xf32>, vector<16xf32>, vector<16xi1>) -> (vector<16xi1>, vector<16xf32>, vector<16xf32>)
        %parallel_loop3A_403 = arith.constant dense<true> : vector<16xi1>
        %parallel_loop3A_404, %parallel_loop3A_405, %parallel_loop3A_406 = tpu.sort %parallel_loop3A_332, %parallel_loop3A_332 masked %parallel_loop3A_403 : (vector<16xf32>, vector<16xf32>, vector<16xi1>) -> (vector<16xi1>, vector<16xf32>, vector<16xf32>)
        %parallel_loop3A_407 = arith.constant dense<true> : vector<16xi1>
        %parallel_loop3A_408, %parallel_loop3A_409, %parallel_loop3A_410 = tpu.sort %parallel_loop3A_334, %parallel_loop3A_334 masked %parallel_loop3A_407 {descending = true} : (vector<16xf32>, vector<16xf32>, vector<16xi1>) -> (vector<16xi1>, vector<16xf32>, vector<16xf32>)
        %parallel_loop3A_411 = arith.constant dense<true> : vector<16xi1>
        %parallel_loop3A_412, %parallel_loop3A_413, %parallel_loop3A_414 = tpu.sort %parallel_loop3A_333, %parallel_loop3A_333 masked %parallel_loop3A_411 {descending = true} : (vector<16xf32>, vector<16xf32>, vector<16xi1>) -> (vector<16xi1>, vector<16xf32>, vector<16xf32>)
        %parallel_loop3A_415 = arith.constant dense<true> : vector<16xi1>
        %parallel_loop3A_416, %parallel_loop3A_417, %parallel_loop3A_418 = tpu.sort %parallel_loop3A_335, %parallel_loop3A_335 masked %parallel_loop3A_415 : (vector<16xf32>, vector<16xf32>, vector<16xi1>) -> (vector<16xi1>, vector<16xf32>, vector<16xf32>)
        %parallel_loop3A_419 = arith.constant dense<true> : vector<16xi1>
        %parallel_loop3A_420, %parallel_loop3A_421, %parallel_loop3A_422 = tpu.sort %parallel_loop3A_336, %parallel_loop3A_336 masked %parallel_loop3A_419 : (vector<16xf32>, vector<16xf32>, vector<16xi1>) -> (vector<16xi1>, vector<16xf32>, vector<16xf32>)
        %parallel_loop3A_423 = arith.constant dense<true> : vector<16xi1>
        %parallel_loop3A_424, %parallel_loop3A_425, %parallel_loop3A_426 = tpu.sort %parallel_loop3A_338, %parallel_loop3A_338 masked %parallel_loop3A_423 {descending = true} : (vector<16xf32>, vector<16xf32>, vector<16xi1>) -> (vector<16xi1>, vector<16xf32>, vector<16xf32>)
        %parallel_loop3A_427 = arith.constant dense<true> : vector<16xi1>
        %parallel_loop3A_428, %parallel_loop3A_429, %parallel_loop3A_430 = tpu.sort %parallel_loop3A_337, %parallel_loop3A_337 masked %parallel_loop3A_427 {descending = true} : (vector<16xf32>, vector<16xf32>, vector<16xi1>) -> (vector<16xi1>, vector<16xf32>, vector<16xf32>)
        %parallel_loop3A_431 = arith.constant dense<true> : vector<16xi1>
        %parallel_loop3A_432, %parallel_loop3A_433, %parallel_loop3A_434 = tpu.sort %parallel_loop3A_339, %parallel_loop3A_339 masked %parallel_loop3A_431 : (vector<16xf32>, vector<16xf32>, vector<16xi1>) -> (vector<16xi1>, vector<16xf32>, vector<16xf32>)
        %parallel_loop3A_435 = arith.constant dense<true> : vector<16xi1>
        %parallel_loop3A_436, %parallel_loop3A_437, %parallel_loop3A_438 = tpu.sort %parallel_loop3A_340, %parallel_loop3A_340 masked %parallel_loop3A_435 : (vector<16xf32>, vector<16xf32>, vector<16xi1>) -> (vector<16xi1>, vector<16xf32>, vector<16xf32>)
        %parallel_loop3A_439 = arith.constant dense<true> : vector<16xi1>
        %parallel_loop3A_440, %parallel_loop3A_441, %parallel_loop3A_442 = tpu.sort %parallel_loop3A_342, %parallel_loop3A_342 masked %parallel_loop3A_439 {descending = true} : (vector<16xf32>, vector<16xf32>, vector<16xi1>) -> (vector<16xi1>, vector<16xf32>, vector<16xf32>)
        %parallel_loop3A_443 = arith.constant dense<true> : vector<16xi1>
        %parallel_loop3A_444, %parallel_loop3A_445, %parallel_loop3A_446 = tpu.sort %parallel_loop3A_341, %parallel_loop3A_341 masked %parallel_loop3A_443 {descending = true} : (vector<16xf32>, vector<16xf32>, vector<16xi1>) -> (vector<16xi1>, vector<16xf32>, vector<16xf32>)
        %parallel_loop3A_447 = arith.constant dense<true> : vector<16xi1>
        %parallel_loop3A_448, %parallel_loop3A_449, %parallel_loop3A_450 = tpu.sort %parallel_loop3A_343, %parallel_loop3A_343 masked %parallel_loop3A_447 : (vector<16xf32>, vector<16xf32>, vector<16xi1>) -> (vector<16xi1>, vector<16xf32>, vector<16xf32>)
        %parallel_loop3A_451 = arith.constant dense<true> : vector<16xi1>
        %parallel_loop3A_452, %parallel_loop3A_453, %parallel_loop3A_454 = tpu.sort %parallel_loop3A_344, %parallel_loop3A_344 masked %parallel_loop3A_451 : (vector<16xf32>, vector<16xf32>, vector<16xi1>) -> (vector<16xi1>, vector<16xf32>, vector<16xf32>)
        %parallel_loop3A_455 = arith.constant dense<true> : vector<16xi1>
        %parallel_loop3A_456, %parallel_loop3A_457, %parallel_loop3A_458 = tpu.sort %parallel_loop3A_346, %parallel_loop3A_346 masked %parallel_loop3A_455 {descending = true} : (vector<16xf32>, vector<16xf32>, vector<16xi1>) -> (vector<16xi1>, vector<16xf32>, vector<16xf32>)
        %parallel_loop3A_459 = arith.constant dense<true> : vector<16xi1>
        %parallel_loop3A_460, %parallel_loop3A_461, %parallel_loop3A_462 = tpu.sort %parallel_loop3A_345, %parallel_loop3A_345 masked %parallel_loop3A_459 {descending = true} : (vector<16xf32>, vector<16xf32>, vector<16xi1>) -> (vector<16xi1>, vector<16xf32>, vector<16xf32>)
        %parallel_loop3A_463 = arith.constant dense<true> : vector<16xi1>
        %parallel_loop3A_464, %parallel_loop3A_465, %parallel_loop3A_466 = tpu.sort %parallel_loop3A_347, %parallel_loop3A_347 masked %parallel_loop3A_463 : (vector<16xf32>, vector<16xf32>, vector<16xi1>) -> (vector<16xi1>, vector<16xf32>, vector<16xf32>)
        %parallel_loop3A_467 = arith.constant dense<true> : vector<16xi1>
        %parallel_loop3A_468, %parallel_loop3A_469, %parallel_loop3A_470 = tpu.sort %parallel_loop3A_348, %parallel_loop3A_348 masked %parallel_loop3A_467 : (vector<16xf32>, vector<16xf32>, vector<16xi1>) -> (vector<16xi1>, vector<16xf32>, vector<16xf32>)
        %parallel_loop3A_471 = arith.constant dense<true> : vector<16xi1>
        %parallel_loop3A_472, %parallel_loop3A_473, %parallel_loop3A_474 = tpu.sort %parallel_loop3A_350, %parallel_loop3A_350 masked %parallel_loop3A_471 {descending = true} : (vector<16xf32>, vector<16xf32>, vector<16xi1>) -> (vector<16xi1>, vector<16xf32>, vector<16xf32>)
        %parallel_loop3A_475 = arith.constant dense<true> : vector<16xi1>
        %parallel_loop3A_476, %parallel_loop3A_477, %parallel_loop3A_478 = tpu.sort %parallel_loop3A_349, %parallel_loop3A_349 masked %parallel_loop3A_475 {descending = true} : (vector<16xf32>, vector<16xf32>, vector<16xi1>) -> (vector<16xi1>, vector<16xf32>, vector<16xf32>)
        %parallel_loop3A_479 = arith.minimumf %parallel_loop3A_353, %parallel_loop3A_361 : vector<16xf32>
        %parallel_loop3A_480 = arith.maximumf %parallel_loop3A_353, %parallel_loop3A_361 : vector<16xf32>
        %parallel_loop3A_481 = arith.minimumf %parallel_loop3A_357, %parallel_loop3A_365 : vector<16xf32>
        %parallel_loop3A_482 = arith.maximumf %parallel_loop3A_357, %parallel_loop3A_365 : vector<16xf32>
        %parallel_loop3A_483 = arith.minimumf %parallel_loop3A_369, %parallel_loop3A_377 : vector<16xf32>
        %parallel_loop3A_484 = arith.maximumf %parallel_loop3A_369, %parallel_loop3A_377 : vector<16xf32>
        %parallel_loop3A_485 = arith.minimumf %parallel_loop3A_373, %parallel_loop3A_381 : vector<16xf32>
        %parallel_loop3A_486 = arith.maximumf %parallel_loop3A_373, %parallel_loop3A_381 : vector<16xf32>
        %parallel_loop3A_487 = arith.minimumf %parallel_loop3A_385, %parallel_loop3A_393 : vector<16xf32>
        %parallel_loop3A_488 = arith.maximumf %parallel_loop3A_385, %parallel_loop3A_393 : vector<16xf32>
        %parallel_loop3A_489 = arith.minimumf %parallel_loop3A_389, %parallel_loop3A_397 : vector<16xf32>
        %parallel_loop3A_490 = arith.maximumf %parallel_loop3A_389, %parallel_loop3A_397 : vector<16xf32>
        %parallel_loop3A_491 = arith.minimumf %parallel_loop3A_401, %parallel_loop3A_409 : vector<16xf32>
        %parallel_loop3A_492 = arith.maximumf %parallel_loop3A_401, %parallel_loop3A_409 : vector<16xf32>
        %parallel_loop3A_493 = arith.minimumf %parallel_loop3A_405, %parallel_loop3A_413 : vector<16xf32>
        %parallel_loop3A_494 = arith.maximumf %parallel_loop3A_405, %parallel_loop3A_413 : vector<16xf32>
        %parallel_loop3A_495 = arith.minimumf %parallel_loop3A_417, %parallel_loop3A_425 : vector<16xf32>
        %parallel_loop3A_496 = arith.maximumf %parallel_loop3A_417, %parallel_loop3A_425 : vector<16xf32>
        %parallel_loop3A_497 = arith.minimumf %parallel_loop3A_421, %parallel_loop3A_429 : vector<16xf32>
        %parallel_loop3A_498 = arith.maximumf %parallel_loop3A_421, %parallel_loop3A_429 : vector<16xf32>
        %parallel_loop3A_499 = arith.minimumf %parallel_loop3A_433, %parallel_loop3A_441 : vector<16xf32>
        %parallel_loop3A_500 = arith.maximumf %parallel_loop3A_433, %parallel_loop3A_441 : vector<16xf32>
        %parallel_loop3A_501 = arith.minimumf %parallel_loop3A_437, %parallel_loop3A_445 : vector<16xf32>
        %parallel_loop3A_502 = arith.maximumf %parallel_loop3A_437, %parallel_loop3A_445 : vector<16xf32>
        %parallel_loop3A_503 = arith.minimumf %parallel_loop3A_449, %parallel_loop3A_457 : vector<16xf32>
        %parallel_loop3A_504 = arith.maximumf %parallel_loop3A_449, %parallel_loop3A_457 : vector<16xf32>
        %parallel_loop3A_505 = arith.minimumf %parallel_loop3A_453, %parallel_loop3A_461 : vector<16xf32>
        %parallel_loop3A_506 = arith.maximumf %parallel_loop3A_453, %parallel_loop3A_461 : vector<16xf32>
        %parallel_loop3A_507 = arith.minimumf %parallel_loop3A_465, %parallel_loop3A_473 : vector<16xf32>
        %parallel_loop3A_508 = arith.maximumf %parallel_loop3A_465, %parallel_loop3A_473 : vector<16xf32>
        %parallel_loop3A_509 = arith.minimumf %parallel_loop3A_469, %parallel_loop3A_477 : vector<16xf32>
        %parallel_loop3A_510 = arith.maximumf %parallel_loop3A_469, %parallel_loop3A_477 : vector<16xf32>
        %parallel_loop3A_511 = arith.minimumf %parallel_loop3A_479, %parallel_loop3A_481 : vector<16xf32>
        %parallel_loop3A_512 = arith.maximumf %parallel_loop3A_479, %parallel_loop3A_481 : vector<16xf32>
        %parallel_loop3A_513 = arith.minimumf %parallel_loop3A_480, %parallel_loop3A_482 : vector<16xf32>
        %parallel_loop3A_514 = arith.maximumf %parallel_loop3A_480, %parallel_loop3A_482 : vector<16xf32>
        %parallel_loop3A_515 = arith.minimumf %parallel_loop3A_484, %parallel_loop3A_486 : vector<16xf32>
        %parallel_loop3A_516 = arith.maximumf %parallel_loop3A_484, %parallel_loop3A_486 : vector<16xf32>
        %parallel_loop3A_517 = arith.minimumf %parallel_loop3A_483, %parallel_loop3A_485 : vector<16xf32>
        %parallel_loop3A_518 = arith.maximumf %parallel_loop3A_483, %parallel_loop3A_485 : vector<16xf32>
        %parallel_loop3A_519 = arith.minimumf %parallel_loop3A_487, %parallel_loop3A_489 : vector<16xf32>
        %parallel_loop3A_520 = arith.maximumf %parallel_loop3A_487, %parallel_loop3A_489 : vector<16xf32>
        %parallel_loop3A_521 = arith.minimumf %parallel_loop3A_488, %parallel_loop3A_490 : vector<16xf32>
        %parallel_loop3A_522 = arith.maximumf %parallel_loop3A_488, %parallel_loop3A_490 : vector<16xf32>
        %parallel_loop3A_523 = arith.minimumf %parallel_loop3A_492, %parallel_loop3A_494 : vector<16xf32>
        %parallel_loop3A_524 = arith.maximumf %parallel_loop3A_492, %parallel_loop3A_494 : vector<16xf32>
        %parallel_loop3A_525 = arith.minimumf %parallel_loop3A_491, %parallel_loop3A_493 : vector<16xf32>
        %parallel_loop3A_526 = arith.maximumf %parallel_loop3A_491, %parallel_loop3A_493 : vector<16xf32>
        %parallel_loop3A_527 = arith.minimumf %parallel_loop3A_495, %parallel_loop3A_497 : vector<16xf32>
        %parallel_loop3A_528 = arith.maximumf %parallel_loop3A_495, %parallel_loop3A_497 : vector<16xf32>
        %parallel_loop3A_529 = arith.minimumf %parallel_loop3A_496, %parallel_loop3A_498 : vector<16xf32>
        %parallel_loop3A_530 = arith.maximumf %parallel_loop3A_496, %parallel_loop3A_498 : vector<16xf32>
        %parallel_loop3A_531 = arith.minimumf %parallel_loop3A_500, %parallel_loop3A_502 : vector<16xf32>
        %parallel_loop3A_532 = arith.maximumf %parallel_loop3A_500, %parallel_loop3A_502 : vector<16xf32>
        %parallel_loop3A_533 = arith.minimumf %parallel_loop3A_499, %parallel_loop3A_501 : vector<16xf32>
        %parallel_loop3A_534 = arith.maximumf %parallel_loop3A_499, %parallel_loop3A_501 : vector<16xf32>
        %parallel_loop3A_535 = arith.minimumf %parallel_loop3A_503, %parallel_loop3A_505 : vector<16xf32>
        %parallel_loop3A_536 = arith.maximumf %parallel_loop3A_503, %parallel_loop3A_505 : vector<16xf32>
        %parallel_loop3A_537 = arith.minimumf %parallel_loop3A_504, %parallel_loop3A_506 : vector<16xf32>
        %parallel_loop3A_538 = arith.maximumf %parallel_loop3A_504, %parallel_loop3A_506 : vector<16xf32>
        %parallel_loop3A_539 = arith.minimumf %parallel_loop3A_508, %parallel_loop3A_510 : vector<16xf32>
        %parallel_loop3A_540 = arith.maximumf %parallel_loop3A_508, %parallel_loop3A_510 : vector<16xf32>
        %parallel_loop3A_541 = arith.minimumf %parallel_loop3A_507, %parallel_loop3A_509 : vector<16xf32>
        %parallel_loop3A_542 = arith.maximumf %parallel_loop3A_507, %parallel_loop3A_509 : vector<16xf32>
        %parallel_loop3A_543 = arith.constant dense<true> : vector<16xi1>
        %parallel_loop3A_544, %parallel_loop3A_545, %parallel_loop3A_546 = tpu.sort %parallel_loop3A_511, %parallel_loop3A_511 masked %parallel_loop3A_543 : (vector<16xf32>, vector<16xf32>, vector<16xi1>) -> (vector<16xi1>, vector<16xf32>, vector<16xf32>)
        %parallel_loop3A_547 = arith.constant dense<true> : vector<16xi1>
        %parallel_loop3A_548, %parallel_loop3A_549, %parallel_loop3A_550 = tpu.sort %parallel_loop3A_512, %parallel_loop3A_512 masked %parallel_loop3A_547 : (vector<16xf32>, vector<16xf32>, vector<16xi1>) -> (vector<16xi1>, vector<16xf32>, vector<16xf32>)
        %parallel_loop3A_551 = arith.constant dense<true> : vector<16xi1>
        %parallel_loop3A_552, %parallel_loop3A_553, %parallel_loop3A_554 = tpu.sort %parallel_loop3A_513, %parallel_loop3A_513 masked %parallel_loop3A_551 : (vector<16xf32>, vector<16xf32>, vector<16xi1>) -> (vector<16xi1>, vector<16xf32>, vector<16xf32>)
        %parallel_loop3A_555 = arith.constant dense<true> : vector<16xi1>
        %parallel_loop3A_556, %parallel_loop3A_557, %parallel_loop3A_558 = tpu.sort %parallel_loop3A_514, %parallel_loop3A_514 masked %parallel_loop3A_555 : (vector<16xf32>, vector<16xf32>, vector<16xi1>) -> (vector<16xi1>, vector<16xf32>, vector<16xf32>)
        %parallel_loop3A_559 = arith.constant dense<true> : vector<16xi1>
        %parallel_loop3A_560, %parallel_loop3A_561, %parallel_loop3A_562 = tpu.sort %parallel_loop3A_516, %parallel_loop3A_516 masked %parallel_loop3A_559 {descending = true} : (vector<16xf32>, vector<16xf32>, vector<16xi1>) -> (vector<16xi1>, vector<16xf32>, vector<16xf32>)
        %parallel_loop3A_563 = arith.constant dense<true> : vector<16xi1>
        %parallel_loop3A_564, %parallel_loop3A_565, %parallel_loop3A_566 = tpu.sort %parallel_loop3A_515, %parallel_loop3A_515 masked %parallel_loop3A_563 {descending = true} : (vector<16xf32>, vector<16xf32>, vector<16xi1>) -> (vector<16xi1>, vector<16xf32>, vector<16xf32>)
        %parallel_loop3A_567 = arith.constant dense<true> : vector<16xi1>
        %parallel_loop3A_568, %parallel_loop3A_569, %parallel_loop3A_570 = tpu.sort %parallel_loop3A_518, %parallel_loop3A_518 masked %parallel_loop3A_567 {descending = true} : (vector<16xf32>, vector<16xf32>, vector<16xi1>) -> (vector<16xi1>, vector<16xf32>, vector<16xf32>)
        %parallel_loop3A_571 = arith.constant dense<true> : vector<16xi1>
        %parallel_loop3A_572, %parallel_loop3A_573, %parallel_loop3A_574 = tpu.sort %parallel_loop3A_517, %parallel_loop3A_517 masked %parallel_loop3A_571 {descending = true} : (vector<16xf32>, vector<16xf32>, vector<16xi1>) -> (vector<16xi1>, vector<16xf32>, vector<16xf32>)
        %parallel_loop3A_575 = arith.constant dense<true> : vector<16xi1>
        %parallel_loop3A_576, %parallel_loop3A_577, %parallel_loop3A_578 = tpu.sort %parallel_loop3A_519, %parallel_loop3A_519 masked %parallel_loop3A_575 : (vector<16xf32>, vector<16xf32>, vector<16xi1>) -> (vector<16xi1>, vector<16xf32>, vector<16xf32>)
        %parallel_loop3A_579 = arith.constant dense<true> : vector<16xi1>
        %parallel_loop3A_580, %parallel_loop3A_581, %parallel_loop3A_582 = tpu.sort %parallel_loop3A_520, %parallel_loop3A_520 masked %parallel_loop3A_579 : (vector<16xf32>, vector<16xf32>, vector<16xi1>) -> (vector<16xi1>, vector<16xf32>, vector<16xf32>)
        %parallel_loop3A_583 = arith.constant dense<true> : vector<16xi1>
        %parallel_loop3A_584, %parallel_loop3A_585, %parallel_loop3A_586 = tpu.sort %parallel_loop3A_521, %parallel_loop3A_521 masked %parallel_loop3A_583 : (vector<16xf32>, vector<16xf32>, vector<16xi1>) -> (vector<16xi1>, vector<16xf32>, vector<16xf32>)
        %parallel_loop3A_587 = arith.constant dense<true> : vector<16xi1>
        %parallel_loop3A_588, %parallel_loop3A_589, %parallel_loop3A_590 = tpu.sort %parallel_loop3A_522, %parallel_loop3A_522 masked %parallel_loop3A_587 : (vector<16xf32>, vector<16xf32>, vector<16xi1>) -> (vector<16xi1>, vector<16xf32>, vector<16xf32>)
        %parallel_loop3A_591 = arith.constant dense<true> : vector<16xi1>
        %parallel_loop3A_592, %parallel_loop3A_593, %parallel_loop3A_594 = tpu.sort %parallel_loop3A_524, %parallel_loop3A_524 masked %parallel_loop3A_591 {descending = true} : (vector<16xf32>, vector<16xf32>, vector<16xi1>) -> (vector<16xi1>, vector<16xf32>, vector<16xf32>)
        %parallel_loop3A_595 = arith.constant dense<true> : vector<16xi1>
        %parallel_loop3A_596, %parallel_loop3A_597, %parallel_loop3A_598 = tpu.sort %parallel_loop3A_523, %parallel_loop3A_523 masked %parallel_loop3A_595 {descending = true} : (vector<16xf32>, vector<16xf32>, vector<16xi1>) -> (vector<16xi1>, vector<16xf32>, vector<16xf32>)
        %parallel_loop3A_599 = arith.constant dense<true> : vector<16xi1>
        %parallel_loop3A_600, %parallel_loop3A_601, %parallel_loop3A_602 = tpu.sort %parallel_loop3A_526, %parallel_loop3A_526 masked %parallel_loop3A_599 {descending = true} : (vector<16xf32>, vector<16xf32>, vector<16xi1>) -> (vector<16xi1>, vector<16xf32>, vector<16xf32>)
        %parallel_loop3A_603 = arith.constant dense<true> : vector<16xi1>
        %parallel_loop3A_604, %parallel_loop3A_605, %parallel_loop3A_606 = tpu.sort %parallel_loop3A_525, %parallel_loop3A_525 masked %parallel_loop3A_603 {descending = true} : (vector<16xf32>, vector<16xf32>, vector<16xi1>) -> (vector<16xi1>, vector<16xf32>, vector<16xf32>)
        %parallel_loop3A_607 = arith.constant dense<true> : vector<16xi1>
        %parallel_loop3A_608, %parallel_loop3A_609, %parallel_loop3A_610 = tpu.sort %parallel_loop3A_527, %parallel_loop3A_527 masked %parallel_loop3A_607 : (vector<16xf32>, vector<16xf32>, vector<16xi1>) -> (vector<16xi1>, vector<16xf32>, vector<16xf32>)
        %parallel_loop3A_611 = arith.constant dense<true> : vector<16xi1>
        %parallel_loop3A_612, %parallel_loop3A_613, %parallel_loop3A_614 = tpu.sort %parallel_loop3A_528, %parallel_loop3A_528 masked %parallel_loop3A_611 : (vector<16xf32>, vector<16xf32>, vector<16xi1>) -> (vector<16xi1>, vector<16xf32>, vector<16xf32>)
        %parallel_loop3A_615 = arith.constant dense<true> : vector<16xi1>
        %parallel_loop3A_616, %parallel_loop3A_617, %parallel_loop3A_618 = tpu.sort %parallel_loop3A_529, %parallel_loop3A_529 masked %parallel_loop3A_615 : (vector<16xf32>, vector<16xf32>, vector<16xi1>) -> (vector<16xi1>, vector<16xf32>, vector<16xf32>)
        %parallel_loop3A_619 = arith.constant dense<true> : vector<16xi1>
        %parallel_loop3A_620, %parallel_loop3A_621, %parallel_loop3A_622 = tpu.sort %parallel_loop3A_530, %parallel_loop3A_530 masked %parallel_loop3A_619 : (vector<16xf32>, vector<16xf32>, vector<16xi1>) -> (vector<16xi1>, vector<16xf32>, vector<16xf32>)
        %parallel_loop3A_623 = arith.constant dense<true> : vector<16xi1>
        %parallel_loop3A_624, %parallel_loop3A_625, %parallel_loop3A_626 = tpu.sort %parallel_loop3A_532, %parallel_loop3A_532 masked %parallel_loop3A_623 {descending = true} : (vector<16xf32>, vector<16xf32>, vector<16xi1>) -> (vector<16xi1>, vector<16xf32>, vector<16xf32>)
        %parallel_loop3A_627 = arith.constant dense<true> : vector<16xi1>
        %parallel_loop3A_628, %parallel_loop3A_629, %parallel_loop3A_630 = tpu.sort %parallel_loop3A_531, %parallel_loop3A_531 masked %parallel_loop3A_627 {descending = true} : (vector<16xf32>, vector<16xf32>, vector<16xi1>) -> (vector<16xi1>, vector<16xf32>, vector<16xf32>)
        %parallel_loop3A_631 = arith.constant dense<true> : vector<16xi1>
        %parallel_loop3A_632, %parallel_loop3A_633, %parallel_loop3A_634 = tpu.sort %parallel_loop3A_534, %parallel_loop3A_534 masked %parallel_loop3A_631 {descending = true} : (vector<16xf32>, vector<16xf32>, vector<16xi1>) -> (vector<16xi1>, vector<16xf32>, vector<16xf32>)
        %parallel_loop3A_635 = arith.constant dense<true> : vector<16xi1>
        %parallel_loop3A_636, %parallel_loop3A_637, %parallel_loop3A_638 = tpu.sort %parallel_loop3A_533, %parallel_loop3A_533 masked %parallel_loop3A_635 {descending = true} : (vector<16xf32>, vector<16xf32>, vector<16xi1>) -> (vector<16xi1>, vector<16xf32>, vector<16xf32>)
        %parallel_loop3A_639 = arith.constant dense<true> : vector<16xi1>
        %parallel_loop3A_640, %parallel_loop3A_641, %parallel_loop3A_642 = tpu.sort %parallel_loop3A_535, %parallel_loop3A_535 masked %parallel_loop3A_639 : (vector<16xf32>, vector<16xf32>, vector<16xi1>) -> (vector<16xi1>, vector<16xf32>, vector<16xf32>)
        %parallel_loop3A_643 = arith.constant dense<true> : vector<16xi1>
        %parallel_loop3A_644, %parallel_loop3A_645, %parallel_loop3A_646 = tpu.sort %parallel_loop3A_536, %parallel_loop3A_536 masked %parallel_loop3A_643 : (vector<16xf32>, vector<16xf32>, vector<16xi1>) -> (vector<16xi1>, vector<16xf32>, vector<16xf32>)
        %parallel_loop3A_647 = arith.constant dense<true> : vector<16xi1>
        %parallel_loop3A_648, %parallel_loop3A_649, %parallel_loop3A_650 = tpu.sort %parallel_loop3A_537, %parallel_loop3A_537 masked %parallel_loop3A_647 : (vector<16xf32>, vector<16xf32>, vector<16xi1>) -> (vector<16xi1>, vector<16xf32>, vector<16xf32>)
        %parallel_loop3A_651 = arith.constant dense<true> : vector<16xi1>
        %parallel_loop3A_652, %parallel_loop3A_653, %parallel_loop3A_654 = tpu.sort %parallel_loop3A_538, %parallel_loop3A_538 masked %parallel_loop3A_651 : (vector<16xf32>, vector<16xf32>, vector<16xi1>) -> (vector<16xi1>, vector<16xf32>, vector<16xf32>)
        %parallel_loop3A_655 = arith.constant dense<true> : vector<16xi1>
        %parallel_loop3A_656, %parallel_loop3A_657, %parallel_loop3A_658 = tpu.sort %parallel_loop3A_540, %parallel_loop3A_540 masked %parallel_loop3A_655 {descending = true} : (vector<16xf32>, vector<16xf32>, vector<16xi1>) -> (vector<16xi1>, vector<16xf32>, vector<16xf32>)
        %parallel_loop3A_659 = arith.constant dense<true> : vector<16xi1>
        %parallel_loop3A_660, %parallel_loop3A_661, %parallel_loop3A_662 = tpu.sort %parallel_loop3A_539, %parallel_loop3A_539 masked %parallel_loop3A_659 {descending = true} : (vector<16xf32>, vector<16xf32>, vector<16xi1>) -> (vector<16xi1>, vector<16xf32>, vector<16xf32>)
        %parallel_loop3A_663 = arith.constant dense<true> : vector<16xi1>
        %parallel_loop3A_664, %parallel_loop3A_665, %parallel_loop3A_666 = tpu.sort %parallel_loop3A_542, %parallel_loop3A_542 masked %parallel_loop3A_663 {descending = true} : (vector<16xf32>, vector<16xf32>, vector<16xi1>) -> (vector<16xi1>, vector<16xf32>, vector<16xf32>)
        %parallel_loop3A_667 = arith.constant dense<true> : vector<16xi1>
        %parallel_loop3A_668, %parallel_loop3A_669, %parallel_loop3A_670 = tpu.sort %parallel_loop3A_541, %parallel_loop3A_541 masked %parallel_loop3A_667 {descending = true} : (vector<16xf32>, vector<16xf32>, vector<16xi1>) -> (vector<16xi1>, vector<16xf32>, vector<16xf32>)
        %parallel_loop3A_671 = arith.minimumf %parallel_loop3A_545, %parallel_loop3A_561 : vector<16xf32>
        %parallel_loop3A_672 = arith.maximumf %parallel_loop3A_545, %parallel_loop3A_561 : vector<16xf32>
        %parallel_loop3A_673 = arith.minimumf %parallel_loop3A_549, %parallel_loop3A_565 : vector<16xf32>
        %parallel_loop3A_674 = arith.maximumf %parallel_loop3A_549, %parallel_loop3A_565 : vector<16xf32>
        %parallel_loop3A_675 = arith.minimumf %parallel_loop3A_553, %parallel_loop3A_569 : vector<16xf32>
        %parallel_loop3A_676 = arith.maximumf %parallel_loop3A_553, %parallel_loop3A_569 : vector<16xf32>
        %parallel_loop3A_677 = arith.minimumf %parallel_loop3A_557, %parallel_loop3A_573 : vector<16xf32>
        %parallel_loop3A_678 = arith.maximumf %parallel_loop3A_557, %parallel_loop3A_573 : vector<16xf32>
        %parallel_loop3A_679 = arith.minimumf %parallel_loop3A_577, %parallel_loop3A_593 : vector<16xf32>
        %parallel_loop3A_680 = arith.maximumf %parallel_loop3A_577, %parallel_loop3A_593 : vector<16xf32>
        %parallel_loop3A_681 = arith.minimumf %parallel_loop3A_581, %parallel_loop3A_597 : vector<16xf32>
        %parallel_loop3A_682 = arith.maximumf %parallel_loop3A_581, %parallel_loop3A_597 : vector<16xf32>
        %parallel_loop3A_683 = arith.minimumf %parallel_loop3A_585, %parallel_loop3A_601 : vector<16xf32>
        %parallel_loop3A_684 = arith.maximumf %parallel_loop3A_585, %parallel_loop3A_601 : vector<16xf32>
        %parallel_loop3A_685 = arith.minimumf %parallel_loop3A_589, %parallel_loop3A_605 : vector<16xf32>
        %parallel_loop3A_686 = arith.maximumf %parallel_loop3A_589, %parallel_loop3A_605 : vector<16xf32>
        %parallel_loop3A_687 = arith.minimumf %parallel_loop3A_609, %parallel_loop3A_625 : vector<16xf32>
        %parallel_loop3A_688 = arith.maximumf %parallel_loop3A_609, %parallel_loop3A_625 : vector<16xf32>
        %parallel_loop3A_689 = arith.minimumf %parallel_loop3A_613, %parallel_loop3A_629 : vector<16xf32>
        %parallel_loop3A_690 = arith.maximumf %parallel_loop3A_613, %parallel_loop3A_629 : vector<16xf32>
        %parallel_loop3A_691 = arith.minimumf %parallel_loop3A_617, %parallel_loop3A_633 : vector<16xf32>
        %parallel_loop3A_692 = arith.maximumf %parallel_loop3A_617, %parallel_loop3A_633 : vector<16xf32>
        %parallel_loop3A_693 = arith.minimumf %parallel_loop3A_621, %parallel_loop3A_637 : vector<16xf32>
        %parallel_loop3A_694 = arith.maximumf %parallel_loop3A_621, %parallel_loop3A_637 : vector<16xf32>
        %parallel_loop3A_695 = arith.minimumf %parallel_loop3A_641, %parallel_loop3A_657 : vector<16xf32>
        %parallel_loop3A_696 = arith.maximumf %parallel_loop3A_641, %parallel_loop3A_657 : vector<16xf32>
        %parallel_loop3A_697 = arith.minimumf %parallel_loop3A_645, %parallel_loop3A_661 : vector<16xf32>
        %parallel_loop3A_698 = arith.maximumf %parallel_loop3A_645, %parallel_loop3A_661 : vector<16xf32>
        %parallel_loop3A_699 = arith.minimumf %parallel_loop3A_649, %parallel_loop3A_665 : vector<16xf32>
        %parallel_loop3A_700 = arith.maximumf %parallel_loop3A_649, %parallel_loop3A_665 : vector<16xf32>
        %parallel_loop3A_701 = arith.minimumf %parallel_loop3A_653, %parallel_loop3A_669 : vector<16xf32>
        %parallel_loop3A_702 = arith.maximumf %parallel_loop3A_653, %parallel_loop3A_669 : vector<16xf32>
        %parallel_loop3A_703 = arith.minimumf %parallel_loop3A_671, %parallel_loop3A_675 : vector<16xf32>
        %parallel_loop3A_704 = arith.maximumf %parallel_loop3A_671, %parallel_loop3A_675 : vector<16xf32>
        %parallel_loop3A_705 = arith.minimumf %parallel_loop3A_673, %parallel_loop3A_677 : vector<16xf32>
        %parallel_loop3A_706 = arith.maximumf %parallel_loop3A_673, %parallel_loop3A_677 : vector<16xf32>
        %parallel_loop3A_707 = arith.minimumf %parallel_loop3A_672, %parallel_loop3A_676 : vector<16xf32>
        %parallel_loop3A_708 = arith.maximumf %parallel_loop3A_672, %parallel_loop3A_676 : vector<16xf32>
        %parallel_loop3A_709 = arith.minimumf %parallel_loop3A_674, %parallel_loop3A_678 : vector<16xf32>
        %parallel_loop3A_710 = arith.maximumf %parallel_loop3A_674, %parallel_loop3A_678 : vector<16xf32>
        %parallel_loop3A_711 = arith.minimumf %parallel_loop3A_680, %parallel_loop3A_684 : vector<16xf32>
        %parallel_loop3A_712 = arith.maximumf %parallel_loop3A_680, %parallel_loop3A_684 : vector<16xf32>
        %parallel_loop3A_713 = arith.minimumf %parallel_loop3A_682, %parallel_loop3A_686 : vector<16xf32>
        %parallel_loop3A_714 = arith.maximumf %parallel_loop3A_682, %parallel_loop3A_686 : vector<16xf32>
        %parallel_loop3A_715 = arith.minimumf %parallel_loop3A_679, %parallel_loop3A_683 : vector<16xf32>
        %parallel_loop3A_716 = arith.maximumf %parallel_loop3A_679, %parallel_loop3A_683 : vector<16xf32>
        %parallel_loop3A_717 = arith.minimumf %parallel_loop3A_681, %parallel_loop3A_685 : vector<16xf32>
        %parallel_loop3A_718 = arith.maximumf %parallel_loop3A_681, %parallel_loop3A_685 : vector<16xf32>
        %parallel_loop3A_719 = arith.minimumf %parallel_loop3A_687, %parallel_loop3A_691 : vector<16xf32>
        %parallel_loop3A_720 = arith.maximumf %parallel_loop3A_687, %parallel_loop3A_691 : vector<16xf32>
        %parallel_loop3A_721 = arith.minimumf %parallel_loop3A_689, %parallel_loop3A_693 : vector<16xf32>
        %parallel_loop3A_722 = arith.maximumf %parallel_loop3A_689, %parallel_loop3A_693 : vector<16xf32>
        %parallel_loop3A_723 = arith.minimumf %parallel_loop3A_688, %parallel_loop3A_692 : vector<16xf32>
        %parallel_loop3A_724 = arith.maximumf %parallel_loop3A_688, %parallel_loop3A_692 : vector<16xf32>
        %parallel_loop3A_725 = arith.minimumf %parallel_loop3A_690, %parallel_loop3A_694 : vector<16xf32>
        %parallel_loop3A_726 = arith.maximumf %parallel_loop3A_690, %parallel_loop3A_694 : vector<16xf32>
        %parallel_loop3A_727 = arith.minimumf %parallel_loop3A_696, %parallel_loop3A_700 : vector<16xf32>
        %parallel_loop3A_728 = arith.maximumf %parallel_loop3A_696, %parallel_loop3A_700 : vector<16xf32>
        %parallel_loop3A_729 = arith.minimumf %parallel_loop3A_698, %parallel_loop3A_702 : vector<16xf32>
        %parallel_loop3A_730 = arith.maximumf %parallel_loop3A_698, %parallel_loop3A_702 : vector<16xf32>
        %parallel_loop3A_731 = arith.minimumf %parallel_loop3A_695, %parallel_loop3A_699 : vector<16xf32>
        %parallel_loop3A_732 = arith.maximumf %parallel_loop3A_695, %parallel_loop3A_699 : vector<16xf32>
        %parallel_loop3A_733 = arith.minimumf %parallel_loop3A_697, %parallel_loop3A_701 : vector<16xf32>
        %parallel_loop3A_734 = arith.maximumf %parallel_loop3A_697, %parallel_loop3A_701 : vector<16xf32>
        %parallel_loop3A_735 = arith.minimumf %parallel_loop3A_703, %parallel_loop3A_705 : vector<16xf32>
        %parallel_loop3A_736 = arith.maximumf %parallel_loop3A_703, %parallel_loop3A_705 : vector<16xf32>
        %parallel_loop3A_737 = arith.minimumf %parallel_loop3A_704, %parallel_loop3A_706 : vector<16xf32>
        %parallel_loop3A_738 = arith.maximumf %parallel_loop3A_704, %parallel_loop3A_706 : vector<16xf32>
        %parallel_loop3A_739 = arith.minimumf %parallel_loop3A_707, %parallel_loop3A_709 : vector<16xf32>
        %parallel_loop3A_740 = arith.maximumf %parallel_loop3A_707, %parallel_loop3A_709 : vector<16xf32>
        %parallel_loop3A_741 = arith.minimumf %parallel_loop3A_708, %parallel_loop3A_710 : vector<16xf32>
        %parallel_loop3A_742 = arith.maximumf %parallel_loop3A_708, %parallel_loop3A_710 : vector<16xf32>
        %parallel_loop3A_743 = arith.minimumf %parallel_loop3A_712, %parallel_loop3A_714 : vector<16xf32>
        %parallel_loop3A_744 = arith.maximumf %parallel_loop3A_712, %parallel_loop3A_714 : vector<16xf32>
        %parallel_loop3A_745 = arith.minimumf %parallel_loop3A_711, %parallel_loop3A_713 : vector<16xf32>
        %parallel_loop3A_746 = arith.maximumf %parallel_loop3A_711, %parallel_loop3A_713 : vector<16xf32>
        %parallel_loop3A_747 = arith.minimumf %parallel_loop3A_716, %parallel_loop3A_718 : vector<16xf32>
        %parallel_loop3A_748 = arith.maximumf %parallel_loop3A_716, %parallel_loop3A_718 : vector<16xf32>
        %parallel_loop3A_749 = arith.minimumf %parallel_loop3A_715, %parallel_loop3A_717 : vector<16xf32>
        %parallel_loop3A_750 = arith.maximumf %parallel_loop3A_715, %parallel_loop3A_717 : vector<16xf32>
        %parallel_loop3A_751 = arith.minimumf %parallel_loop3A_719, %parallel_loop3A_721 : vector<16xf32>
        %parallel_loop3A_752 = arith.maximumf %parallel_loop3A_719, %parallel_loop3A_721 : vector<16xf32>
        %parallel_loop3A_753 = arith.minimumf %parallel_loop3A_720, %parallel_loop3A_722 : vector<16xf32>
        %parallel_loop3A_754 = arith.maximumf %parallel_loop3A_720, %parallel_loop3A_722 : vector<16xf32>
        %parallel_loop3A_755 = arith.minimumf %parallel_loop3A_723, %parallel_loop3A_725 : vector<16xf32>
        %parallel_loop3A_756 = arith.maximumf %parallel_loop3A_723, %parallel_loop3A_725 : vector<16xf32>
        %parallel_loop3A_757 = arith.minimumf %parallel_loop3A_724, %parallel_loop3A_726 : vector<16xf32>
        %parallel_loop3A_758 = arith.maximumf %parallel_loop3A_724, %parallel_loop3A_726 : vector<16xf32>
        %parallel_loop3A_759 = arith.minimumf %parallel_loop3A_728, %parallel_loop3A_730 : vector<16xf32>
        %parallel_loop3A_760 = arith.maximumf %parallel_loop3A_728, %parallel_loop3A_730 : vector<16xf32>
        %parallel_loop3A_761 = arith.minimumf %parallel_loop3A_727, %parallel_loop3A_729 : vector<16xf32>
        %parallel_loop3A_762 = arith.maximumf %parallel_loop3A_727, %parallel_loop3A_729 : vector<16xf32>
        %parallel_loop3A_763 = arith.minimumf %parallel_loop3A_732, %parallel_loop3A_734 : vector<16xf32>
        %parallel_loop3A_764 = arith.maximumf %parallel_loop3A_732, %parallel_loop3A_734 : vector<16xf32>
        %parallel_loop3A_765 = arith.minimumf %parallel_loop3A_731, %parallel_loop3A_733 : vector<16xf32>
        %parallel_loop3A_766 = arith.maximumf %parallel_loop3A_731, %parallel_loop3A_733 : vector<16xf32>
        %parallel_loop3A_767 = arith.constant dense<true> : vector<16xi1>
        %parallel_loop3A_768, %parallel_loop3A_769, %parallel_loop3A_770 = tpu.sort %parallel_loop3A_735, %parallel_loop3A_735 masked %parallel_loop3A_767 : (vector<16xf32>, vector<16xf32>, vector<16xi1>) -> (vector<16xi1>, vector<16xf32>, vector<16xf32>)
        %parallel_loop3A_771 = arith.constant dense<true> : vector<16xi1>
        %parallel_loop3A_772, %parallel_loop3A_773, %parallel_loop3A_774 = tpu.sort %parallel_loop3A_736, %parallel_loop3A_736 masked %parallel_loop3A_771 : (vector<16xf32>, vector<16xf32>, vector<16xi1>) -> (vector<16xi1>, vector<16xf32>, vector<16xf32>)
        %parallel_loop3A_775 = arith.constant dense<true> : vector<16xi1>
        %parallel_loop3A_776, %parallel_loop3A_777, %parallel_loop3A_778 = tpu.sort %parallel_loop3A_737, %parallel_loop3A_737 masked %parallel_loop3A_775 : (vector<16xf32>, vector<16xf32>, vector<16xi1>) -> (vector<16xi1>, vector<16xf32>, vector<16xf32>)
        %parallel_loop3A_779 = arith.constant dense<true> : vector<16xi1>
        %parallel_loop3A_780, %parallel_loop3A_781, %parallel_loop3A_782 = tpu.sort %parallel_loop3A_738, %parallel_loop3A_738 masked %parallel_loop3A_779 : (vector<16xf32>, vector<16xf32>, vector<16xi1>) -> (vector<16xi1>, vector<16xf32>, vector<16xf32>)
        %parallel_loop3A_783 = arith.constant dense<true> : vector<16xi1>
        %parallel_loop3A_784, %parallel_loop3A_785, %parallel_loop3A_786 = tpu.sort %parallel_loop3A_739, %parallel_loop3A_739 masked %parallel_loop3A_783 : (vector<16xf32>, vector<16xf32>, vector<16xi1>) -> (vector<16xi1>, vector<16xf32>, vector<16xf32>)
        %parallel_loop3A_787 = arith.constant dense<true> : vector<16xi1>
        %parallel_loop3A_788, %parallel_loop3A_789, %parallel_loop3A_790 = tpu.sort %parallel_loop3A_740, %parallel_loop3A_740 masked %parallel_loop3A_787 : (vector<16xf32>, vector<16xf32>, vector<16xi1>) -> (vector<16xi1>, vector<16xf32>, vector<16xf32>)
        %parallel_loop3A_791 = arith.constant dense<true> : vector<16xi1>
        %parallel_loop3A_792, %parallel_loop3A_793, %parallel_loop3A_794 = tpu.sort %parallel_loop3A_741, %parallel_loop3A_741 masked %parallel_loop3A_791 : (vector<16xf32>, vector<16xf32>, vector<16xi1>) -> (vector<16xi1>, vector<16xf32>, vector<16xf32>)
        %parallel_loop3A_795 = arith.constant dense<true> : vector<16xi1>
        %parallel_loop3A_796, %parallel_loop3A_797, %parallel_loop3A_798 = tpu.sort %parallel_loop3A_742, %parallel_loop3A_742 masked %parallel_loop3A_795 : (vector<16xf32>, vector<16xf32>, vector<16xi1>) -> (vector<16xi1>, vector<16xf32>, vector<16xf32>)
        %parallel_loop3A_799 = arith.constant dense<true> : vector<16xi1>
        %parallel_loop3A_800, %parallel_loop3A_801, %parallel_loop3A_802 = tpu.sort %parallel_loop3A_744, %parallel_loop3A_744 masked %parallel_loop3A_799 {descending = true} : (vector<16xf32>, vector<16xf32>, vector<16xi1>) -> (vector<16xi1>, vector<16xf32>, vector<16xf32>)
        %parallel_loop3A_803 = arith.constant dense<true> : vector<16xi1>
        %parallel_loop3A_804, %parallel_loop3A_805, %parallel_loop3A_806 = tpu.sort %parallel_loop3A_743, %parallel_loop3A_743 masked %parallel_loop3A_803 {descending = true} : (vector<16xf32>, vector<16xf32>, vector<16xi1>) -> (vector<16xi1>, vector<16xf32>, vector<16xf32>)
        %parallel_loop3A_807 = arith.constant dense<true> : vector<16xi1>
        %parallel_loop3A_808, %parallel_loop3A_809, %parallel_loop3A_810 = tpu.sort %parallel_loop3A_746, %parallel_loop3A_746 masked %parallel_loop3A_807 {descending = true} : (vector<16xf32>, vector<16xf32>, vector<16xi1>) -> (vector<16xi1>, vector<16xf32>, vector<16xf32>)
        %parallel_loop3A_811 = arith.constant dense<true> : vector<16xi1>
        %parallel_loop3A_812, %parallel_loop3A_813, %parallel_loop3A_814 = tpu.sort %parallel_loop3A_745, %parallel_loop3A_745 masked %parallel_loop3A_811 {descending = true} : (vector<16xf32>, vector<16xf32>, vector<16xi1>) -> (vector<16xi1>, vector<16xf32>, vector<16xf32>)
        %parallel_loop3A_815 = arith.constant dense<true> : vector<16xi1>
        %parallel_loop3A_816, %parallel_loop3A_817, %parallel_loop3A_818 = tpu.sort %parallel_loop3A_748, %parallel_loop3A_748 masked %parallel_loop3A_815 {descending = true} : (vector<16xf32>, vector<16xf32>, vector<16xi1>) -> (vector<16xi1>, vector<16xf32>, vector<16xf32>)
        %parallel_loop3A_819 = arith.constant dense<true> : vector<16xi1>
        %parallel_loop3A_820, %parallel_loop3A_821, %parallel_loop3A_822 = tpu.sort %parallel_loop3A_747, %parallel_loop3A_747 masked %parallel_loop3A_819 {descending = true} : (vector<16xf32>, vector<16xf32>, vector<16xi1>) -> (vector<16xi1>, vector<16xf32>, vector<16xf32>)
        %parallel_loop3A_823 = arith.constant dense<true> : vector<16xi1>
        %parallel_loop3A_824, %parallel_loop3A_825, %parallel_loop3A_826 = tpu.sort %parallel_loop3A_750, %parallel_loop3A_750 masked %parallel_loop3A_823 {descending = true} : (vector<16xf32>, vector<16xf32>, vector<16xi1>) -> (vector<16xi1>, vector<16xf32>, vector<16xf32>)
        %parallel_loop3A_827 = arith.constant dense<true> : vector<16xi1>
        %parallel_loop3A_828, %parallel_loop3A_829, %parallel_loop3A_830 = tpu.sort %parallel_loop3A_749, %parallel_loop3A_749 masked %parallel_loop3A_827 {descending = true} : (vector<16xf32>, vector<16xf32>, vector<16xi1>) -> (vector<16xi1>, vector<16xf32>, vector<16xf32>)
        %parallel_loop3A_831 = arith.constant dense<true> : vector<16xi1>
        %parallel_loop3A_832, %parallel_loop3A_833, %parallel_loop3A_834 = tpu.sort %parallel_loop3A_751, %parallel_loop3A_751 masked %parallel_loop3A_831 : (vector<16xf32>, vector<16xf32>, vector<16xi1>) -> (vector<16xi1>, vector<16xf32>, vector<16xf32>)
        %parallel_loop3A_835 = arith.constant dense<true> : vector<16xi1>
        %parallel_loop3A_836, %parallel_loop3A_837, %parallel_loop3A_838 = tpu.sort %parallel_loop3A_752, %parallel_loop3A_752 masked %parallel_loop3A_835 : (vector<16xf32>, vector<16xf32>, vector<16xi1>) -> (vector<16xi1>, vector<16xf32>, vector<16xf32>)
        %parallel_loop3A_839 = arith.constant dense<true> : vector<16xi1>
        %parallel_loop3A_840, %parallel_loop3A_841, %parallel_loop3A_842 = tpu.sort %parallel_loop3A_753, %parallel_loop3A_753 masked %parallel_loop3A_839 : (vector<16xf32>, vector<16xf32>, vector<16xi1>) -> (vector<16xi1>, vector<16xf32>, vector<16xf32>)
        %parallel_loop3A_843 = arith.constant dense<true> : vector<16xi1>
        %parallel_loop3A_844, %parallel_loop3A_845, %parallel_loop3A_846 = tpu.sort %parallel_loop3A_754, %parallel_loop3A_754 masked %parallel_loop3A_843 : (vector<16xf32>, vector<16xf32>, vector<16xi1>) -> (vector<16xi1>, vector<16xf32>, vector<16xf32>)
        %parallel_loop3A_847 = arith.constant dense<true> : vector<16xi1>
        %parallel_loop3A_848, %parallel_loop3A_849, %parallel_loop3A_850 = tpu.sort %parallel_loop3A_755, %parallel_loop3A_755 masked %parallel_loop3A_847 : (vector<16xf32>, vector<16xf32>, vector<16xi1>) -> (vector<16xi1>, vector<16xf32>, vector<16xf32>)
        %parallel_loop3A_851 = arith.constant dense<true> : vector<16xi1>
        %parallel_loop3A_852, %parallel_loop3A_853, %parallel_loop3A_854 = tpu.sort %parallel_loop3A_756, %parallel_loop3A_756 masked %parallel_loop3A_851 : (vector<16xf32>, vector<16xf32>, vector<16xi1>) -> (vector<16xi1>, vector<16xf32>, vector<16xf32>)
        %parallel_loop3A_855 = arith.constant dense<true> : vector<16xi1>
        %parallel_loop3A_856, %parallel_loop3A_857, %parallel_loop3A_858 = tpu.sort %parallel_loop3A_757, %parallel_loop3A_757 masked %parallel_loop3A_855 : (vector<16xf32>, vector<16xf32>, vector<16xi1>) -> (vector<16xi1>, vector<16xf32>, vector<16xf32>)
        %parallel_loop3A_859 = arith.constant dense<true> : vector<16xi1>
        %parallel_loop3A_860, %parallel_loop3A_861, %parallel_loop3A_862 = tpu.sort %parallel_loop3A_758, %parallel_loop3A_758 masked %parallel_loop3A_859 : (vector<16xf32>, vector<16xf32>, vector<16xi1>) -> (vector<16xi1>, vector<16xf32>, vector<16xf32>)
        %parallel_loop3A_863 = arith.constant dense<true> : vector<16xi1>
        %parallel_loop3A_864, %parallel_loop3A_865, %parallel_loop3A_866 = tpu.sort %parallel_loop3A_760, %parallel_loop3A_760 masked %parallel_loop3A_863 {descending = true} : (vector<16xf32>, vector<16xf32>, vector<16xi1>) -> (vector<16xi1>, vector<16xf32>, vector<16xf32>)
        %parallel_loop3A_867 = arith.constant dense<true> : vector<16xi1>
        %parallel_loop3A_868, %parallel_loop3A_869, %parallel_loop3A_870 = tpu.sort %parallel_loop3A_759, %parallel_loop3A_759 masked %parallel_loop3A_867 {descending = true} : (vector<16xf32>, vector<16xf32>, vector<16xi1>) -> (vector<16xi1>, vector<16xf32>, vector<16xf32>)
        %parallel_loop3A_871 = arith.constant dense<true> : vector<16xi1>
        %parallel_loop3A_872, %parallel_loop3A_873, %parallel_loop3A_874 = tpu.sort %parallel_loop3A_762, %parallel_loop3A_762 masked %parallel_loop3A_871 {descending = true} : (vector<16xf32>, vector<16xf32>, vector<16xi1>) -> (vector<16xi1>, vector<16xf32>, vector<16xf32>)
        %parallel_loop3A_875 = arith.constant dense<true> : vector<16xi1>
        %parallel_loop3A_876, %parallel_loop3A_877, %parallel_loop3A_878 = tpu.sort %parallel_loop3A_761, %parallel_loop3A_761 masked %parallel_loop3A_875 {descending = true} : (vector<16xf32>, vector<16xf32>, vector<16xi1>) -> (vector<16xi1>, vector<16xf32>, vector<16xf32>)
        %parallel_loop3A_879 = arith.constant dense<true> : vector<16xi1>
        %parallel_loop3A_880, %parallel_loop3A_881, %parallel_loop3A_882 = tpu.sort %parallel_loop3A_764, %parallel_loop3A_764 masked %parallel_loop3A_879 {descending = true} : (vector<16xf32>, vector<16xf32>, vector<16xi1>) -> (vector<16xi1>, vector<16xf32>, vector<16xf32>)
        %parallel_loop3A_883 = arith.constant dense<true> : vector<16xi1>
        %parallel_loop3A_884, %parallel_loop3A_885, %parallel_loop3A_886 = tpu.sort %parallel_loop3A_763, %parallel_loop3A_763 masked %parallel_loop3A_883 {descending = true} : (vector<16xf32>, vector<16xf32>, vector<16xi1>) -> (vector<16xi1>, vector<16xf32>, vector<16xf32>)
        %parallel_loop3A_887 = arith.constant dense<true> : vector<16xi1>
        %parallel_loop3A_888, %parallel_loop3A_889, %parallel_loop3A_890 = tpu.sort %parallel_loop3A_766, %parallel_loop3A_766 masked %parallel_loop3A_887 {descending = true} : (vector<16xf32>, vector<16xf32>, vector<16xi1>) -> (vector<16xi1>, vector<16xf32>, vector<16xf32>)
        %parallel_loop3A_891 = arith.constant dense<true> : vector<16xi1>
        %parallel_loop3A_892, %parallel_loop3A_893, %parallel_loop3A_894 = tpu.sort %parallel_loop3A_765, %parallel_loop3A_765 masked %parallel_loop3A_891 {descending = true} : (vector<16xf32>, vector<16xf32>, vector<16xi1>) -> (vector<16xi1>, vector<16xf32>, vector<16xf32>)
        %parallel_loop3A_895 = arith.minimumf %parallel_loop3A_769, %parallel_loop3A_801 : vector<16xf32>
        %parallel_loop3A_896 = arith.maximumf %parallel_loop3A_769, %parallel_loop3A_801 : vector<16xf32>
        %parallel_loop3A_897 = arith.minimumf %parallel_loop3A_773, %parallel_loop3A_805 : vector<16xf32>
        %parallel_loop3A_898 = arith.maximumf %parallel_loop3A_773, %parallel_loop3A_805 : vector<16xf32>
        %parallel_loop3A_899 = arith.minimumf %parallel_loop3A_777, %parallel_loop3A_809 : vector<16xf32>
        %parallel_loop3A_900 = arith.maximumf %parallel_loop3A_777, %parallel_loop3A_809 : vector<16xf32>
        %parallel_loop3A_901 = arith.minimumf %parallel_loop3A_781, %parallel_loop3A_813 : vector<16xf32>
        %parallel_loop3A_902 = arith.maximumf %parallel_loop3A_781, %parallel_loop3A_813 : vector<16xf32>
        %parallel_loop3A_903 = arith.minimumf %parallel_loop3A_785, %parallel_loop3A_817 : vector<16xf32>
        %parallel_loop3A_904 = arith.maximumf %parallel_loop3A_785, %parallel_loop3A_817 : vector<16xf32>
        %parallel_loop3A_905 = arith.minimumf %parallel_loop3A_789, %parallel_loop3A_821 : vector<16xf32>
        %parallel_loop3A_906 = arith.maximumf %parallel_loop3A_789, %parallel_loop3A_821 : vector<16xf32>
        %parallel_loop3A_907 = arith.minimumf %parallel_loop3A_793, %parallel_loop3A_825 : vector<16xf32>
        %parallel_loop3A_908 = arith.maximumf %parallel_loop3A_793, %parallel_loop3A_825 : vector<16xf32>
        %parallel_loop3A_909 = arith.minimumf %parallel_loop3A_797, %parallel_loop3A_829 : vector<16xf32>
        %parallel_loop3A_910 = arith.maximumf %parallel_loop3A_797, %parallel_loop3A_829 : vector<16xf32>
        %parallel_loop3A_911 = arith.minimumf %parallel_loop3A_833, %parallel_loop3A_865 : vector<16xf32>
        %parallel_loop3A_912 = arith.maximumf %parallel_loop3A_833, %parallel_loop3A_865 : vector<16xf32>
        %parallel_loop3A_913 = arith.minimumf %parallel_loop3A_837, %parallel_loop3A_869 : vector<16xf32>
        %parallel_loop3A_914 = arith.maximumf %parallel_loop3A_837, %parallel_loop3A_869 : vector<16xf32>
        %parallel_loop3A_915 = arith.minimumf %parallel_loop3A_841, %parallel_loop3A_873 : vector<16xf32>
        %parallel_loop3A_916 = arith.maximumf %parallel_loop3A_841, %parallel_loop3A_873 : vector<16xf32>
        %parallel_loop3A_917 = arith.minimumf %parallel_loop3A_845, %parallel_loop3A_877 : vector<16xf32>
        %parallel_loop3A_918 = arith.maximumf %parallel_loop3A_845, %parallel_loop3A_877 : vector<16xf32>
        %parallel_loop3A_919 = arith.minimumf %parallel_loop3A_849, %parallel_loop3A_881 : vector<16xf32>
        %parallel_loop3A_920 = arith.maximumf %parallel_loop3A_849, %parallel_loop3A_881 : vector<16xf32>
        %parallel_loop3A_921 = arith.minimumf %parallel_loop3A_853, %parallel_loop3A_885 : vector<16xf32>
        %parallel_loop3A_922 = arith.maximumf %parallel_loop3A_853, %parallel_loop3A_885 : vector<16xf32>
        %parallel_loop3A_923 = arith.minimumf %parallel_loop3A_857, %parallel_loop3A_889 : vector<16xf32>
        %parallel_loop3A_924 = arith.maximumf %parallel_loop3A_857, %parallel_loop3A_889 : vector<16xf32>
        %parallel_loop3A_925 = arith.minimumf %parallel_loop3A_861, %parallel_loop3A_893 : vector<16xf32>
        %parallel_loop3A_926 = arith.maximumf %parallel_loop3A_861, %parallel_loop3A_893 : vector<16xf32>
        %parallel_loop3A_927 = arith.minimumf %parallel_loop3A_895, %parallel_loop3A_903 : vector<16xf32>
        %parallel_loop3A_928 = arith.maximumf %parallel_loop3A_895, %parallel_loop3A_903 : vector<16xf32>
        %parallel_loop3A_929 = arith.minimumf %parallel_loop3A_897, %parallel_loop3A_905 : vector<16xf32>
        %parallel_loop3A_930 = arith.maximumf %parallel_loop3A_897, %parallel_loop3A_905 : vector<16xf32>
        %parallel_loop3A_931 = arith.minimumf %parallel_loop3A_899, %parallel_loop3A_907 : vector<16xf32>
        %parallel_loop3A_932 = arith.maximumf %parallel_loop3A_899, %parallel_loop3A_907 : vector<16xf32>
        %parallel_loop3A_933 = arith.minimumf %parallel_loop3A_901, %parallel_loop3A_909 : vector<16xf32>
        %parallel_loop3A_934 = arith.maximumf %parallel_loop3A_901, %parallel_loop3A_909 : vector<16xf32>
        %parallel_loop3A_935 = arith.minimumf %parallel_loop3A_896, %parallel_loop3A_904 : vector<16xf32>
        %parallel_loop3A_936 = arith.maximumf %parallel_loop3A_896, %parallel_loop3A_904 : vector<16xf32>
        %parallel_loop3A_937 = arith.minimumf %parallel_loop3A_898, %parallel_loop3A_906 : vector<16xf32>
        %parallel_loop3A_938 = arith.maximumf %parallel_loop3A_898, %parallel_loop3A_906 : vector<16xf32>
        %parallel_loop3A_939 = arith.minimumf %parallel_loop3A_900, %parallel_loop3A_908 : vector<16xf32>
        %parallel_loop3A_940 = arith.maximumf %parallel_loop3A_900, %parallel_loop3A_908 : vector<16xf32>
        %parallel_loop3A_941 = arith.minimumf %parallel_loop3A_902, %parallel_loop3A_910 : vector<16xf32>
        %parallel_loop3A_942 = arith.maximumf %parallel_loop3A_902, %parallel_loop3A_910 : vector<16xf32>
        %parallel_loop3A_943 = arith.minimumf %parallel_loop3A_912, %parallel_loop3A_920 : vector<16xf32>
        %parallel_loop3A_944 = arith.maximumf %parallel_loop3A_912, %parallel_loop3A_920 : vector<16xf32>
        %parallel_loop3A_945 = arith.minimumf %parallel_loop3A_914, %parallel_loop3A_922 : vector<16xf32>
        %parallel_loop3A_946 = arith.maximumf %parallel_loop3A_914, %parallel_loop3A_922 : vector<16xf32>
        %parallel_loop3A_947 = arith.minimumf %parallel_loop3A_916, %parallel_loop3A_924 : vector<16xf32>
        %parallel_loop3A_948 = arith.maximumf %parallel_loop3A_916, %parallel_loop3A_924 : vector<16xf32>
        %parallel_loop3A_949 = arith.minimumf %parallel_loop3A_918, %parallel_loop3A_926 : vector<16xf32>
        %parallel_loop3A_950 = arith.maximumf %parallel_loop3A_918, %parallel_loop3A_926 : vector<16xf32>
        %parallel_loop3A_951 = arith.minimumf %parallel_loop3A_911, %parallel_loop3A_919 : vector<16xf32>
        %parallel_loop3A_952 = arith.maximumf %parallel_loop3A_911, %parallel_loop3A_919 : vector<16xf32>
        %parallel_loop3A_953 = arith.minimumf %parallel_loop3A_913, %parallel_loop3A_921 : vector<16xf32>
        %parallel_loop3A_954 = arith.maximumf %parallel_loop3A_913, %parallel_loop3A_921 : vector<16xf32>
        %parallel_loop3A_955 = arith.minimumf %parallel_loop3A_915, %parallel_loop3A_923 : vector<16xf32>
        %parallel_loop3A_956 = arith.maximumf %parallel_loop3A_915, %parallel_loop3A_923 : vector<16xf32>
        %parallel_loop3A_957 = arith.minimumf %parallel_loop3A_917, %parallel_loop3A_925 : vector<16xf32>
        %parallel_loop3A_958 = arith.maximumf %parallel_loop3A_917, %parallel_loop3A_925 : vector<16xf32>
        %parallel_loop3A_959 = arith.minimumf %parallel_loop3A_927, %parallel_loop3A_931 : vector<16xf32>
        %parallel_loop3A_960 = arith.maximumf %parallel_loop3A_927, %parallel_loop3A_931 : vector<16xf32>
        %parallel_loop3A_961 = arith.minimumf %parallel_loop3A_929, %parallel_loop3A_933 : vector<16xf32>
        %parallel_loop3A_962 = arith.maximumf %parallel_loop3A_929, %parallel_loop3A_933 : vector<16xf32>
        %parallel_loop3A_963 = arith.minimumf %parallel_loop3A_928, %parallel_loop3A_932 : vector<16xf32>
        %parallel_loop3A_964 = arith.maximumf %parallel_loop3A_928, %parallel_loop3A_932 : vector<16xf32>
        %parallel_loop3A_965 = arith.minimumf %parallel_loop3A_930, %parallel_loop3A_934 : vector<16xf32>
        %parallel_loop3A_966 = arith.maximumf %parallel_loop3A_930, %parallel_loop3A_934 : vector<16xf32>
        %parallel_loop3A_967 = arith.minimumf %parallel_loop3A_935, %parallel_loop3A_939 : vector<16xf32>
        %parallel_loop3A_968 = arith.maximumf %parallel_loop3A_935, %parallel_loop3A_939 : vector<16xf32>
        %parallel_loop3A_969 = arith.minimumf %parallel_loop3A_937, %parallel_loop3A_941 : vector<16xf32>
        %parallel_loop3A_970 = arith.maximumf %parallel_loop3A_937, %parallel_loop3A_941 : vector<16xf32>
        %parallel_loop3A_971 = arith.minimumf %parallel_loop3A_936, %parallel_loop3A_940 : vector<16xf32>
        %parallel_loop3A_972 = arith.maximumf %parallel_loop3A_936, %parallel_loop3A_940 : vector<16xf32>
        %parallel_loop3A_973 = arith.minimumf %parallel_loop3A_938, %parallel_loop3A_942 : vector<16xf32>
        %parallel_loop3A_974 = arith.maximumf %parallel_loop3A_938, %parallel_loop3A_942 : vector<16xf32>
        %parallel_loop3A_975 = arith.minimumf %parallel_loop3A_944, %parallel_loop3A_948 : vector<16xf32>
        %parallel_loop3A_976 = arith.maximumf %parallel_loop3A_944, %parallel_loop3A_948 : vector<16xf32>
        %parallel_loop3A_977 = arith.minimumf %parallel_loop3A_946, %parallel_loop3A_950 : vector<16xf32>
        %parallel_loop3A_978 = arith.maximumf %parallel_loop3A_946, %parallel_loop3A_950 : vector<16xf32>
        %parallel_loop3A_979 = arith.minimumf %parallel_loop3A_943, %parallel_loop3A_947 : vector<16xf32>
        %parallel_loop3A_980 = arith.maximumf %parallel_loop3A_943, %parallel_loop3A_947 : vector<16xf32>
        %parallel_loop3A_981 = arith.minimumf %parallel_loop3A_945, %parallel_loop3A_949 : vector<16xf32>
        %parallel_loop3A_982 = arith.maximumf %parallel_loop3A_945, %parallel_loop3A_949 : vector<16xf32>
        %parallel_loop3A_983 = arith.minimumf %parallel_loop3A_952, %parallel_loop3A_956 : vector<16xf32>
        %parallel_loop3A_984 = arith.maximumf %parallel_loop3A_952, %parallel_loop3A_956 : vector<16xf32>
        %parallel_loop3A_985 = arith.minimumf %parallel_loop3A_954, %parallel_loop3A_958 : vector<16xf32>
        %parallel_loop3A_986 = arith.maximumf %parallel_loop3A_954, %parallel_loop3A_958 : vector<16xf32>
        %parallel_loop3A_987 = arith.minimumf %parallel_loop3A_951, %parallel_loop3A_955 : vector<16xf32>
        %parallel_loop3A_988 = arith.maximumf %parallel_loop3A_951, %parallel_loop3A_955 : vector<16xf32>
        %parallel_loop3A_989 = arith.minimumf %parallel_loop3A_953, %parallel_loop3A_957 : vector<16xf32>
        %parallel_loop3A_990 = arith.maximumf %parallel_loop3A_953, %parallel_loop3A_957 : vector<16xf32>
        %parallel_loop3A_991 = arith.minimumf %parallel_loop3A_959, %parallel_loop3A_961 : vector<16xf32>
        %parallel_loop3A_992 = arith.maximumf %parallel_loop3A_959, %parallel_loop3A_961 : vector<16xf32>
        %parallel_loop3A_993 = arith.minimumf %parallel_loop3A_960, %parallel_loop3A_962 : vector<16xf32>
        %parallel_loop3A_994 = arith.maximumf %parallel_loop3A_960, %parallel_loop3A_962 : vector<16xf32>
        %parallel_loop3A_995 = arith.minimumf %parallel_loop3A_963, %parallel_loop3A_965 : vector<16xf32>
        %parallel_loop3A_996 = arith.maximumf %parallel_loop3A_963, %parallel_loop3A_965 : vector<16xf32>
        %parallel_loop3A_997 = arith.minimumf %parallel_loop3A_964, %parallel_loop3A_966 : vector<16xf32>
        %parallel_loop3A_998 = arith.maximumf %parallel_loop3A_964, %parallel_loop3A_966 : vector<16xf32>
        %parallel_loop3A_999 = arith.minimumf %parallel_loop3A_967, %parallel_loop3A_969 : vector<16xf32>
        %parallel_loop3A_1000 = arith.maximumf %parallel_loop3A_967, %parallel_loop3A_969 : vector<16xf32>
        %parallel_loop3A_1001 = arith.minimumf %parallel_loop3A_968, %parallel_loop3A_970 : vector<16xf32>
        %parallel_loop3A_1002 = arith.maximumf %parallel_loop3A_968, %parallel_loop3A_970 : vector<16xf32>
        %parallel_loop3A_1003 = arith.minimumf %parallel_loop3A_971, %parallel_loop3A_973 : vector<16xf32>
        %parallel_loop3A_1004 = arith.maximumf %parallel_loop3A_971, %parallel_loop3A_973 : vector<16xf32>
        %parallel_loop3A_1005 = arith.minimumf %parallel_loop3A_972, %parallel_loop3A_974 : vector<16xf32>
        %parallel_loop3A_1006 = arith.maximumf %parallel_loop3A_972, %parallel_loop3A_974 : vector<16xf32>
        %parallel_loop3A_1007 = arith.minimumf %parallel_loop3A_976, %parallel_loop3A_978 : vector<16xf32>
        %parallel_loop3A_1008 = arith.maximumf %parallel_loop3A_976, %parallel_loop3A_978 : vector<16xf32>
        %parallel_loop3A_1009 = arith.minimumf %parallel_loop3A_975, %parallel_loop3A_977 : vector<16xf32>
        %parallel_loop3A_1010 = arith.maximumf %parallel_loop3A_975, %parallel_loop3A_977 : vector<16xf32>
        %parallel_loop3A_1011 = arith.minimumf %parallel_loop3A_980, %parallel_loop3A_982 : vector<16xf32>
        %parallel_loop3A_1012 = arith.maximumf %parallel_loop3A_980, %parallel_loop3A_982 : vector<16xf32>
        %parallel_loop3A_1013 = arith.minimumf %parallel_loop3A_979, %parallel_loop3A_981 : vector<16xf32>
        %parallel_loop3A_1014 = arith.maximumf %parallel_loop3A_979, %parallel_loop3A_981 : vector<16xf32>
        %parallel_loop3A_1015 = arith.minimumf %parallel_loop3A_984, %parallel_loop3A_986 : vector<16xf32>
        %parallel_loop3A_1016 = arith.maximumf %parallel_loop3A_984, %parallel_loop3A_986 : vector<16xf32>
        %parallel_loop3A_1017 = arith.minimumf %parallel_loop3A_983, %parallel_loop3A_985 : vector<16xf32>
        %parallel_loop3A_1018 = arith.maximumf %parallel_loop3A_983, %parallel_loop3A_985 : vector<16xf32>
        %parallel_loop3A_1019 = arith.minimumf %parallel_loop3A_988, %parallel_loop3A_990 : vector<16xf32>
        %parallel_loop3A_1020 = arith.maximumf %parallel_loop3A_988, %parallel_loop3A_990 : vector<16xf32>
        %parallel_loop3A_1021 = arith.minimumf %parallel_loop3A_987, %parallel_loop3A_989 : vector<16xf32>
        %parallel_loop3A_1022 = arith.maximumf %parallel_loop3A_987, %parallel_loop3A_989 : vector<16xf32>
        %parallel_loop3A_1023 = arith.constant dense<true> : vector<16xi1>
        %parallel_loop3A_1024, %parallel_loop3A_1025, %parallel_loop3A_1026 = tpu.sort %parallel_loop3A_991, %parallel_loop3A_991 masked %parallel_loop3A_1023 : (vector<16xf32>, vector<16xf32>, vector<16xi1>) -> (vector<16xi1>, vector<16xf32>, vector<16xf32>)
        %parallel_loop3A_1027 = arith.constant dense<true> : vector<16xi1>
        %parallel_loop3A_1028, %parallel_loop3A_1029, %parallel_loop3A_1030 = tpu.sort %parallel_loop3A_992, %parallel_loop3A_992 masked %parallel_loop3A_1027 : (vector<16xf32>, vector<16xf32>, vector<16xi1>) -> (vector<16xi1>, vector<16xf32>, vector<16xf32>)
        %parallel_loop3A_1031 = arith.constant dense<true> : vector<16xi1>
        %parallel_loop3A_1032, %parallel_loop3A_1033, %parallel_loop3A_1034 = tpu.sort %parallel_loop3A_993, %parallel_loop3A_993 masked %parallel_loop3A_1031 : (vector<16xf32>, vector<16xf32>, vector<16xi1>) -> (vector<16xi1>, vector<16xf32>, vector<16xf32>)
        %parallel_loop3A_1035 = arith.constant dense<true> : vector<16xi1>
        %parallel_loop3A_1036, %parallel_loop3A_1037, %parallel_loop3A_1038 = tpu.sort %parallel_loop3A_994, %parallel_loop3A_994 masked %parallel_loop3A_1035 : (vector<16xf32>, vector<16xf32>, vector<16xi1>) -> (vector<16xi1>, vector<16xf32>, vector<16xf32>)
        %parallel_loop3A_1039 = arith.constant dense<true> : vector<16xi1>
        %parallel_loop3A_1040, %parallel_loop3A_1041, %parallel_loop3A_1042 = tpu.sort %parallel_loop3A_995, %parallel_loop3A_995 masked %parallel_loop3A_1039 : (vector<16xf32>, vector<16xf32>, vector<16xi1>) -> (vector<16xi1>, vector<16xf32>, vector<16xf32>)
        %parallel_loop3A_1043 = arith.constant dense<true> : vector<16xi1>
        %parallel_loop3A_1044, %parallel_loop3A_1045, %parallel_loop3A_1046 = tpu.sort %parallel_loop3A_996, %parallel_loop3A_996 masked %parallel_loop3A_1043 : (vector<16xf32>, vector<16xf32>, vector<16xi1>) -> (vector<16xi1>, vector<16xf32>, vector<16xf32>)
        %parallel_loop3A_1047 = arith.constant dense<true> : vector<16xi1>
        %parallel_loop3A_1048, %parallel_loop3A_1049, %parallel_loop3A_1050 = tpu.sort %parallel_loop3A_997, %parallel_loop3A_997 masked %parallel_loop3A_1047 : (vector<16xf32>, vector<16xf32>, vector<16xi1>) -> (vector<16xi1>, vector<16xf32>, vector<16xf32>)
        %parallel_loop3A_1051 = arith.constant dense<true> : vector<16xi1>
        %parallel_loop3A_1052, %parallel_loop3A_1053, %parallel_loop3A_1054 = tpu.sort %parallel_loop3A_998, %parallel_loop3A_998 masked %parallel_loop3A_1051 : (vector<16xf32>, vector<16xf32>, vector<16xi1>) -> (vector<16xi1>, vector<16xf32>, vector<16xf32>)
        %parallel_loop3A_1055 = arith.constant dense<true> : vector<16xi1>
        %parallel_loop3A_1056, %parallel_loop3A_1057, %parallel_loop3A_1058 = tpu.sort %parallel_loop3A_999, %parallel_loop3A_999 masked %parallel_loop3A_1055 : (vector<16xf32>, vector<16xf32>, vector<16xi1>) -> (vector<16xi1>, vector<16xf32>, vector<16xf32>)
        %parallel_loop3A_1059 = arith.constant dense<true> : vector<16xi1>
        %parallel_loop3A_1060, %parallel_loop3A_1061, %parallel_loop3A_1062 = tpu.sort %parallel_loop3A_1000, %parallel_loop3A_1000 masked %parallel_loop3A_1059 : (vector<16xf32>, vector<16xf32>, vector<16xi1>) -> (vector<16xi1>, vector<16xf32>, vector<16xf32>)
        %parallel_loop3A_1063 = arith.constant dense<true> : vector<16xi1>
        %parallel_loop3A_1064, %parallel_loop3A_1065, %parallel_loop3A_1066 = tpu.sort %parallel_loop3A_1001, %parallel_loop3A_1001 masked %parallel_loop3A_1063 : (vector<16xf32>, vector<16xf32>, vector<16xi1>) -> (vector<16xi1>, vector<16xf32>, vector<16xf32>)
        %parallel_loop3A_1067 = arith.constant dense<true> : vector<16xi1>
        %parallel_loop3A_1068, %parallel_loop3A_1069, %parallel_loop3A_1070 = tpu.sort %parallel_loop3A_1002, %parallel_loop3A_1002 masked %parallel_loop3A_1067 : (vector<16xf32>, vector<16xf32>, vector<16xi1>) -> (vector<16xi1>, vector<16xf32>, vector<16xf32>)
        %parallel_loop3A_1071 = arith.constant dense<true> : vector<16xi1>
        %parallel_loop3A_1072, %parallel_loop3A_1073, %parallel_loop3A_1074 = tpu.sort %parallel_loop3A_1003, %parallel_loop3A_1003 masked %parallel_loop3A_1071 : (vector<16xf32>, vector<16xf32>, vector<16xi1>) -> (vector<16xi1>, vector<16xf32>, vector<16xf32>)
        %parallel_loop3A_1075 = arith.constant dense<true> : vector<16xi1>
        %parallel_loop3A_1076, %parallel_loop3A_1077, %parallel_loop3A_1078 = tpu.sort %parallel_loop3A_1004, %parallel_loop3A_1004 masked %parallel_loop3A_1075 : (vector<16xf32>, vector<16xf32>, vector<16xi1>) -> (vector<16xi1>, vector<16xf32>, vector<16xf32>)
        %parallel_loop3A_1079 = arith.constant dense<true> : vector<16xi1>
        %parallel_loop3A_1080, %parallel_loop3A_1081, %parallel_loop3A_1082 = tpu.sort %parallel_loop3A_1005, %parallel_loop3A_1005 masked %parallel_loop3A_1079 : (vector<16xf32>, vector<16xf32>, vector<16xi1>) -> (vector<16xi1>, vector<16xf32>, vector<16xf32>)
        %parallel_loop3A_1083 = arith.constant dense<true> : vector<16xi1>
        %parallel_loop3A_1084, %parallel_loop3A_1085, %parallel_loop3A_1086 = tpu.sort %parallel_loop3A_1006, %parallel_loop3A_1006 masked %parallel_loop3A_1083 : (vector<16xf32>, vector<16xf32>, vector<16xi1>) -> (vector<16xi1>, vector<16xf32>, vector<16xf32>)
        %parallel_loop3A_1087 = arith.constant dense<true> : vector<16xi1>
        %parallel_loop3A_1088, %parallel_loop3A_1089, %parallel_loop3A_1090 = tpu.sort %parallel_loop3A_1008, %parallel_loop3A_1008 masked %parallel_loop3A_1087 {descending = true} : (vector<16xf32>, vector<16xf32>, vector<16xi1>) -> (vector<16xi1>, vector<16xf32>, vector<16xf32>)
        %parallel_loop3A_1091 = arith.constant dense<true> : vector<16xi1>
        %parallel_loop3A_1092, %parallel_loop3A_1093, %parallel_loop3A_1094 = tpu.sort %parallel_loop3A_1007, %parallel_loop3A_1007 masked %parallel_loop3A_1091 {descending = true} : (vector<16xf32>, vector<16xf32>, vector<16xi1>) -> (vector<16xi1>, vector<16xf32>, vector<16xf32>)
        %parallel_loop3A_1095 = arith.constant dense<true> : vector<16xi1>
        %parallel_loop3A_1096, %parallel_loop3A_1097, %parallel_loop3A_1098 = tpu.sort %parallel_loop3A_1010, %parallel_loop3A_1010 masked %parallel_loop3A_1095 {descending = true} : (vector<16xf32>, vector<16xf32>, vector<16xi1>) -> (vector<16xi1>, vector<16xf32>, vector<16xf32>)
        %parallel_loop3A_1099 = arith.constant dense<true> : vector<16xi1>
        %parallel_loop3A_1100, %parallel_loop3A_1101, %parallel_loop3A_1102 = tpu.sort %parallel_loop3A_1009, %parallel_loop3A_1009 masked %parallel_loop3A_1099 {descending = true} : (vector<16xf32>, vector<16xf32>, vector<16xi1>) -> (vector<16xi1>, vector<16xf32>, vector<16xf32>)
        %parallel_loop3A_1103 = arith.constant dense<true> : vector<16xi1>
        %parallel_loop3A_1104, %parallel_loop3A_1105, %parallel_loop3A_1106 = tpu.sort %parallel_loop3A_1012, %parallel_loop3A_1012 masked %parallel_loop3A_1103 {descending = true} : (vector<16xf32>, vector<16xf32>, vector<16xi1>) -> (vector<16xi1>, vector<16xf32>, vector<16xf32>)
        %parallel_loop3A_1107 = arith.constant dense<true> : vector<16xi1>
        %parallel_loop3A_1108, %parallel_loop3A_1109, %parallel_loop3A_1110 = tpu.sort %parallel_loop3A_1011, %parallel_loop3A_1011 masked %parallel_loop3A_1107 {descending = true} : (vector<16xf32>, vector<16xf32>, vector<16xi1>) -> (vector<16xi1>, vector<16xf32>, vector<16xf32>)
        %parallel_loop3A_1111 = arith.constant dense<true> : vector<16xi1>
        %parallel_loop3A_1112, %parallel_loop3A_1113, %parallel_loop3A_1114 = tpu.sort %parallel_loop3A_1014, %parallel_loop3A_1014 masked %parallel_loop3A_1111 {descending = true} : (vector<16xf32>, vector<16xf32>, vector<16xi1>) -> (vector<16xi1>, vector<16xf32>, vector<16xf32>)
        %parallel_loop3A_1115 = arith.constant dense<true> : vector<16xi1>
        %parallel_loop3A_1116, %parallel_loop3A_1117, %parallel_loop3A_1118 = tpu.sort %parallel_loop3A_1013, %parallel_loop3A_1013 masked %parallel_loop3A_1115 {descending = true} : (vector<16xf32>, vector<16xf32>, vector<16xi1>) -> (vector<16xi1>, vector<16xf32>, vector<16xf32>)
        %parallel_loop3A_1119 = arith.constant dense<true> : vector<16xi1>
        %parallel_loop3A_1120, %parallel_loop3A_1121, %parallel_loop3A_1122 = tpu.sort %parallel_loop3A_1016, %parallel_loop3A_1016 masked %parallel_loop3A_1119 {descending = true} : (vector<16xf32>, vector<16xf32>, vector<16xi1>) -> (vector<16xi1>, vector<16xf32>, vector<16xf32>)
        %parallel_loop3A_1123 = arith.constant dense<true> : vector<16xi1>
        %parallel_loop3A_1124, %parallel_loop3A_1125, %parallel_loop3A_1126 = tpu.sort %parallel_loop3A_1015, %parallel_loop3A_1015 masked %parallel_loop3A_1123 {descending = true} : (vector<16xf32>, vector<16xf32>, vector<16xi1>) -> (vector<16xi1>, vector<16xf32>, vector<16xf32>)
        %parallel_loop3A_1127 = arith.constant dense<true> : vector<16xi1>
        %parallel_loop3A_1128, %parallel_loop3A_1129, %parallel_loop3A_1130 = tpu.sort %parallel_loop3A_1018, %parallel_loop3A_1018 masked %parallel_loop3A_1127 {descending = true} : (vector<16xf32>, vector<16xf32>, vector<16xi1>) -> (vector<16xi1>, vector<16xf32>, vector<16xf32>)
        %parallel_loop3A_1131 = arith.constant dense<true> : vector<16xi1>
        %parallel_loop3A_1132, %parallel_loop3A_1133, %parallel_loop3A_1134 = tpu.sort %parallel_loop3A_1017, %parallel_loop3A_1017 masked %parallel_loop3A_1131 {descending = true} : (vector<16xf32>, vector<16xf32>, vector<16xi1>) -> (vector<16xi1>, vector<16xf32>, vector<16xf32>)
        %parallel_loop3A_1135 = arith.constant dense<true> : vector<16xi1>
        %parallel_loop3A_1136, %parallel_loop3A_1137, %parallel_loop3A_1138 = tpu.sort %parallel_loop3A_1020, %parallel_loop3A_1020 masked %parallel_loop3A_1135 {descending = true} : (vector<16xf32>, vector<16xf32>, vector<16xi1>) -> (vector<16xi1>, vector<16xf32>, vector<16xf32>)
        %parallel_loop3A_1139 = arith.constant dense<true> : vector<16xi1>
        %parallel_loop3A_1140, %parallel_loop3A_1141, %parallel_loop3A_1142 = tpu.sort %parallel_loop3A_1019, %parallel_loop3A_1019 masked %parallel_loop3A_1139 {descending = true} : (vector<16xf32>, vector<16xf32>, vector<16xi1>) -> (vector<16xi1>, vector<16xf32>, vector<16xf32>)
        %parallel_loop3A_1143 = arith.constant dense<true> : vector<16xi1>
        %parallel_loop3A_1144, %parallel_loop3A_1145, %parallel_loop3A_1146 = tpu.sort %parallel_loop3A_1022, %parallel_loop3A_1022 masked %parallel_loop3A_1143 {descending = true} : (vector<16xf32>, vector<16xf32>, vector<16xi1>) -> (vector<16xi1>, vector<16xf32>, vector<16xf32>)
        %parallel_loop3A_1147 = arith.constant dense<true> : vector<16xi1>
        %parallel_loop3A_1148, %parallel_loop3A_1149, %parallel_loop3A_1150 = tpu.sort %parallel_loop3A_1021, %parallel_loop3A_1021 masked %parallel_loop3A_1147 {descending = true} : (vector<16xf32>, vector<16xf32>, vector<16xi1>) -> (vector<16xi1>, vector<16xf32>, vector<16xf32>)
        %parallel_loop3A_1151 = arith.minimumf %parallel_loop3A_1025, %parallel_loop3A_1089 : vector<16xf32>
        %parallel_loop3A_1152 = arith.maximumf %parallel_loop3A_1025, %parallel_loop3A_1089 : vector<16xf32>
        %parallel_loop3A_1153 = arith.minimumf %parallel_loop3A_1029, %parallel_loop3A_1093 : vector<16xf32>
        %parallel_loop3A_1154 = arith.maximumf %parallel_loop3A_1029, %parallel_loop3A_1093 : vector<16xf32>
        %parallel_loop3A_1155 = arith.minimumf %parallel_loop3A_1033, %parallel_loop3A_1097 : vector<16xf32>
        %parallel_loop3A_1156 = arith.maximumf %parallel_loop3A_1033, %parallel_loop3A_1097 : vector<16xf32>
        %parallel_loop3A_1157 = arith.minimumf %parallel_loop3A_1037, %parallel_loop3A_1101 : vector<16xf32>
        %parallel_loop3A_1158 = arith.maximumf %parallel_loop3A_1037, %parallel_loop3A_1101 : vector<16xf32>
        %parallel_loop3A_1159 = arith.minimumf %parallel_loop3A_1041, %parallel_loop3A_1105 : vector<16xf32>
        %parallel_loop3A_1160 = arith.maximumf %parallel_loop3A_1041, %parallel_loop3A_1105 : vector<16xf32>
        %parallel_loop3A_1161 = arith.minimumf %parallel_loop3A_1045, %parallel_loop3A_1109 : vector<16xf32>
        %parallel_loop3A_1162 = arith.maximumf %parallel_loop3A_1045, %parallel_loop3A_1109 : vector<16xf32>
        %parallel_loop3A_1163 = arith.minimumf %parallel_loop3A_1049, %parallel_loop3A_1113 : vector<16xf32>
        %parallel_loop3A_1164 = arith.maximumf %parallel_loop3A_1049, %parallel_loop3A_1113 : vector<16xf32>
        %parallel_loop3A_1165 = arith.minimumf %parallel_loop3A_1053, %parallel_loop3A_1117 : vector<16xf32>
        %parallel_loop3A_1166 = arith.maximumf %parallel_loop3A_1053, %parallel_loop3A_1117 : vector<16xf32>
        %parallel_loop3A_1167 = arith.minimumf %parallel_loop3A_1057, %parallel_loop3A_1121 : vector<16xf32>
        %parallel_loop3A_1168 = arith.maximumf %parallel_loop3A_1057, %parallel_loop3A_1121 : vector<16xf32>
        %parallel_loop3A_1169 = arith.minimumf %parallel_loop3A_1061, %parallel_loop3A_1125 : vector<16xf32>
        %parallel_loop3A_1170 = arith.maximumf %parallel_loop3A_1061, %parallel_loop3A_1125 : vector<16xf32>
        %parallel_loop3A_1171 = arith.minimumf %parallel_loop3A_1065, %parallel_loop3A_1129 : vector<16xf32>
        %parallel_loop3A_1172 = arith.maximumf %parallel_loop3A_1065, %parallel_loop3A_1129 : vector<16xf32>
        %parallel_loop3A_1173 = arith.minimumf %parallel_loop3A_1069, %parallel_loop3A_1133 : vector<16xf32>
        %parallel_loop3A_1174 = arith.maximumf %parallel_loop3A_1069, %parallel_loop3A_1133 : vector<16xf32>
        %parallel_loop3A_1175 = arith.minimumf %parallel_loop3A_1073, %parallel_loop3A_1137 : vector<16xf32>
        %parallel_loop3A_1176 = arith.maximumf %parallel_loop3A_1073, %parallel_loop3A_1137 : vector<16xf32>
        %parallel_loop3A_1177 = arith.minimumf %parallel_loop3A_1077, %parallel_loop3A_1141 : vector<16xf32>
        %parallel_loop3A_1178 = arith.maximumf %parallel_loop3A_1077, %parallel_loop3A_1141 : vector<16xf32>
        %parallel_loop3A_1179 = arith.minimumf %parallel_loop3A_1081, %parallel_loop3A_1145 : vector<16xf32>
        %parallel_loop3A_1180 = arith.maximumf %parallel_loop3A_1081, %parallel_loop3A_1145 : vector<16xf32>
        %parallel_loop3A_1181 = arith.minimumf %parallel_loop3A_1085, %parallel_loop3A_1149 : vector<16xf32>
        %parallel_loop3A_1182 = arith.maximumf %parallel_loop3A_1085, %parallel_loop3A_1149 : vector<16xf32>
        %parallel_loop3A_1183 = arith.minimumf %parallel_loop3A_1151, %parallel_loop3A_1167 : vector<16xf32>
        %parallel_loop3A_1184 = arith.maximumf %parallel_loop3A_1151, %parallel_loop3A_1167 : vector<16xf32>
        %parallel_loop3A_1185 = arith.minimumf %parallel_loop3A_1153, %parallel_loop3A_1169 : vector<16xf32>
        %parallel_loop3A_1186 = arith.maximumf %parallel_loop3A_1153, %parallel_loop3A_1169 : vector<16xf32>
        %parallel_loop3A_1187 = arith.minimumf %parallel_loop3A_1155, %parallel_loop3A_1171 : vector<16xf32>
        %parallel_loop3A_1188 = arith.maximumf %parallel_loop3A_1155, %parallel_loop3A_1171 : vector<16xf32>
        %parallel_loop3A_1189 = arith.minimumf %parallel_loop3A_1157, %parallel_loop3A_1173 : vector<16xf32>
        %parallel_loop3A_1190 = arith.maximumf %parallel_loop3A_1157, %parallel_loop3A_1173 : vector<16xf32>
        %parallel_loop3A_1191 = arith.minimumf %parallel_loop3A_1159, %parallel_loop3A_1175 : vector<16xf32>
        %parallel_loop3A_1192 = arith.maximumf %parallel_loop3A_1159, %parallel_loop3A_1175 : vector<16xf32>
        %parallel_loop3A_1193 = arith.minimumf %parallel_loop3A_1161, %parallel_loop3A_1177 : vector<16xf32>
        %parallel_loop3A_1194 = arith.maximumf %parallel_loop3A_1161, %parallel_loop3A_1177 : vector<16xf32>
        %parallel_loop3A_1195 = arith.minimumf %parallel_loop3A_1163, %parallel_loop3A_1179 : vector<16xf32>
        %parallel_loop3A_1196 = arith.maximumf %parallel_loop3A_1163, %parallel_loop3A_1179 : vector<16xf32>
        %parallel_loop3A_1197 = arith.minimumf %parallel_loop3A_1165, %parallel_loop3A_1181 : vector<16xf32>
        %parallel_loop3A_1198 = arith.maximumf %parallel_loop3A_1165, %parallel_loop3A_1181 : vector<16xf32>
        %parallel_loop3A_1199 = arith.minimumf %parallel_loop3A_1152, %parallel_loop3A_1168 : vector<16xf32>
        %parallel_loop3A_1200 = arith.maximumf %parallel_loop3A_1152, %parallel_loop3A_1168 : vector<16xf32>
        %parallel_loop3A_1201 = arith.minimumf %parallel_loop3A_1154, %parallel_loop3A_1170 : vector<16xf32>
        %parallel_loop3A_1202 = arith.maximumf %parallel_loop3A_1154, %parallel_loop3A_1170 : vector<16xf32>
        %parallel_loop3A_1203 = arith.minimumf %parallel_loop3A_1156, %parallel_loop3A_1172 : vector<16xf32>
        %parallel_loop3A_1204 = arith.maximumf %parallel_loop3A_1156, %parallel_loop3A_1172 : vector<16xf32>
        %parallel_loop3A_1205 = arith.minimumf %parallel_loop3A_1158, %parallel_loop3A_1174 : vector<16xf32>
        %parallel_loop3A_1206 = arith.maximumf %parallel_loop3A_1158, %parallel_loop3A_1174 : vector<16xf32>
        %parallel_loop3A_1207 = arith.minimumf %parallel_loop3A_1160, %parallel_loop3A_1176 : vector<16xf32>
        %parallel_loop3A_1208 = arith.maximumf %parallel_loop3A_1160, %parallel_loop3A_1176 : vector<16xf32>
        %parallel_loop3A_1209 = arith.minimumf %parallel_loop3A_1162, %parallel_loop3A_1178 : vector<16xf32>
        %parallel_loop3A_1210 = arith.maximumf %parallel_loop3A_1162, %parallel_loop3A_1178 : vector<16xf32>
        %parallel_loop3A_1211 = arith.minimumf %parallel_loop3A_1164, %parallel_loop3A_1180 : vector<16xf32>
        %parallel_loop3A_1212 = arith.maximumf %parallel_loop3A_1164, %parallel_loop3A_1180 : vector<16xf32>
        %parallel_loop3A_1213 = arith.minimumf %parallel_loop3A_1166, %parallel_loop3A_1182 : vector<16xf32>
        %parallel_loop3A_1214 = arith.maximumf %parallel_loop3A_1166, %parallel_loop3A_1182 : vector<16xf32>
        %parallel_loop3A_1215 = arith.minimumf %parallel_loop3A_1183, %parallel_loop3A_1191 : vector<16xf32>
        %parallel_loop3A_1216 = arith.maximumf %parallel_loop3A_1183, %parallel_loop3A_1191 : vector<16xf32>
        %parallel_loop3A_1217 = arith.minimumf %parallel_loop3A_1185, %parallel_loop3A_1193 : vector<16xf32>
        %parallel_loop3A_1218 = arith.maximumf %parallel_loop3A_1185, %parallel_loop3A_1193 : vector<16xf32>
        %parallel_loop3A_1219 = arith.minimumf %parallel_loop3A_1187, %parallel_loop3A_1195 : vector<16xf32>
        %parallel_loop3A_1220 = arith.maximumf %parallel_loop3A_1187, %parallel_loop3A_1195 : vector<16xf32>
        %parallel_loop3A_1221 = arith.minimumf %parallel_loop3A_1189, %parallel_loop3A_1197 : vector<16xf32>
        %parallel_loop3A_1222 = arith.maximumf %parallel_loop3A_1189, %parallel_loop3A_1197 : vector<16xf32>
        %parallel_loop3A_1223 = arith.minimumf %parallel_loop3A_1184, %parallel_loop3A_1192 : vector<16xf32>
        %parallel_loop3A_1224 = arith.maximumf %parallel_loop3A_1184, %parallel_loop3A_1192 : vector<16xf32>
        %parallel_loop3A_1225 = arith.minimumf %parallel_loop3A_1186, %parallel_loop3A_1194 : vector<16xf32>
        %parallel_loop3A_1226 = arith.maximumf %parallel_loop3A_1186, %parallel_loop3A_1194 : vector<16xf32>
        %parallel_loop3A_1227 = arith.minimumf %parallel_loop3A_1188, %parallel_loop3A_1196 : vector<16xf32>
        %parallel_loop3A_1228 = arith.maximumf %parallel_loop3A_1188, %parallel_loop3A_1196 : vector<16xf32>
        %parallel_loop3A_1229 = arith.minimumf %parallel_loop3A_1190, %parallel_loop3A_1198 : vector<16xf32>
        %parallel_loop3A_1230 = arith.maximumf %parallel_loop3A_1190, %parallel_loop3A_1198 : vector<16xf32>
        %parallel_loop3A_1231 = arith.minimumf %parallel_loop3A_1199, %parallel_loop3A_1207 : vector<16xf32>
        %parallel_loop3A_1232 = arith.maximumf %parallel_loop3A_1199, %parallel_loop3A_1207 : vector<16xf32>
        %parallel_loop3A_1233 = arith.minimumf %parallel_loop3A_1201, %parallel_loop3A_1209 : vector<16xf32>
        %parallel_loop3A_1234 = arith.maximumf %parallel_loop3A_1201, %parallel_loop3A_1209 : vector<16xf32>
        %parallel_loop3A_1235 = arith.minimumf %parallel_loop3A_1203, %parallel_loop3A_1211 : vector<16xf32>
        %parallel_loop3A_1236 = arith.maximumf %parallel_loop3A_1203, %parallel_loop3A_1211 : vector<16xf32>
        %parallel_loop3A_1237 = arith.minimumf %parallel_loop3A_1205, %parallel_loop3A_1213 : vector<16xf32>
        %parallel_loop3A_1238 = arith.maximumf %parallel_loop3A_1205, %parallel_loop3A_1213 : vector<16xf32>
        %parallel_loop3A_1239 = arith.minimumf %parallel_loop3A_1200, %parallel_loop3A_1208 : vector<16xf32>
        %parallel_loop3A_1240 = arith.maximumf %parallel_loop3A_1200, %parallel_loop3A_1208 : vector<16xf32>
        %parallel_loop3A_1241 = arith.minimumf %parallel_loop3A_1202, %parallel_loop3A_1210 : vector<16xf32>
        %parallel_loop3A_1242 = arith.maximumf %parallel_loop3A_1202, %parallel_loop3A_1210 : vector<16xf32>
        %parallel_loop3A_1243 = arith.minimumf %parallel_loop3A_1204, %parallel_loop3A_1212 : vector<16xf32>
        %parallel_loop3A_1244 = arith.maximumf %parallel_loop3A_1204, %parallel_loop3A_1212 : vector<16xf32>
        %parallel_loop3A_1245 = arith.minimumf %parallel_loop3A_1206, %parallel_loop3A_1214 : vector<16xf32>
        %parallel_loop3A_1246 = arith.maximumf %parallel_loop3A_1206, %parallel_loop3A_1214 : vector<16xf32>
        %parallel_loop3A_1247 = arith.minimumf %parallel_loop3A_1215, %parallel_loop3A_1219 : vector<16xf32>
        %parallel_loop3A_1248 = arith.maximumf %parallel_loop3A_1215, %parallel_loop3A_1219 : vector<16xf32>
        %parallel_loop3A_1249 = arith.minimumf %parallel_loop3A_1217, %parallel_loop3A_1221 : vector<16xf32>
        %parallel_loop3A_1250 = arith.maximumf %parallel_loop3A_1217, %parallel_loop3A_1221 : vector<16xf32>
        %parallel_loop3A_1251 = arith.minimumf %parallel_loop3A_1216, %parallel_loop3A_1220 : vector<16xf32>
        %parallel_loop3A_1252 = arith.maximumf %parallel_loop3A_1216, %parallel_loop3A_1220 : vector<16xf32>
        %parallel_loop3A_1253 = arith.minimumf %parallel_loop3A_1218, %parallel_loop3A_1222 : vector<16xf32>
        %parallel_loop3A_1254 = arith.maximumf %parallel_loop3A_1218, %parallel_loop3A_1222 : vector<16xf32>
        %parallel_loop3A_1255 = arith.minimumf %parallel_loop3A_1223, %parallel_loop3A_1227 : vector<16xf32>
        %parallel_loop3A_1256 = arith.maximumf %parallel_loop3A_1223, %parallel_loop3A_1227 : vector<16xf32>
        %parallel_loop3A_1257 = arith.minimumf %parallel_loop3A_1225, %parallel_loop3A_1229 : vector<16xf32>
        %parallel_loop3A_1258 = arith.maximumf %parallel_loop3A_1225, %parallel_loop3A_1229 : vector<16xf32>
        %parallel_loop3A_1259 = arith.minimumf %parallel_loop3A_1224, %parallel_loop3A_1228 : vector<16xf32>
        %parallel_loop3A_1260 = arith.maximumf %parallel_loop3A_1224, %parallel_loop3A_1228 : vector<16xf32>
        %parallel_loop3A_1261 = arith.minimumf %parallel_loop3A_1226, %parallel_loop3A_1230 : vector<16xf32>
        %parallel_loop3A_1262 = arith.maximumf %parallel_loop3A_1226, %parallel_loop3A_1230 : vector<16xf32>
        %parallel_loop3A_1263 = arith.minimumf %parallel_loop3A_1231, %parallel_loop3A_1235 : vector<16xf32>
        %parallel_loop3A_1264 = arith.maximumf %parallel_loop3A_1231, %parallel_loop3A_1235 : vector<16xf32>
        %parallel_loop3A_1265 = arith.minimumf %parallel_loop3A_1233, %parallel_loop3A_1237 : vector<16xf32>
        %parallel_loop3A_1266 = arith.maximumf %parallel_loop3A_1233, %parallel_loop3A_1237 : vector<16xf32>
        %parallel_loop3A_1267 = arith.minimumf %parallel_loop3A_1232, %parallel_loop3A_1236 : vector<16xf32>
        %parallel_loop3A_1268 = arith.maximumf %parallel_loop3A_1232, %parallel_loop3A_1236 : vector<16xf32>
        %parallel_loop3A_1269 = arith.minimumf %parallel_loop3A_1234, %parallel_loop3A_1238 : vector<16xf32>
        %parallel_loop3A_1270 = arith.maximumf %parallel_loop3A_1234, %parallel_loop3A_1238 : vector<16xf32>
        %parallel_loop3A_1271 = arith.minimumf %parallel_loop3A_1239, %parallel_loop3A_1243 : vector<16xf32>
        %parallel_loop3A_1272 = arith.maximumf %parallel_loop3A_1239, %parallel_loop3A_1243 : vector<16xf32>
        %parallel_loop3A_1273 = arith.minimumf %parallel_loop3A_1241, %parallel_loop3A_1245 : vector<16xf32>
        %parallel_loop3A_1274 = arith.maximumf %parallel_loop3A_1241, %parallel_loop3A_1245 : vector<16xf32>
        %parallel_loop3A_1275 = arith.minimumf %parallel_loop3A_1240, %parallel_loop3A_1244 : vector<16xf32>
        %parallel_loop3A_1276 = arith.maximumf %parallel_loop3A_1240, %parallel_loop3A_1244 : vector<16xf32>
        %parallel_loop3A_1277 = arith.minimumf %parallel_loop3A_1242, %parallel_loop3A_1246 : vector<16xf32>
        %parallel_loop3A_1278 = arith.maximumf %parallel_loop3A_1242, %parallel_loop3A_1246 : vector<16xf32>
        %parallel_loop3A_1279 = arith.minimumf %parallel_loop3A_1247, %parallel_loop3A_1249 : vector<16xf32>
        %parallel_loop3A_1280 = arith.maximumf %parallel_loop3A_1247, %parallel_loop3A_1249 : vector<16xf32>
        %parallel_loop3A_1281 = arith.minimumf %parallel_loop3A_1248, %parallel_loop3A_1250 : vector<16xf32>
        %parallel_loop3A_1282 = arith.maximumf %parallel_loop3A_1248, %parallel_loop3A_1250 : vector<16xf32>
        %parallel_loop3A_1283 = arith.minimumf %parallel_loop3A_1251, %parallel_loop3A_1253 : vector<16xf32>
        %parallel_loop3A_1284 = arith.maximumf %parallel_loop3A_1251, %parallel_loop3A_1253 : vector<16xf32>
        %parallel_loop3A_1285 = arith.minimumf %parallel_loop3A_1252, %parallel_loop3A_1254 : vector<16xf32>
        %parallel_loop3A_1286 = arith.maximumf %parallel_loop3A_1252, %parallel_loop3A_1254 : vector<16xf32>
        %parallel_loop3A_1287 = arith.minimumf %parallel_loop3A_1255, %parallel_loop3A_1257 : vector<16xf32>
        %parallel_loop3A_1288 = arith.maximumf %parallel_loop3A_1255, %parallel_loop3A_1257 : vector<16xf32>
        %parallel_loop3A_1289 = arith.minimumf %parallel_loop3A_1256, %parallel_loop3A_1258 : vector<16xf32>
        %parallel_loop3A_1290 = arith.maximumf %parallel_loop3A_1256, %parallel_loop3A_1258 : vector<16xf32>
        %parallel_loop3A_1291 = arith.minimumf %parallel_loop3A_1259, %parallel_loop3A_1261 : vector<16xf32>
        %parallel_loop3A_1292 = arith.maximumf %parallel_loop3A_1259, %parallel_loop3A_1261 : vector<16xf32>
        %parallel_loop3A_1293 = arith.minimumf %parallel_loop3A_1260, %parallel_loop3A_1262 : vector<16xf32>
        %parallel_loop3A_1294 = arith.maximumf %parallel_loop3A_1260, %parallel_loop3A_1262 : vector<16xf32>
        %parallel_loop3A_1295 = arith.minimumf %parallel_loop3A_1263, %parallel_loop3A_1265 : vector<16xf32>
        %parallel_loop3A_1296 = arith.maximumf %parallel_loop3A_1263, %parallel_loop3A_1265 : vector<16xf32>
        %parallel_loop3A_1297 = arith.minimumf %parallel_loop3A_1264, %parallel_loop3A_1266 : vector<16xf32>
        %parallel_loop3A_1298 = arith.maximumf %parallel_loop3A_1264, %parallel_loop3A_1266 : vector<16xf32>
        %parallel_loop3A_1299 = arith.minimumf %parallel_loop3A_1267, %parallel_loop3A_1269 : vector<16xf32>
        %parallel_loop3A_1300 = arith.maximumf %parallel_loop3A_1267, %parallel_loop3A_1269 : vector<16xf32>
        %parallel_loop3A_1301 = arith.minimumf %parallel_loop3A_1268, %parallel_loop3A_1270 : vector<16xf32>
        %parallel_loop3A_1302 = arith.maximumf %parallel_loop3A_1268, %parallel_loop3A_1270 : vector<16xf32>
        %parallel_loop3A_1303 = arith.minimumf %parallel_loop3A_1271, %parallel_loop3A_1273 : vector<16xf32>
        %parallel_loop3A_1304 = arith.maximumf %parallel_loop3A_1271, %parallel_loop3A_1273 : vector<16xf32>
        %parallel_loop3A_1305 = arith.minimumf %parallel_loop3A_1272, %parallel_loop3A_1274 : vector<16xf32>
        %parallel_loop3A_1306 = arith.maximumf %parallel_loop3A_1272, %parallel_loop3A_1274 : vector<16xf32>
        %parallel_loop3A_1307 = arith.minimumf %parallel_loop3A_1275, %parallel_loop3A_1277 : vector<16xf32>
        %parallel_loop3A_1308 = arith.maximumf %parallel_loop3A_1275, %parallel_loop3A_1277 : vector<16xf32>
        %parallel_loop3A_1309 = arith.minimumf %parallel_loop3A_1276, %parallel_loop3A_1278 : vector<16xf32>
        %parallel_loop3A_1310 = arith.maximumf %parallel_loop3A_1276, %parallel_loop3A_1278 : vector<16xf32>
        %parallel_loop3A_1311 = arith.constant dense<true> : vector<16xi1>
        %parallel_loop3A_1312, %parallel_loop3A_1313, %parallel_loop3A_1314 = tpu.sort %parallel_loop3A_1279, %parallel_loop3A_1279 masked %parallel_loop3A_1311 : (vector<16xf32>, vector<16xf32>, vector<16xi1>) -> (vector<16xi1>, vector<16xf32>, vector<16xf32>)
        %parallel_loop3A_1315 = arith.constant dense<true> : vector<16xi1>
        %parallel_loop3A_1316, %parallel_loop3A_1317, %parallel_loop3A_1318 = tpu.sort %parallel_loop3A_1280, %parallel_loop3A_1280 masked %parallel_loop3A_1315 : (vector<16xf32>, vector<16xf32>, vector<16xi1>) -> (vector<16xi1>, vector<16xf32>, vector<16xf32>)
        %parallel_loop3A_1319 = arith.constant dense<true> : vector<16xi1>
        %parallel_loop3A_1320, %parallel_loop3A_1321, %parallel_loop3A_1322 = tpu.sort %parallel_loop3A_1281, %parallel_loop3A_1281 masked %parallel_loop3A_1319 : (vector<16xf32>, vector<16xf32>, vector<16xi1>) -> (vector<16xi1>, vector<16xf32>, vector<16xf32>)
        %parallel_loop3A_1323 = arith.constant dense<true> : vector<16xi1>
        %parallel_loop3A_1324, %parallel_loop3A_1325, %parallel_loop3A_1326 = tpu.sort %parallel_loop3A_1282, %parallel_loop3A_1282 masked %parallel_loop3A_1323 : (vector<16xf32>, vector<16xf32>, vector<16xi1>) -> (vector<16xi1>, vector<16xf32>, vector<16xf32>)
        %parallel_loop3A_1327 = arith.constant dense<true> : vector<16xi1>
        %parallel_loop3A_1328, %parallel_loop3A_1329, %parallel_loop3A_1330 = tpu.sort %parallel_loop3A_1283, %parallel_loop3A_1283 masked %parallel_loop3A_1327 : (vector<16xf32>, vector<16xf32>, vector<16xi1>) -> (vector<16xi1>, vector<16xf32>, vector<16xf32>)
        %parallel_loop3A_1331 = arith.constant dense<true> : vector<16xi1>
        %parallel_loop3A_1332, %parallel_loop3A_1333, %parallel_loop3A_1334 = tpu.sort %parallel_loop3A_1284, %parallel_loop3A_1284 masked %parallel_loop3A_1331 : (vector<16xf32>, vector<16xf32>, vector<16xi1>) -> (vector<16xi1>, vector<16xf32>, vector<16xf32>)
        %parallel_loop3A_1335 = arith.constant dense<true> : vector<16xi1>
        %parallel_loop3A_1336, %parallel_loop3A_1337, %parallel_loop3A_1338 = tpu.sort %parallel_loop3A_1285, %parallel_loop3A_1285 masked %parallel_loop3A_1335 : (vector<16xf32>, vector<16xf32>, vector<16xi1>) -> (vector<16xi1>, vector<16xf32>, vector<16xf32>)
        %parallel_loop3A_1339 = arith.constant dense<true> : vector<16xi1>
        %parallel_loop3A_1340, %parallel_loop3A_1341, %parallel_loop3A_1342 = tpu.sort %parallel_loop3A_1286, %parallel_loop3A_1286 masked %parallel_loop3A_1339 : (vector<16xf32>, vector<16xf32>, vector<16xi1>) -> (vector<16xi1>, vector<16xf32>, vector<16xf32>)
        %parallel_loop3A_1343 = arith.constant dense<true> : vector<16xi1>
        %parallel_loop3A_1344, %parallel_loop3A_1345, %parallel_loop3A_1346 = tpu.sort %parallel_loop3A_1287, %parallel_loop3A_1287 masked %parallel_loop3A_1343 : (vector<16xf32>, vector<16xf32>, vector<16xi1>) -> (vector<16xi1>, vector<16xf32>, vector<16xf32>)
        %parallel_loop3A_1347 = arith.constant dense<true> : vector<16xi1>
        %parallel_loop3A_1348, %parallel_loop3A_1349, %parallel_loop3A_1350 = tpu.sort %parallel_loop3A_1288, %parallel_loop3A_1288 masked %parallel_loop3A_1347 : (vector<16xf32>, vector<16xf32>, vector<16xi1>) -> (vector<16xi1>, vector<16xf32>, vector<16xf32>)
        %parallel_loop3A_1351 = arith.constant dense<true> : vector<16xi1>
        %parallel_loop3A_1352, %parallel_loop3A_1353, %parallel_loop3A_1354 = tpu.sort %parallel_loop3A_1289, %parallel_loop3A_1289 masked %parallel_loop3A_1351 : (vector<16xf32>, vector<16xf32>, vector<16xi1>) -> (vector<16xi1>, vector<16xf32>, vector<16xf32>)
        %parallel_loop3A_1355 = arith.constant dense<true> : vector<16xi1>
        %parallel_loop3A_1356, %parallel_loop3A_1357, %parallel_loop3A_1358 = tpu.sort %parallel_loop3A_1290, %parallel_loop3A_1290 masked %parallel_loop3A_1355 : (vector<16xf32>, vector<16xf32>, vector<16xi1>) -> (vector<16xi1>, vector<16xf32>, vector<16xf32>)
        %parallel_loop3A_1359 = arith.constant dense<true> : vector<16xi1>
        %parallel_loop3A_1360, %parallel_loop3A_1361, %parallel_loop3A_1362 = tpu.sort %parallel_loop3A_1291, %parallel_loop3A_1291 masked %parallel_loop3A_1359 : (vector<16xf32>, vector<16xf32>, vector<16xi1>) -> (vector<16xi1>, vector<16xf32>, vector<16xf32>)
        %parallel_loop3A_1363 = arith.constant dense<true> : vector<16xi1>
        %parallel_loop3A_1364, %parallel_loop3A_1365, %parallel_loop3A_1366 = tpu.sort %parallel_loop3A_1292, %parallel_loop3A_1292 masked %parallel_loop3A_1363 : (vector<16xf32>, vector<16xf32>, vector<16xi1>) -> (vector<16xi1>, vector<16xf32>, vector<16xf32>)
        %parallel_loop3A_1367 = arith.constant dense<true> : vector<16xi1>
        %parallel_loop3A_1368, %parallel_loop3A_1369, %parallel_loop3A_1370 = tpu.sort %parallel_loop3A_1293, %parallel_loop3A_1293 masked %parallel_loop3A_1367 : (vector<16xf32>, vector<16xf32>, vector<16xi1>) -> (vector<16xi1>, vector<16xf32>, vector<16xf32>)
        %parallel_loop3A_1371 = arith.constant dense<true> : vector<16xi1>
        %parallel_loop3A_1372, %parallel_loop3A_1373, %parallel_loop3A_1374 = tpu.sort %parallel_loop3A_1294, %parallel_loop3A_1294 masked %parallel_loop3A_1371 : (vector<16xf32>, vector<16xf32>, vector<16xi1>) -> (vector<16xi1>, vector<16xf32>, vector<16xf32>)
        %parallel_loop3A_1375 = arith.constant dense<true> : vector<16xi1>
        %parallel_loop3A_1376, %parallel_loop3A_1377, %parallel_loop3A_1378 = tpu.sort %parallel_loop3A_1295, %parallel_loop3A_1295 masked %parallel_loop3A_1375 : (vector<16xf32>, vector<16xf32>, vector<16xi1>) -> (vector<16xi1>, vector<16xf32>, vector<16xf32>)
        %parallel_loop3A_1379 = arith.constant dense<true> : vector<16xi1>
        %parallel_loop3A_1380, %parallel_loop3A_1381, %parallel_loop3A_1382 = tpu.sort %parallel_loop3A_1296, %parallel_loop3A_1296 masked %parallel_loop3A_1379 : (vector<16xf32>, vector<16xf32>, vector<16xi1>) -> (vector<16xi1>, vector<16xf32>, vector<16xf32>)
        %parallel_loop3A_1383 = arith.constant dense<true> : vector<16xi1>
        %parallel_loop3A_1384, %parallel_loop3A_1385, %parallel_loop3A_1386 = tpu.sort %parallel_loop3A_1297, %parallel_loop3A_1297 masked %parallel_loop3A_1383 : (vector<16xf32>, vector<16xf32>, vector<16xi1>) -> (vector<16xi1>, vector<16xf32>, vector<16xf32>)
        %parallel_loop3A_1387 = arith.constant dense<true> : vector<16xi1>
        %parallel_loop3A_1388, %parallel_loop3A_1389, %parallel_loop3A_1390 = tpu.sort %parallel_loop3A_1298, %parallel_loop3A_1298 masked %parallel_loop3A_1387 : (vector<16xf32>, vector<16xf32>, vector<16xi1>) -> (vector<16xi1>, vector<16xf32>, vector<16xf32>)
        %parallel_loop3A_1391 = arith.constant dense<true> : vector<16xi1>
        %parallel_loop3A_1392, %parallel_loop3A_1393, %parallel_loop3A_1394 = tpu.sort %parallel_loop3A_1299, %parallel_loop3A_1299 masked %parallel_loop3A_1391 : (vector<16xf32>, vector<16xf32>, vector<16xi1>) -> (vector<16xi1>, vector<16xf32>, vector<16xf32>)
        %parallel_loop3A_1395 = arith.constant dense<true> : vector<16xi1>
        %parallel_loop3A_1396, %parallel_loop3A_1397, %parallel_loop3A_1398 = tpu.sort %parallel_loop3A_1300, %parallel_loop3A_1300 masked %parallel_loop3A_1395 : (vector<16xf32>, vector<16xf32>, vector<16xi1>) -> (vector<16xi1>, vector<16xf32>, vector<16xf32>)
        %parallel_loop3A_1399 = arith.constant dense<true> : vector<16xi1>
        %parallel_loop3A_1400, %parallel_loop3A_1401, %parallel_loop3A_1402 = tpu.sort %parallel_loop3A_1301, %parallel_loop3A_1301 masked %parallel_loop3A_1399 : (vector<16xf32>, vector<16xf32>, vector<16xi1>) -> (vector<16xi1>, vector<16xf32>, vector<16xf32>)
        %parallel_loop3A_1403 = arith.constant dense<true> : vector<16xi1>
        %parallel_loop3A_1404, %parallel_loop3A_1405, %parallel_loop3A_1406 = tpu.sort %parallel_loop3A_1302, %parallel_loop3A_1302 masked %parallel_loop3A_1403 : (vector<16xf32>, vector<16xf32>, vector<16xi1>) -> (vector<16xi1>, vector<16xf32>, vector<16xf32>)
        %parallel_loop3A_1407 = arith.constant dense<true> : vector<16xi1>
        %parallel_loop3A_1408, %parallel_loop3A_1409, %parallel_loop3A_1410 = tpu.sort %parallel_loop3A_1303, %parallel_loop3A_1303 masked %parallel_loop3A_1407 : (vector<16xf32>, vector<16xf32>, vector<16xi1>) -> (vector<16xi1>, vector<16xf32>, vector<16xf32>)
        %parallel_loop3A_1411 = arith.constant dense<true> : vector<16xi1>
        %parallel_loop3A_1412, %parallel_loop3A_1413, %parallel_loop3A_1414 = tpu.sort %parallel_loop3A_1304, %parallel_loop3A_1304 masked %parallel_loop3A_1411 : (vector<16xf32>, vector<16xf32>, vector<16xi1>) -> (vector<16xi1>, vector<16xf32>, vector<16xf32>)
        %parallel_loop3A_1415 = arith.constant dense<true> : vector<16xi1>
        %parallel_loop3A_1416, %parallel_loop3A_1417, %parallel_loop3A_1418 = tpu.sort %parallel_loop3A_1305, %parallel_loop3A_1305 masked %parallel_loop3A_1415 : (vector<16xf32>, vector<16xf32>, vector<16xi1>) -> (vector<16xi1>, vector<16xf32>, vector<16xf32>)
        %parallel_loop3A_1419 = arith.constant dense<true> : vector<16xi1>
        %parallel_loop3A_1420, %parallel_loop3A_1421, %parallel_loop3A_1422 = tpu.sort %parallel_loop3A_1306, %parallel_loop3A_1306 masked %parallel_loop3A_1419 : (vector<16xf32>, vector<16xf32>, vector<16xi1>) -> (vector<16xi1>, vector<16xf32>, vector<16xf32>)
        %parallel_loop3A_1423 = arith.constant dense<true> : vector<16xi1>
        %parallel_loop3A_1424, %parallel_loop3A_1425, %parallel_loop3A_1426 = tpu.sort %parallel_loop3A_1307, %parallel_loop3A_1307 masked %parallel_loop3A_1423 : (vector<16xf32>, vector<16xf32>, vector<16xi1>) -> (vector<16xi1>, vector<16xf32>, vector<16xf32>)
        %parallel_loop3A_1427 = arith.constant dense<true> : vector<16xi1>
        %parallel_loop3A_1428, %parallel_loop3A_1429, %parallel_loop3A_1430 = tpu.sort %parallel_loop3A_1308, %parallel_loop3A_1308 masked %parallel_loop3A_1427 : (vector<16xf32>, vector<16xf32>, vector<16xi1>) -> (vector<16xi1>, vector<16xf32>, vector<16xf32>)
        %parallel_loop3A_1431 = arith.constant dense<true> : vector<16xi1>
        %parallel_loop3A_1432, %parallel_loop3A_1433, %parallel_loop3A_1434 = tpu.sort %parallel_loop3A_1309, %parallel_loop3A_1309 masked %parallel_loop3A_1431 : (vector<16xf32>, vector<16xf32>, vector<16xi1>) -> (vector<16xi1>, vector<16xf32>, vector<16xf32>)
        %parallel_loop3A_1435 = arith.constant dense<true> : vector<16xi1>
        %parallel_loop3A_1436, %parallel_loop3A_1437, %parallel_loop3A_1438 = tpu.sort %parallel_loop3A_1310, %parallel_loop3A_1310 masked %parallel_loop3A_1435 : (vector<16xf32>, vector<16xf32>, vector<16xi1>) -> (vector<16xi1>, vector<16xf32>, vector<16xf32>)
        %parallel_loop3A_1439 = arith.constant 0 : index
        %parallel_loop3A_1440 = tpu.vector_load %arg7[%parallel_loop3A_1439] {strides = array<i32>} : memref<512xf32, #tpu.memory_space<vmem>>, vector<16xf32>,
        %parallel_loop3A_1441 = arith.mulf %parallel_loop3A_1313, %parallel_loop3A_1440 : vector<16xf32>
        %parallel_loop3A_1442 = arith.constant 16 : index
        %parallel_loop3A_1443 = tpu.vector_load %arg7[%parallel_loop3A_1442] {strides = array<i32>} : memref<512xf32, #tpu.memory_space<vmem>>, vector<16xf32>,
        %parallel_loop3A_1444 = arith.mulf %parallel_loop3A_1317, %parallel_loop3A_1443 : vector<16xf32>
        %parallel_loop3A_1445 = arith.addf %parallel_loop3A_1441, %parallel_loop3A_1444 : vector<16xf32>
        %parallel_loop3A_1446 = arith.constant 32 : index
        %parallel_loop3A_1447 = tpu.vector_load %arg7[%parallel_loop3A_1446] {strides = array<i32>} : memref<512xf32, #tpu.memory_space<vmem>>, vector<16xf32>,
        %parallel_loop3A_1448 = arith.mulf %parallel_loop3A_1321, %parallel_loop3A_1447 : vector<16xf32>
        %parallel_loop3A_1449 = arith.addf %parallel_loop3A_1445, %parallel_loop3A_1448 : vector<16xf32>
        %parallel_loop3A_1450 = arith.constant 48 : index
        %parallel_loop3A_1451 = tpu.vector_load %arg7[%parallel_loop3A_1450] {strides = array<i32>} : memref<512xf32, #tpu.memory_space<vmem>>, vector<16xf32>,
        %parallel_loop3A_1452 = arith.mulf %parallel_loop3A_1325, %parallel_loop3A_1451 : vector<16xf32>
        %parallel_loop3A_1453 = arith.addf %parallel_loop3A_1449, %parallel_loop3A_1452 : vector<16xf32>
        %parallel_loop3A_1454 = arith.constant 64 : index
        %parallel_loop3A_1455 = tpu.vector_load %arg7[%parallel_loop3A_1454] {strides = array<i32>} : memref<512xf32, #tpu.memory_space<vmem>>, vector<16xf32>,
        %parallel_loop3A_1456 = arith.mulf %parallel_loop3A_1329, %parallel_loop3A_1455 : vector<16xf32>
        %parallel_loop3A_1457 = arith.addf %parallel_loop3A_1453, %parallel_loop3A_1456 : vector<16xf32>
        %parallel_loop3A_1458 = arith.constant 80 : index
        %parallel_loop3A_1459 = tpu.vector_load %arg7[%parallel_loop3A_1458] {strides = array<i32>} : memref<512xf32, #tpu.memory_space<vmem>>, vector<16xf32>,
        %parallel_loop3A_1460 = arith.mulf %parallel_loop3A_1333, %parallel_loop3A_1459 : vector<16xf32>
        %parallel_loop3A_1461 = arith.addf %parallel_loop3A_1457, %parallel_loop3A_1460 : vector<16xf32>
        %parallel_loop3A_1462 = arith.constant 96 : index
        %parallel_loop3A_1463 = tpu.vector_load %arg7[%parallel_loop3A_1462] {strides = array<i32>} : memref<512xf32, #tpu.memory_space<vmem>>, vector<16xf32>,
        %parallel_loop3A_1464 = arith.mulf %parallel_loop3A_1337, %parallel_loop3A_1463 : vector<16xf32>
        %parallel_loop3A_1465 = arith.addf %parallel_loop3A_1461, %parallel_loop3A_1464 : vector<16xf32>
        %parallel_loop3A_1466 = arith.constant 112 : index
        %parallel_loop3A_1467 = tpu.vector_load %arg7[%parallel_loop3A_1466] {strides = array<i32>} : memref<512xf32, #tpu.memory_space<vmem>>, vector<16xf32>,
        %parallel_loop3A_1468 = arith.mulf %parallel_loop3A_1341, %parallel_loop3A_1467 : vector<16xf32>
        %parallel_loop3A_1469 = arith.addf %parallel_loop3A_1465, %parallel_loop3A_1468 : vector<16xf32>
        %parallel_loop3A_1470 = arith.constant 128 : index
        %parallel_loop3A_1471 = tpu.vector_load %arg7[%parallel_loop3A_1470] {strides = array<i32>} : memref<512xf32, #tpu.memory_space<vmem>>, vector<16xf32>,
        %parallel_loop3A_1472 = arith.mulf %parallel_loop3A_1345, %parallel_loop3A_1471 : vector<16xf32>
        %parallel_loop3A_1473 = arith.addf %parallel_loop3A_1469, %parallel_loop3A_1472 : vector<16xf32>
        %parallel_loop3A_1474 = arith.constant 144 : index
        %parallel_loop3A_1475 = tpu.vector_load %arg7[%parallel_loop3A_1474] {strides = array<i32>} : memref<512xf32, #tpu.memory_space<vmem>>, vector<16xf32>,
        %parallel_loop3A_1476 = arith.mulf %parallel_loop3A_1349, %parallel_loop3A_1475 : vector<16xf32>
        %parallel_loop3A_1477 = arith.addf %parallel_loop3A_1473, %parallel_loop3A_1476 : vector<16xf32>
        %parallel_loop3A_1478 = arith.constant 160 : index
        %parallel_loop3A_1479 = tpu.vector_load %arg7[%parallel_loop3A_1478] {strides = array<i32>} : memref<512xf32, #tpu.memory_space<vmem>>, vector<16xf32>,
        %parallel_loop3A_1480 = arith.mulf %parallel_loop3A_1353, %parallel_loop3A_1479 : vector<16xf32>
        %parallel_loop3A_1481 = arith.addf %parallel_loop3A_1477, %parallel_loop3A_1480 : vector<16xf32>
        %parallel_loop3A_1482 = arith.constant 176 : index
        %parallel_loop3A_1483 = tpu.vector_load %arg7[%parallel_loop3A_1482] {strides = array<i32>} : memref<512xf32, #tpu.memory_space<vmem>>, vector<16xf32>,
        %parallel_loop3A_1484 = arith.mulf %parallel_loop3A_1357, %parallel_loop3A_1483 : vector<16xf32>
        %parallel_loop3A_1485 = arith.addf %parallel_loop3A_1481, %parallel_loop3A_1484 : vector<16xf32>
        %parallel_loop3A_1486 = arith.constant 192 : index
        %parallel_loop3A_1487 = tpu.vector_load %arg7[%parallel_loop3A_1486] {strides = array<i32>} : memref<512xf32, #tpu.memory_space<vmem>>, vector<16xf32>,
        %parallel_loop3A_1488 = arith.mulf %parallel_loop3A_1361, %parallel_loop3A_1487 : vector<16xf32>
        %parallel_loop3A_1489 = arith.addf %parallel_loop3A_1485, %parallel_loop3A_1488 : vector<16xf32>
        %parallel_loop3A_1490 = arith.constant 208 : index
        %parallel_loop3A_1491 = tpu.vector_load %arg7[%parallel_loop3A_1490] {strides = array<i32>} : memref<512xf32, #tpu.memory_space<vmem>>, vector<16xf32>,
        %parallel_loop3A_1492 = arith.mulf %parallel_loop3A_1365, %parallel_loop3A_1491 : vector<16xf32>
        %parallel_loop3A_1493 = arith.addf %parallel_loop3A_1489, %parallel_loop3A_1492 : vector<16xf32>
        %parallel_loop3A_1494 = arith.constant 224 : index
        %parallel_loop3A_1495 = tpu.vector_load %arg7[%parallel_loop3A_1494] {strides = array<i32>} : memref<512xf32, #tpu.memory_space<vmem>>, vector<16xf32>,
        %parallel_loop3A_1496 = arith.mulf %parallel_loop3A_1369, %parallel_loop3A_1495 : vector<16xf32>
        %parallel_loop3A_1497 = arith.addf %parallel_loop3A_1493, %parallel_loop3A_1496 : vector<16xf32>
        %parallel_loop3A_1498 = arith.constant 240 : index
        %parallel_loop3A_1499 = tpu.vector_load %arg7[%parallel_loop3A_1498] {strides = array<i32>} : memref<512xf32, #tpu.memory_space<vmem>>, vector<16xf32>,
        %parallel_loop3A_1500 = arith.mulf %parallel_loop3A_1373, %parallel_loop3A_1499 : vector<16xf32>
        %parallel_loop3A_1501 = arith.addf %parallel_loop3A_1497, %parallel_loop3A_1500 : vector<16xf32>
        %parallel_loop3A_1502 = arith.constant 256 : index
        %parallel_loop3A_1503 = tpu.vector_load %arg7[%parallel_loop3A_1502] {strides = array<i32>} : memref<512xf32, #tpu.memory_space<vmem>>, vector<16xf32>,
        %parallel_loop3A_1504 = arith.mulf %parallel_loop3A_1377, %parallel_loop3A_1503 : vector<16xf32>
        %parallel_loop3A_1505 = arith.addf %parallel_loop3A_1501, %parallel_loop3A_1504 : vector<16xf32>
        %parallel_loop3A_1506 = arith.constant 272 : index
        %parallel_loop3A_1507 = tpu.vector_load %arg7[%parallel_loop3A_1506] {strides = array<i32>} : memref<512xf32, #tpu.memory_space<vmem>>, vector<16xf32>,
        %parallel_loop3A_1508 = arith.mulf %parallel_loop3A_1381, %parallel_loop3A_1507 : vector<16xf32>
        %parallel_loop3A_1509 = arith.addf %parallel_loop3A_1505, %parallel_loop3A_1508 : vector<16xf32>
        %parallel_loop3A_1510 = arith.constant 288 : index
        %parallel_loop3A_1511 = tpu.vector_load %arg7[%parallel_loop3A_1510] {strides = array<i32>} : memref<512xf32, #tpu.memory_space<vmem>>, vector<16xf32>,
        %parallel_loop3A_1512 = arith.mulf %parallel_loop3A_1385, %parallel_loop3A_1511 : vector<16xf32>
        %parallel_loop3A_1513 = arith.addf %parallel_loop3A_1509, %parallel_loop3A_1512 : vector<16xf32>
        %parallel_loop3A_1514 = arith.constant 304 : index
        %parallel_loop3A_1515 = tpu.vector_load %arg7[%parallel_loop3A_1514] {strides = array<i32>} : memref<512xf32, #tpu.memory_space<vmem>>, vector<16xf32>,
        %parallel_loop3A_1516 = arith.mulf %parallel_loop3A_1389, %parallel_loop3A_1515 : vector<16xf32>
        %parallel_loop3A_1517 = arith.addf %parallel_loop3A_1513, %parallel_loop3A_1516 : vector<16xf32>
        %parallel_loop3A_1518 = arith.constant 320 : index
        %parallel_loop3A_1519 = tpu.vector_load %arg7[%parallel_loop3A_1518] {strides = array<i32>} : memref<512xf32, #tpu.memory_space<vmem>>, vector<16xf32>,
        %parallel_loop3A_1520 = arith.mulf %parallel_loop3A_1393, %parallel_loop3A_1519 : vector<16xf32>
        %parallel_loop3A_1521 = arith.addf %parallel_loop3A_1517, %parallel_loop3A_1520 : vector<16xf32>
        %parallel_loop3A_1522 = arith.constant 336 : index
        %parallel_loop3A_1523 = tpu.vector_load %arg7[%parallel_loop3A_1522] {strides = array<i32>} : memref<512xf32, #tpu.memory_space<vmem>>, vector<16xf32>,
        %parallel_loop3A_1524 = arith.mulf %parallel_loop3A_1397, %parallel_loop3A_1523 : vector<16xf32>
        %parallel_loop3A_1525 = arith.addf %parallel_loop3A_1521, %parallel_loop3A_1524 : vector<16xf32>
        %parallel_loop3A_1526 = arith.constant 352 : index
        %parallel_loop3A_1527 = tpu.vector_load %arg7[%parallel_loop3A_1526] {strides = array<i32>} : memref<512xf32, #tpu.memory_space<vmem>>, vector<16xf32>,
        %parallel_loop3A_1528 = arith.mulf %parallel_loop3A_1401, %parallel_loop3A_1527 : vector<16xf32>
        %parallel_loop3A_1529 = arith.addf %parallel_loop3A_1525, %parallel_loop3A_1528 : vector<16xf32>
        %parallel_loop3A_1530 = arith.constant 368 : index
        %parallel_loop3A_1531 = tpu.vector_load %arg7[%parallel_loop3A_1530] {strides = array<i32>} : memref<512xf32, #tpu.memory_space<vmem>>, vector<16xf32>,
        %parallel_loop3A_1532 = arith.mulf %parallel_loop3A_1405, %parallel_loop3A_1531 : vector<16xf32>
        %parallel_loop3A_1533 = arith.addf %parallel_loop3A_1529, %parallel_loop3A_1532 : vector<16xf32>
        %parallel_loop3A_1534 = arith.constant 384 : index
        %parallel_loop3A_1535 = tpu.vector_load %arg7[%parallel_loop3A_1534] {strides = array<i32>} : memref<512xf32, #tpu.memory_space<vmem>>, vector<16xf32>,
        %parallel_loop3A_1536 = arith.mulf %parallel_loop3A_1409, %parallel_loop3A_1535 : vector<16xf32>
        %parallel_loop3A_1537 = arith.addf %parallel_loop3A_1533, %parallel_loop3A_1536 : vector<16xf32>
        %parallel_loop3A_1538 = arith.constant 400 : index
        %parallel_loop3A_1539 = tpu.vector_load %arg7[%parallel_loop3A_1538] {strides = array<i32>} : memref<512xf32, #tpu.memory_space<vmem>>, vector<16xf32>,
        %parallel_loop3A_1540 = arith.mulf %parallel_loop3A_1413, %parallel_loop3A_1539 : vector<16xf32>
        %parallel_loop3A_1541 = arith.addf %parallel_loop3A_1537, %parallel_loop3A_1540 : vector<16xf32>
        %parallel_loop3A_1542 = arith.constant 416 : index
        %parallel_loop3A_1543 = tpu.vector_load %arg7[%parallel_loop3A_1542] {strides = array<i32>} : memref<512xf32, #tpu.memory_space<vmem>>, vector<16xf32>,
        %parallel_loop3A_1544 = arith.mulf %parallel_loop3A_1417, %parallel_loop3A_1543 : vector<16xf32>
        %parallel_loop3A_1545 = arith.addf %parallel_loop3A_1541, %parallel_loop3A_1544 : vector<16xf32>
        %parallel_loop3A_1546 = arith.constant 432 : index
        %parallel_loop3A_1547 = tpu.vector_load %arg7[%parallel_loop3A_1546] {strides = array<i32>} : memref<512xf32, #tpu.memory_space<vmem>>, vector<16xf32>,
        %parallel_loop3A_1548 = arith.mulf %parallel_loop3A_1421, %parallel_loop3A_1547 : vector<16xf32>
        %parallel_loop3A_1549 = arith.addf %parallel_loop3A_1545, %parallel_loop3A_1548 : vector<16xf32>
        %parallel_loop3A_1550 = arith.constant 448 : index
        %parallel_loop3A_1551 = tpu.vector_load %arg7[%parallel_loop3A_1550] {strides = array<i32>} : memref<512xf32, #tpu.memory_space<vmem>>, vector<16xf32>,
        %parallel_loop3A_1552 = arith.mulf %parallel_loop3A_1425, %parallel_loop3A_1551 : vector<16xf32>
        %parallel_loop3A_1553 = arith.addf %parallel_loop3A_1549, %parallel_loop3A_1552 : vector<16xf32>
        %parallel_loop3A_1554 = arith.constant 464 : index
        %parallel_loop3A_1555 = tpu.vector_load %arg7[%parallel_loop3A_1554] {strides = array<i32>} : memref<512xf32, #tpu.memory_space<vmem>>, vector<16xf32>,
        %parallel_loop3A_1556 = arith.mulf %parallel_loop3A_1429, %parallel_loop3A_1555 : vector<16xf32>
        %parallel_loop3A_1557 = arith.addf %parallel_loop3A_1553, %parallel_loop3A_1556 : vector<16xf32>
        %parallel_loop3A_1558 = arith.constant 480 : index
        %parallel_loop3A_1559 = tpu.vector_load %arg7[%parallel_loop3A_1558] {strides = array<i32>} : memref<512xf32, #tpu.memory_space<vmem>>, vector<16xf32>,
        %parallel_loop3A_1560 = arith.mulf %parallel_loop3A_1433, %parallel_loop3A_1559 : vector<16xf32>
        %parallel_loop3A_1561 = arith.addf %parallel_loop3A_1557, %parallel_loop3A_1560 : vector<16xf32>
        %parallel_loop3A_1562 = arith.constant 496 : index
        %parallel_loop3A_1563 = tpu.vector_load %arg7[%parallel_loop3A_1562] {strides = array<i32>} : memref<512xf32, #tpu.memory_space<vmem>>, vector<16xf32>,
        %parallel_loop3A_1564 = arith.mulf %parallel_loop3A_1437, %parallel_loop3A_1563 : vector<16xf32>
        %parallel_loop3A_1565 = arith.addf %parallel_loop3A_1561, %parallel_loop3A_1564 : vector<16xf32>
        %parallel_loop3A_1566 = arith.constant true
        %parallel_loop3A_1567 = vector.broadcast %parallel_loop3A_1566 : i1 to vector<16xi1>
        %parallel_loop3A_1568 = tpu.scan <sum>, %parallel_loop3A_1565 masked %parallel_loop3A_1567 : vector<16xf32>, vector<16xi1> -> vector<16xf32>
        %parallel_loop3A_1569 = vector.extract %parallel_loop3A_1568[15] : f32 from vector<16xf32>
        %parallel_loop3A_1570 = vector.broadcast %parallel_loop3A_1569 : f32 to vector<16xf32>
        %parallel_loop3A_1571 = arith.constant 16 : i32
        %parallel_loop3A_1572 = arith.muli %scan3A_32, %parallel_loop3A_1571 : i32
        %parallel_loop3A_1573 = arith.addi %parallel_loop3A_1572, %parallel_loop3A_62 : i32
        %parallel_loop3A_1574 = arith.constant 16 : i32
        %parallel_loop3A_1575 = arith.muli %parallel_loop3A_1573, %parallel_loop3A_1574 : i32
        %parallel_loop3A_1576 = arith.index_cast %parallel_loop3A_1575 : i32 to index
        %parallel_loop3A_1577 = tpu.vector_load %arg10[%parallel_loop3A_1576] {strides = array<i32>} : memref<8192xf32, #tpu.memory_space<vmem>>, vector<16xf32>,
        tpu.vector_store %arg10[%parallel_loop3A_1576], %parallel_loop3A_1570 {strides = array<i32>} : memref<8192xf32, #tpu.memory_space<vmem>>, vector<16xf32>,
      } {sc.loop_unroll_factor = 1 : i64, sc.parallel_access}
    }
    %scan3A_25 = arith.constant 32 : i32
    %scan3A_26 = arith.constant 0 : i32
    %scan3A_27 = arith.constant 0 : i32
    %scan3A_28 = arith.constant 32 : i32
    %scan3A_29 = arith.addi %scan3A_27, %scan3A_28 : i32
    %scan3A_30 = arith.constant 1 : i32
    scf.for %scan3A_32 = %scan3A_27 to %scan3A_29 step %scan3A_30  : i32 {
      %mul3A_33 = arith.constant 256 : i32
      %mul3A_34 = arith.muli %scan3A_32, %mul3A_33 : i32
      %mul3A_35 = arith.constant 16 : i32
      %mul3A_36 = vector.broadcast %mul3A_35 : i32 to vector<16xi32>
      %mul3A_37 = arith.muli %iota3A, %mul3A_36 : vector<16xi32>
      %add3A_38 = vector.broadcast %mul3A_34 : i32 to vector<16xi32>
      %add3A_39 = arith.addi %add3A_38, %mul3A_37 : vector<16xi32>
      %gather3A = tpu.vector_load_idx %arg10[%add3A_39] : memref<8192xf32, #tpu.memory_space<vmem>>[vector<16xi32>], vector<16xf32>,
      %add3A_40 = arith.addf %gather3A, %get3A_3 : vector<16xf32>
      %mul3A_41 = arith.constant 16 : i32
      %mul3A_42 = arith.muli %scan3A_32, %mul3A_41 : i32
      %swap3A = arith.index_cast %mul3A_42 : i32 to index
      %swap3A_43 = tpu.vector_load %arg9[%swap3A] {strides = array<i32>} : memref<512xf32, #tpu.memory_space<vmem>>, vector<16xf32>,
      tpu.vector_store %arg9[%swap3A], %add3A_40 {strides = array<i32>} : memref<512xf32, #tpu.memory_space<vmem>>, vector<16xf32>,
    }
    %scan3A_31 = arith.constant 32 : i32
    "tpu.region"() ({
      %run_scoped3A = tpu.sem_alloc : memref<!tpu.dma_semaphore, #tpu.memory_space<semaphore_mem>>
      %dma_start3A_32 = tpu.memref_slice %arg5[%mul3A_2] : memref<16384xf32, #tpu.memory_space<hbm>> -> memref<512xf32, #tpu.memory_space<hbm>>
      %dma_start3A_33 = tpu.memref_slice %arg5[%mul3A_2] : memref<16384xf32, #tpu.memory_space<hbm>> -> memref<512xf32, #tpu.memory_space<hbm>>
      tpu.enqueue_dma source(%arg9 : memref<512xf32, #tpu.memory_space<vmem>>) target(%dma_start3A_33 : memref<512xf32, #tpu.memory_space<hbm>>) target_semaphore(%run_scoped3A : memref<!tpu.dma_semaphore, #tpu.memory_space<semaphore_mem>>)
      %dma_wait3A = tpu.memref_slice %arg5[%mul3A_2] : memref<16384xf32, #tpu.memory_space<hbm>> -> memref<512xf32, #tpu.memory_space<hbm>>
      %dma_wait3A_34 = tpu.memref_slice %arg5[%mul3A_2] : memref<16384xf32, #tpu.memory_space<hbm>> -> memref<512xf32, #tpu.memory_space<hbm>>
      tpu.wait_dma2 semaphore(%run_scoped3A : memref<!tpu.dma_semaphore, #tpu.memory_space<semaphore_mem>>) src(%arg9 : memref<512xf32, #tpu.memory_space<vmem>>) dst(%dma_wait3A_34 : memref<512xf32, #tpu.memory_space<hbm>>)
      tpu.yield
    }) : () -> ()
    return
  }
}

</mosaic_0001>

<sc_bundles>
// kernel: kernel.3.cloned.1.call-start
scs
__scs_entry_jumppad:
0x0: {  	(pc) =	sbr.rel $0x88, $3  }
0x1: {  	(tag) =	ssettag $0x0;
	lr =	simm.s32 $0x1  }
0x2: {  	[smem:$0x3F9E] =	sst lr;
	_ =	strace $0xD0000000  }
0x3: {  	_ = 	snop  }
0x4: {  	_ = 	snop  }
0x5: {  	_ = 	snop  }
0x6: {  	_ = 	snop  }
0x7: {  	_ = 	snop  }
__scs_overlays_trampoline_lowered:
0x8: {  	[smem:$0x3FAD] =	sst s0  }
0x9: {  	[smem:$0x3FAE] =	sst s1  }
0xa: {  	[smem:$0x3FAF] =	sst s2  }
0xb: {  	[smem:$0x3FB0] =	sst s3  }
0xc: {  	[smem:$0x3FB1] =	sst s4  }
0xd: {  	[smem:$0x3FB2] =	sst s5  }
0xe: {  	[smem:$0x3FB3] =	sst s6  }
0xf: {  	[smem:$0x3FB4] =	sst s7  }
0x10: {  	[smem:$0x3FB5] =	sst s8  }
0x11: {  	[smem:$0x3FB6] =	sst s9;
	s0 =	simm.s32 @!p0 $0x0  }
0x12: {  	s1 =	sld [smem:$0x3F9C];
	s0 =	simm.s32 @p0 $0x1  }
0x13: {  	[smem:$0x3FB7] =	sst s0;
	s0 =	simm.s32 @!p1 $0x0  }
0x14: {  	s2 =	sld [smem:$0x3F9B];
	s0 =	simm.s32 @p1 $0x1  }
0x15: {  	[smem:$0x3FB8] =	sst s0;
	s0 =	simm.s32 @!p2 $0x0  }
0x16: {  	s3 =	sld [smem:$0x3FDB];
	s0 =	simm.s32 @p2 $0x1  }
0x17: {  	s4 =	simm.s32 $0x1BF5;
	[smem:$0x3FBA] =	sst s0  }
0x18: {  	s0 =	sld [smem:$0x3F9D];
	_ =	swait.ge [sflag:s4], $0x0  }
0x19: {  	s7 =	sld [smem:$0x3F9E]  }
0x1a: {  	s8 =	sadd.s32 $0xFFFFE003, lr  }
0x1b: {  	s9 =	sadd.s32 $0xFFFFFEF7, lr;
	s5 =	simm.s32 $0xFFFFFFFF;
	p2 =	slt.u32 s8, $0xFFFFF086  }
0x1c: {  	p1 =	slt.u32 s9, $0xF7A;
	s5 =	simm.s32 @!p2 $0x0  }
0x1d: {  	s5 =	simm.s32 @p1 $0x1;
	p0 =	seq.s32 s7, s2  }
0x1e: {  	s7 =	smul.u32 @!p0 $0xF7A, s2;
	p2 =	seq.s32 @!p0 s5, $0x0  }
0x1f: {  	s9 =	smul.u32 $0xF7A, s1;
	s8 =	simm.s32 @!p0 $0x1BF5;
	p2 =	por !p2, p0  }
0x20: {  	[sflag:s8] =	ssyncset.s32 @!p0 $0xFFFFF086;
	s6 =	sadd.s32 @!p0 s3, s7;
	s7 =	simm.s32 @!p0 $0x108  }
0x21: {  	s3 =	sadd.s32 s3, s9;
	s6 =	sadd.s32 @!p0 $0x88, s6;
	s7 =	simm.s32 @p2 $0x1082  }
0x22: {  	[simem:s7], [sflag:s8] =	dma.local @!p0 [hbm:s6], $0xF7A  }
0x23: {  	s9 =	sor.u32 $0xD0000000, s2;
	s6 =	simm.s32 $0x108;
	_ =	swait.ge @!p0 [sflag:s8], $0x0  }
0x24: {  	s3 =	sadd.s32 $0x88, s3;
	s6 =	simm.s32 @!p1 $0x1082;
	[sflag:s4] =	ssyncset.s32 $0xFFFFF086  }
0x25: {  	[simem:s6], [sflag:s4] =	dma.local [hbm:s3], $0xF7A  }
0x26: {  	[smem:$0x3F9E] =	sst s1;
	(tag) =	ssettag s2;
	_ =	strace s9  }
0x27: {  	s1 =	sld [smem:$0x3FAE]  }
0x28: {  	s2 =	sld [smem:$0x3FAF]  }
0x29: {  	s4 =	sld [smem:$0x3FB1]  }
0x2a: {  	p0 =	seq.s32 s5, $0x0;
	s5 =	sld [smem:$0x3FB2]  }
0x2b: {  	s6 =	sld [smem:$0x3FB3]  }
0x2c: {  	s7 =	sld [smem:$0x3FB4]  }
0x2d: {  	s3 =	simm.s32 $0x108;
	s8 =	sld [smem:$0x3FB5]  }
0x2e: {  	s3 =	simm.s32 @!p0 $0x1082;
	s9 =	sld [smem:$0x3FB6]  }
0x2f: {  	lr =	sadd.s32 s0, s3;
	s0 =	sld [smem:$0x3FAD]  }
0x30: {  	s3 =	sld [smem:$0x3FB0]  }
0x31: {  	[smem:$0x3FB9] =	sst s10  }
0x32: {  	s10 =	sld [smem:$0x3FB7];
	_ =	sdelay $0x3  }
0x33: {  	p0 =	seq.s32 s10, $0x1;
	s10 =	sld [smem:$0x3FB9];
	_ =	sdelay $0x3  }
0x34: {  	[smem:$0x3FB9] =	sst s10  }
0x35: {  	s10 =	sld [smem:$0x3FB8];
	_ =	sdelay $0x3  }
0x36: {  	p1 =	seq.s32 s10, $0x1;
	s10 =	sld [smem:$0x3FB9];
	_ =	sdelay $0x3  }
0x37: {  	[smem:$0x3FB9] =	sst s10  }
0x38: {  	s10 =	sld [smem:$0x3FBA]  }
0x39: {  	_ = 	snop;
	(pc) =	sbr.ind lr, $3  }
0x3a: {  	_ = 	snop  }
0x3b: {  	_ = 	snop  }
0x3c: {  	p2 =	seq.s32 s10, $0x1;
	s10 =	sld [smem:$0x3FB9]  }
0x3d: {  	_ =	shalt  }
0x3e: {  	_ =	shalt  }
0x3f: {  	_ =	shalt  }
0x40: {  	_ =	shalt  }
0x41: {  	_ =	shalt  }
0x42: {  	_ =	shalt  }
0x43: {  	_ =	shalt  }
0x44: {  	_ =	shalt  }
0x45: {  	_ =	shalt  }
0x46: {  	_ =	shalt  }
0x47: {  	_ =	shalt  }
0x48: {  	_ =	shalt  }
0x49: {  	_ =	shalt  }
0x4a: {  	_ =	shalt  }
0x4b: {  	_ =	shalt  }
0x4c: {  	_ =	shalt  }
0x4d: {  	_ =	shalt  }
0x4e: {  	_ =	shalt  }
0x4f: {  	_ =	shalt  }
0x50: {  	_ =	shalt  }
0x51: {  	_ =	shalt  }
0x52: {  	_ =	shalt  }
0x53: {  	_ =	shalt  }
0x54: {  	_ =	shalt  }
0x55: {  	_ =	shalt  }
0x56: {  	_ =	shalt  }
0x57: {  	_ =	shalt  }
0x58: {  	_ =	shalt  }
0x59: {  	_ =	shalt  }
0x5a: {  	_ =	shalt  }
0x5b: {  	_ =	shalt  }
0x5c: {  	_ =	shalt  }
0x5d: {  	_ =	shalt  }
0x5e: {  	_ =	shalt  }
0x5f: {  	_ =	shalt  }
0x60: {  	_ =	shalt  }
0x61: {  	_ =	shalt  }
0x62: {  	_ =	shalt  }
0x63: {  	_ =	shalt  }
0x64: {  	_ =	shalt  }
0x65: {  	_ =	shalt  }
0x66: {  	_ =	shalt  }
0x67: {  	_ =	shalt  }
0x68: {  	_ =	shalt  }
0x69: {  	_ =	shalt  }
0x6a: {  	_ =	shalt  }
0x6b: {  	_ =	shalt  }
0x6c: {  	_ =	shalt  }
0x6d: {  	_ =	shalt  }
0x6e: {  	_ =	shalt  }
0x6f: {  	_ =	shalt  }
0x70: {  	_ =	shalt  }
0x71: {  	_ =	shalt  }
0x72: {  	_ =	shalt  }
0x73: {  	_ =	shalt  }
0x74: {  	_ =	shalt  }
0x75: {  	_ =	shalt  }
0x76: {  	_ =	shalt  }
0x77: {  	_ =	shalt  }
0x78: {  	_ =	shalt  }
0x79: {  	_ =	shalt  }
0x7a: {  	_ =	shalt  }
0x7b: {  	_ =	shalt  }
0x7c: {  	_ =	shalt  }
0x7d: {  	_ =	shalt  }
0x7e: {  	_ =	shalt  }
0x7f: {  	_ =	shalt  }
0x80: {  	_ =	shalt  }
0x81: {  	_ =	shalt  }
0x82: {  	_ =	shalt  }
0x83: {  	_ =	shalt  }
0x84: {  	_ =	shalt  }
0x85: {  	_ =	shalt  }
0x86: {  	_ =	shalt  }
0x87: {  	_ =	shalt  }
.Lfunc_end0:
.L_simem_size_0:
called_computation_lowered:
.L_overlay_start_0:
0x88: {  	s2 =	sld [smem:$0x3FD9]  }
0x89: {  	s3 =	sld [smem:$0x3FFE];
	_ =	sdelay $0x1  }
0x8a: {  	s1 =	srdreg.scid  }
0x8b: {  	s0 =	sand.u32 $0x1, s1  }
0x8c: {  	s17 =	sshll.u32 s0, $0xA;
	s2 =	sadd.s32 s3, s2  }
0x8d: {  	s2 =	sadd.s32 s2, s17  }
0x8e: {  	[smem:$0x3FC5] =	sst s2  }
0x8f: {  	_ = 	snop  }
0x90: {  	s2 =	sld [smem:$0x3FC9]  }
0x91: {  	s18 =	sld [smem:$0x3FD0];
	(tm) =	ssettm $0x1  }
0x92: {  	s4 =	sld [smem:$0x3FFB];
	_ =	sdelay $0x3  }
0x93: {  	_ =	strace s4  }
0x94: {  	s4 =	sld [smem:$0x3FFC];
	_ =	sdelay $0x3  }
0x95: {  	_ =	strace s4  }
0x96: {  	s4 =	sld [smem:$0x3FFD];
	_ =	sdelay $0x3  }
0x97: {  	_ =	strace s4  }
0x98: {  	_ =	strace $0x8FFFFFFF  }
0x99: {  	s19 =	sld [smem:$0x3FDB];
	_ =	sdelay $0x1  }
0x9a: {  	s5 =	simm.s32 $_scs_section_size  }
0x9b: {  	s6 =	simm.s32 $_size__tile_overlayer_lowered;
	s7 =	simm.s32 $_tile_overlayer_lowered  }
0x9c: {  	s22 =	simm.s32 $0x1BFF;
	s21 =	sshll.u32 s7, $0x1;
	s4 =	sadd.s32 s5, s19  }
0x9d: {  	s8 =	simm.s32 $0x0;
	s20 =	sshll.u32 s6, $0x1;
	s6 =	sadd.s32 s21, s4  }
0x9e: {  	[timem:s8], [sflag:s22] =	dma.local [hbm:s6], s20  }
0x9f: {  	_ =	swait.ge [sflag:s22], s20  }
0xa0: {  	s5 =	ssub.s32 $0x0, s20;
	[sflag:s22] =	ssyncset.done $0x0  }
0xa1: {  	[sflag:s22] =	ssyncadd.s32 s5;
	_ =	sdelay $0x1  }
0xa2: {  	s23 =	simm.s32 $0x1B8B  }
0xa3: {  	_ =	swait.ge [sflag:s23], $0x1  }
0xa4: {  	[sflag:s23] =	ssyncset.done $0x0  }
0xa5: {  	s25 =	simm.s32 $0x1B8E;
	s24 =	sld [smem:$0x3FFE];
	[sflag:s23] =	ssyncadd.s32 $0xFFFFFFFF  }
0xa6: {  	s26 =	simm.s32 $execute0_lowered;
	[smem:$0x3FD2] =	sst s25  }
0xa7: {  	s6 =	sshll.u32 s26, $0x1;
	_ =	strace $0x80000046;
	[dreg:$0x1] =	wrdreg $0xFFFFFFFF  }
0xa8: {  	s28 =	simm.s32 $_size_execute0_lowered;
	s4 =	sadd.s32 s4, s6;
	[dreg:$0x0] =	wrdreg $0x0  }
0xa9: {  	s6 =	sshll.u32 s28, $0x1;
	[dreg:$0x2] =	wrdreg s4  }
0xaa: {  	[dreg:$0x3] =	wrdreg s6  }
0xab: {  	[dreg:$0x4] =	wrdreg $0xC0  }
0xac: {  	_ =	task [dreg:s8], $0x5FFFF  }
0xad: {  	[dreg:$0x1] =	wrdreg $0xFFFFFFFF  }
0xae: {  	[dreg:$0x0] =	wrdreg $0x60  }
0xaf: {  	[dreg:$0x2] =	wrdreg s2  }
0xb0: {  	[dreg:$0x3] =	wrdreg s24  }
0xb1: {  	[dreg:$0x4] =	wrdreg s18  }
0xb2: {  	[dreg:$0x5] =	wrdreg $0x9  }
0xb3: {  	_ =	task.clear_ibuf [dreg:s8], $0x6FFFF;
	_ =	strace $0x90000046  }
0xb4: {  	s29 =	simm.s32 $0x9;
	_ =	strace $0x80000048  }
0xb5: {  	_ =	swait.ge [sflag:s29], $0x1  }
0xb6: {  	[sflag:s29] =	ssyncadd.s32 $0xFFFFFFFF  }
0xb7: {  	_ =	strace $0x90000048  }
0xb8: {  	_ =	sfence  }
0xb9: {  	s30 =	sld [smem:$0x0];
	_ =	sdelay $0x2  }
0xba: {  	s31 =	sshll.u32 s1, $0xD;
	s1 =	sshrl.u32 s1, $0x2  }
0xbb: {  	s3 =	sand.u32 $0x4000, s31;
	s1 =	sadd.s32 s1, s30  }
0xbc: {  	s0 =	sor.u32 s3, s0;
	s1 =	sshll.u32 s1, $0x11  }
0xbd: {  	s0 =	sor.u32 s1, s0  }
0xbe: {  	s0 =	sadd.s32 $0x8F2B, s0  }
0xbf: {  	[sflag:s0] =	ssyncadd.remote.s32 $0x1  }
0xc0: {  	_ =	sfence.sel $0xFFFF  }
0xc1: {  	[dreg:$0x0] =	wrdreg $0xFFFFFFFF;
	(pc) =	sbr.abs _section_cstart, $3  }
0xc2: {  	[dreg:$0x1] =	wrdreg $0xFFFFFFFF  }
0xc3: {  	_ =	task.clear_ibuf [dreg:s8], $0x2FFFF;
	_ =	strace $0x9FFFFFFF  }
0xc4: {  	(tm) =	ssettm $0x7FFFFFFF  }
0xc5: {  	_ =	shalt  }
tec
execute0_lowered:
.L_overlay_start_1:
0x0: {  	(tag) =	ssettag $0x1  }
0x1: {  	s5 =	rddreg [dreg:$0x0]  }
0x2: {  	s4 =	rddreg [dreg:$0x1]  }
0x3: {  	s6 =	rddreg [dreg:$0x2]  }
0x4: {  	s0 =	rddreg [dreg:$0x3];
	s1 =	simm.s32 $0x0  }
0x5: {  	s7 =	srdreg.scid;
	s2 =	stileid.u32;
	s11 =	simm.s32 $0x4480  }
0x6: {  	s12 =	simm.s32 $0x4280;
	s13 =	simm.s32 $0x0;
	[smem:$0x7FF] =	sst s1  }
0x7: {  	s3 =	sadd.s32 $0x400, s4;
	s7 =	sand.u32 $0x1, s7;
	s9 =	sshll.u32 s2, $0xA  }
0x8: {  	s4 =	sadd.s32 $0x600, s4;
	s8 =	ssub.s32 $0x2, s7;
	s7 =	sshll.u32 s7, $0x9  }
0x9: {  	v0 =	vlaneseq.u32;
	_ =	strace $0x80000047;
	s10 =	sshrl.u32 s8, $0x1;
	s7 =	sor.u32 s7, s9  }
0xa: {  	v4 =	vmul.u32 $0x10, v0;
	s8 =	ssub.s32 s8, s10;
	s9 =	sshll.u32 s7, $0x6;
	s7 =	sshrl.u32 s7, $0x3  }
0xb: {  	s10 =	simm.s32 $0x4200;
	s5 =	sadd.s32 s5, s9;
	s6 =	sadd.s32 s6, s7  }
0xc: {  	[tilespmem:$0x1FFF0] =	vst v4;
	s7 =	smax.u32 s8, $0x1;
	s8 =	simm.s32 $0x4000;
	s9 =	simm.s32 $0x3  }
.LBB2_1:
0xd: {  	[tilespmem:s8], [sflag:$0x3] =	stream.linear.gather [hbm4b:s3+s1], $0x200, $0x38;
	[tilespmem:$0x6480] =	vst v63  }
0xe: {  	_ =	swait.ge [sflag:s9], $0x200  }
0xf: {  	[sflag:s9] =	ssyncset.done $0x0  }
0x10: {  	[sflag:s9] =	ssyncadd.s32 $0xFFFFFE00  }
0x11: {  	[tilespmem:s10], [sflag:$0x3] =	stream.linear.gather [hbm4b:s4+s1], $0x80, $0x38;
	[tilespmem:$0x6480] =	vst v63  }
0x12: {  	_ =	swait.ge [sflag:s9], $0x80  }
0x13: {  	[sflag:s9] =	ssyncset.done $0x0  }
0x14: {  	[sflag:s9] =	ssyncadd.s32 $0xFFFFFF80  }
0x15: {  	v0 =	vld [tilespmem:$0x4200];
	_ =	sdelay $0x3  }
0x16: {  	[tilespmem:s1], [sflag:$0x1] =	stream.linear.gather [hbm4b:s5+s1], $0x2000, $0x38;
	[tilespmem:$0x6480] =	vst v63  }
0x17: {  	s14 =	simm.s32 $0x0;
	[tilespmem:$0x1FFE0] =	vst v0  }
.LBB2_2:
0x18: {  	s18 =	smov.u32 s14  }
0x19: {  	s14 =	sadd.s32 $0x1, s14;
	p0 =	seq.s32 s18, $0x1F;
	s16 =	sand.u32 $0x1, s18  }
0x1a: {  	s15 =	sand.u32 @!p0 $0x1, s14;
	s17 =	sshll.u32 @!p0 s14, $0xA;
	s20 =	simm.s32 @!p0 $0x0  }
0x1b: {  	s19 =	sshll.u32 @!p0 s15, $0xD;
	s15 =	sadd.s32 @!p0 $0x1, s15;
	s17 =	sadd.s32 @!p0 s17, s5  }
0x1c: {  	[tilespmem:s19], [sflag:s15] =	stream.linear.gather @!p0 [hbm4b:s17+s20], $0x2000, $0x38;
	[tilespmem:$0x6480] =	vst v63  }
0x1d: {  	s22 =	sadd.s32 $0x1, s16;
	s15 =	simm.s32 $0x0  }
0x1e: {  	s16 =	sshll.u32 s16, $0xD;
	_ =	swait.ge [sflag:s22], $0x2000;
	s23 =	sand.u32 $0x1000, s15  }
0x1f: {  	s24 =	sand.u32 $0x380, s15;
	[sflag:s22] =	ssyncset.done $0x0;
	s19 =	sadd.s32 s23, s16  }
0x20: {  	[sflag:s22] =	ssyncadd.s32 $0xFFFFE000;
	s25 =	sadd.s32 s24, s19  }
0x21: {  	v2 =	vld [tilespmem:s25+$0x0]  }
0x22: {  	v3 =	vld [tilespmem:s25+$0x10]  }
0x23: {  	v4 =	vld [tilespmem:s25+$0x20]  }
0x24: {  	v5 =	vld [tilespmem:s25+$0x30]  }
0x25: {  	v6 =	vld [tilespmem:s25+$0x40]  }
0x26: {  	(xrf1) =	vsort.ascd.msk.f32 $0xffff, v2, v2;
	v2 =	vld [tilespmem:s25+$0x50]  }
0x27: {  	(xrf1) =	vsort.dscd.msk.f32 $0xffff, v3, v3;
	v3 =	vld [tilespmem:s25+$0x60]  }
0x28: {  	(xrf1) =	vsort.ascd.msk.f32 $0xffff, v4, v4;
	v4 =	vld [tilespmem:s25+$0x70]  }
0x29: {  	(xrf1) =	vsort.dscd.msk.f32 $0xffff, v5, v5;
	v5 =	vld [tilespmem:s25+$0x400]  }
0x2a: {  	(xrf1) =	vsort.ascd.msk.f32 $0xffff, v6, v6;
	v6 =	vld [tilespmem:s25+$0x410]  }
0x2b: {  	v7 =	vld [tilespmem:s25+$0x420];
	(xrf1) =	vsort.dscd.msk.f32 $0xffff, v2, v2  }
0x2c: {  	v2 =	vld [tilespmem:s25+$0x430];
	(xrf1) =	vsort.ascd.msk.f32 $0xffff, v3, v3  }
0x2d: {  	v3 =	vld [tilespmem:s25+$0x440];
	(xrf1) =	vsort.dscd.msk.f32 $0xffff, v4, v4  }
0x2e: {  	v4 =	vld [tilespmem:s25+$0x450];
	(xrf1) =	vsort.ascd.msk.f32 $0xffff, v5, v5  }
0x2f: {  	v5 =	vld [tilespmem:s25+$0x460];
	(xrf1) =	vsort.dscd.msk.f32 $0xffff, v6, v6  }
0x30: {  	v6 =	vld [tilespmem:s25+$0x470];
	(xrf1) =	vsort.ascd.msk.f32 $0xffff, v7, v7  }
0x31: {  	(xrf1) =	vsort.dscd.msk.f32 $0xffff, v2, v2;
	v2 =	vld [tilespmem:s25+$0x800]  }
0x32: {  	(xrf1) =	vsort.ascd.msk.f32 $0xffff, v3, v3;
	v3 =	vld [tilespmem:s25+$0x810]  }
0x33: {  	(xrf1) =	vsort.dscd.msk.f32 $0xffff, v4, v4;
	v4 =	vld [tilespmem:s25+$0x820]  }
0x34: {  	v7, _, _ =	vpop (xrf1);
	(xrf1) =	vsort.ascd.msk.f32 $0xffff, v5, v5;
	v5 =	vld [tilespmem:s25+$0x830]  }
0x35: {  	v9 =	vld [tilespmem:s25+$0x840];
	v8, _, _ =	vpop (xrf1);
	(xrf1) =	vsort.dscd.msk.f32 $0xffff, v6, v6  }
0x36: {  	v10 =	vld [tilespmem:s25+$0x850];
	v6, _, _ =	vpop (xrf1);
	(xrf1) =	vsort.ascd.msk.f32 $0xffff, v2, v2  }
0x37: {  	v11 =	vld [tilespmem:s25+$0x860];
	v2, _, _ =	vpop (xrf1);
	(xrf1) =	vsort.dscd.msk.f32 $0xffff, v3, v3  }
0x38: {  	v12 =	vld [tilespmem:s25+$0x870];
	v3, _, _ =	vpop (xrf1);
	(xrf1) =	vsort.ascd.msk.f32 $0xffff, v4, v4  }
0x39: {  	v13 =	vld [tilespmem:s25+$0xC00];
	v4, _, _ =	vpop (xrf1);
	(xrf1) =	vsort.dscd.msk.f32 $0xffff, v5, v5  }
0x3a: {  	v14 =	vld [tilespmem:s25+$0xC10];
	v5, _, _ =	vpop (xrf1);
	(xrf1) =	vsort.ascd.msk.f32 $0xffff, v9, v9  }
0x3b: {  	v15 =	vld [tilespmem:s25+$0xC20];
	v9, _, _ =	vpop (xrf1);
	(xrf1) =	vsort.dscd.msk.f32 $0xffff, v10, v10  }
0x3c: {  	v16 =	vld [tilespmem:s25+$0xC30];
	v10, _, _ =	vpop (xrf1);
	(xrf1) =	vsort.ascd.msk.f32 $0xffff, v11, v11  }
0x3d: {  	v17 =	vld [tilespmem:s25+$0xC40];
	v11, _, _ =	vpop (xrf1);
	(xrf1) =	vsort.dscd.msk.f32 $0xffff, v12, v12  }
0x3e: {  	v12, _, _ =	vpop (xrf1);
	(xrf1) =	vsort.ascd.msk.f32 $0xffff, v13, v13;
	v13 =	vld [tilespmem:s25+$0xC50]  }
0x3f: {  	v18, _, _ =	vpop (xrf1);
	(xrf1) =	vsort.dscd.msk.f32 $0xffff, v14, v14;
	v14 =	vld [tilespmem:s25+$0xC60]  }
0x40: {  	v19, _, _ =	vpop (xrf1);
	(xrf1) =	vsort.ascd.msk.f32 $0xffff, v15, v15;
	v15 =	vld [tilespmem:s25+$0xC70]  }
0x41: {  	v20, _, _ =	vpop (xrf1);
	(xrf1) =	vsort.dscd.msk.f32 $0xffff, v16, v16  }
0x42: {  	v16, _, _ =	vpop (xrf1);
	(xrf1) =	vsort.ascd.msk.f32 $0xffff, v17, v17  }
0x43: {  	v17, _, _ =	vpop (xrf1);
	(xrf1) =	vsort.dscd.msk.f32 $0xffff, v13, v13  }
0x44: {  	v13, _, _ =	vpop (xrf1);
	(xrf1) =	vsort.ascd.msk.f32 $0xffff, v14, v14  }
0x45: {  	v14, _, _ =	vpop (xrf1);
	(xrf1) =	vsort.dscd.msk.f32 $0xffff, v15, v15;
	v15 =	vmin.f32 v7, v8;
	v7 =	vmax.f32 v7, v8  }
0x46: {  	v21, _, _ =	vpop (xrf1);
	(xrf1) =	vsort.ascd.msk.f32 $0xffff, v15, v15  }
0x47: {  	v15 =	vmax.f32 v6, v2;
	v2 =	vmin.f32 v6, v2;
	v8, _, _ =	vpop (xrf1);
	(xrf1) =	vsort.ascd.msk.f32 $0xffff, v7, v7  }
0x48: {  	v7, _, _ =	vpop (xrf1);
	(xrf1) =	vsort.dscd.msk.f32 $0xffff, v15, v15  }
0x49: {  	v15 =	vmin.f32 v3, v4;
	v3 =	vmax.f32 v3, v4;
	v6, _, _ =	vpop (xrf1);
	(xrf1) =	vsort.dscd.msk.f32 $0xffff, v2, v2  }
0x4a: {  	v2, _, _ =	vpop (xrf1);
	(xrf1) =	vsort.ascd.msk.f32 $0xffff, v15, v15  }
0x4b: {  	v15 =	vmax.f32 v5, v9;
	v5 =	vmin.f32 v5, v9;
	v4, _, _ =	vpop (xrf1);
	(xrf1) =	vsort.ascd.msk.f32 $0xffff, v3, v3  }
0x4c: {  	v3, _, _ =	vpop (xrf1);
	(xrf1) =	vsort.dscd.msk.f32 $0xffff, v15, v15  }
0x4d: {  	v15 =	vmin.f32 v10, v11;
	v10 =	vmax.f32 v10, v11;
	v9, _, _ =	vpop (xrf1);
	(xrf1) =	vsort.dscd.msk.f32 $0xffff, v5, v5  }
0x4e: {  	v5, _, _ =	vpop (xrf1);
	(xrf1) =	vsort.ascd.msk.f32 $0xffff, v15, v15;
	v15 =	vmax.f32 v12, v18  }
0x4f: {  	v12 =	vmin.f32 v12, v18;
	v11, _, _ =	vpop (xrf1);
	(xrf1) =	vsort.ascd.msk.f32 $0xffff, v10, v10  }
0x50: {  	v18 =	vmin.f32 v19, v20;
	v10, _, _ =	vpop (xrf1);
	(xrf1) =	vsort.dscd.msk.f32 $0xffff, v15, v15  }
0x51: {  	v15, _, _ =	vpop (xrf1);
	(xrf1) =	vsort.dscd.msk.f32 $0xffff, v12, v12  }
0x52: {  	v19 =	vmax.f32 v19, v20;
	v20 =	vmax.f32 v16, v17;
	v12, _, _ =	vpop (xrf1);
	(xrf1) =	vsort.ascd.msk.f32 $0xffff, v18, v18  }
0x53: {  	v18, _, _ =	vpop (xrf1);
	(xrf1) =	vsort.ascd.msk.f32 $0xffff, v19, v19  }
0x54: {  	v16 =	vmin.f32 v16, v17;
	v19 =	vmin.f32 v13, v14;
	v17, _, _ =	vpop (xrf1);
	(xrf1) =	vsort.dscd.msk.f32 $0xffff, v20, v20  }
0x55: {  	v13 =	vmax.f32 v13, v14;
	v20, _, _ =	vpop (xrf1);
	(xrf1) =	vsort.dscd.msk.f32 $0xffff, v16, v16  }
0x56: {  	v14, _, _ =	vpop (xrf1);
	(xrf1) =	vsort.ascd.msk.f32 $0xffff, v19, v19  }
0x57: {  	v16 =	vmax.f32 v21, v8;
	v19, _, _ =	vpop (xrf1);
	(xrf1) =	vsort.ascd.msk.f32 $0xffff, v13, v13  }
0x58: {  	v8 =	vmin.f32 v21, v8;
	v13, _, _ =	vpop (xrf1);
	(xrf1) =	vsort.dscd.msk.f32 $0xffff, v16, v16;
	v16 =	vmin.f32 v7, v6  }
0x59: {  	v21, _, _ =	vpop (xrf1);
	(xrf1) =	vsort.dscd.msk.f32 $0xffff, v8, v8  }
0x5a: {  	v6 =	vmax.f32 v7, v6;
	v8 =	vmax.f32 v2, v4;
	v7, _, _ =	vpop (xrf1);
	(xrf1) =	vsort.ascd.msk.f32 $0xffff, v16, v16  }
0x5b: {  	v16, _, _ =	vpop (xrf1);
	(xrf1) =	vsort.ascd.msk.f32 $0xffff, v6, v6  }
0x5c: {  	v2 =	vmin.f32 v2, v4;
	v4, _, _ =	vpop (xrf1);
	(xrf1) =	vsort.dscd.msk.f32 $0xffff, v8, v8  }
0x5d: {  	v6 =	vmin.f32 v3, v9;
	v8, _, _ =	vpop (xrf1);
	(xrf1) =	vsort.dscd.msk.f32 $0xffff, v2, v2  }
0x5e: {  	v2 =	vmax.f32 v3, v9;
	v3, _, _ =	vpop (xrf1);
	(xrf1) =	vsort.ascd.msk.f32 $0xffff, v6, v6  }
0x5f: {  	v6 =	vmax.f32 v5, v11;
	v9, _, _ =	vpop (xrf1);
	(xrf1) =	vsort.ascd.msk.f32 $0xffff, v2, v2  }
0x60: {  	v2 =	vmin.f32 v5, v11;
	v5, _, _ =	vpop (xrf1);
	(xrf1) =	vsort.dscd.msk.f32 $0xffff, v6, v6  }
0x61: {  	v6 =	vmin.f32 v10, v15;
	v11, _, _ =	vpop (xrf1);
	(xrf1) =	vsort.dscd.msk.f32 $0xffff, v2, v2  }
0x62: {  	v2 =	vmax.f32 v10, v15;
	v10, _, _ =	vpop (xrf1);
	(xrf1) =	vsort.ascd.msk.f32 $0xffff, v6, v6;
	v6 =	vmin.f32 v12, v18  }
0x63: {  	v12 =	vmax.f32 v12, v18;
	v18 =	vmin.f32 v20, v19;
	v15, _, _ =	vpop (xrf1);
	(xrf1) =	vsort.ascd.msk.f32 $0xffff, v2, v2  }
0x64: {  	v2 =	vmin.f32 v17, v14;
	v22, _, _ =	vpop (xrf1);
	(xrf1) =	vsort.dscd.msk.f32 $0xffff, v12, v12;
	v12 =	vmax.f32 v17, v14  }
0x65: {  	v14 =	vmin.f32 v2, v18;
	v17, _, _ =	vpop (xrf1);
	(xrf1) =	vsort.dscd.msk.f32 $0xffff, v6, v6;
	v6 =	vmax.f32 v20, v19  }
0x66: {  	v2 =	vmax.f32 v2, v18;
	v18, _, _ =	vpop (xrf1);
	(xrf1) =	vsort.ascd.msk.f32 $0xffff, v14, v14;
	v19 =	vmin.f32 v12, v6  }
0x67: {  	v14 =	vmax.f32 v13, v7;
	v6 =	vmax.f32 v12, v6;
	v20, _, _ =	vpop (xrf1);
	(xrf1) =	vsort.ascd.msk.f32 $0xffff, v2, v2  }
0x68: {  	v7 =	vmin.f32 v13, v7;
	v2 =	vmax.f32 v21, v16;
	v12, _, _ =	vpop (xrf1);
	(xrf1) =	vsort.ascd.msk.f32 $0xffff, v19, v19  }
0x69: {  	v13 =	vmax.f32 v14, v2;
	v19, _, _ =	vpop (xrf1);
	(xrf1) =	vsort.ascd.msk.f32 $0xffff, v6, v6;
	v6 =	vmin.f32 v21, v16  }
0x6a: {  	v2 =	vmin.f32 v14, v2;
	v14, _, _ =	vpop (xrf1);
	(xrf1) =	vsort.dscd.msk.f32 $0xffff, v13, v13;
	v16 =	vmax.f32 v7, v6  }
0x6b: {  	v13 =	vmin.f32 v4, v3;
	v6 =	vmin.f32 v7, v6;
	v21, _, _ =	vpop (xrf1);
	(xrf1) =	vsort.dscd.msk.f32 $0xffff, v2, v2  }
0x6c: {  	v3 =	vmax.f32 v4, v3;
	v2 =	vmin.f32 v8, v9;
	v7, _, _ =	vpop (xrf1);
	(xrf1) =	vsort.dscd.msk.f32 $0xffff, v16, v16  }
0x6d: {  	v4 =	vmin.f32 v13, v2;
	v16, _, _ =	vpop (xrf1);
	(xrf1) =	vsort.dscd.msk.f32 $0xffff, v6, v6;
	v6 =	vmax.f32 v8, v9  }
0x6e: {  	v2 =	vmax.f32 v13, v2;
	v8, _, _ =	vpop (xrf1);
	(xrf1) =	vsort.ascd.msk.f32 $0xffff, v4, v4  }
0x6f: {  	v4 =	vmax.f32 v5, v10;
	v9 =	vmin.f32 v3, v6;
	v13, _, _ =	vpop (xrf1);
	(xrf1) =	vsort.ascd.msk.f32 $0xffff, v2, v2  }
0x70: {  	v3 =	vmax.f32 v3, v6;
	v2 =	vmax.f32 v11, v15;
	v6, _, _ =	vpop (xrf1);
	(xrf1) =	vsort.ascd.msk.f32 $0xffff, v9, v9  }
0x71: {  	v5 =	vmin.f32 v5, v10;
	v9 =	vmax.f32 v4, v2;
	v10, _, _ =	vpop (xrf1);
	(xrf1) =	vsort.ascd.msk.f32 $0xffff, v3, v3  }
0x72: {  	v2 =	vmin.f32 v4, v2;
	v3 =	vmin.f32 v11, v15;
	v4, _, _ =	vpop (xrf1);
	(xrf1) =	vsort.dscd.msk.f32 $0xffff, v9, v9  }
0x73: {  	v11 =	vmax.f32 v5, v3;
	v3 =	vmin.f32 v5, v3;
	v15, _, _ =	vpop (xrf1);
	(xrf1) =	vsort.dscd.msk.f32 $0xffff, v2, v2  }
0x74: {  	v9 =	vmin.f32 v22, v18;
	v2 =	vmin.f32 v17, v20;
	v5, _, _ =	vpop (xrf1);
	(xrf1) =	vsort.dscd.msk.f32 $0xffff, v11, v11  }
0x75: {  	v11 =	vmin.f32 v9, v2;
	v23, _, _ =	vpop (xrf1);
	(xrf1) =	vsort.dscd.msk.f32 $0xffff, v3, v3  }
0x76: {  	v2 =	vmax.f32 v9, v2;
	v9 =	vmax.f32 v22, v18;
	v3, _, _ =	vpop (xrf1);
	(xrf1) =	vsort.ascd.msk.f32 $0xffff, v11, v11  }
0x77: {  	v22 =	vmax.f32 v19, v21;
	v11 =	vmax.f32 v17, v20;
	v17, _, _ =	vpop (xrf1);
	(xrf1) =	vsort.ascd.msk.f32 $0xffff, v2, v2  }
0x78: {  	v2 =	vmax.f32 v12, v14;
	v18 =	vmin.f32 v9, v11;
	v9 =	vmax.f32 v9, v11  }
0x79: {  	v12 =	vmin.f32 v12, v14;
	v20, _, _ =	vpop (xrf1);
	(xrf1) =	vsort.ascd.msk.f32 $0xffff, v18, v18;
	v14 =	vmax.f32 v2, v22  }
0x7a: {  	v18 =	vmin.f32 v19, v21;
	v2 =	vmin.f32 v2, v22;
	v19 =	vmin.f32 v7, v8  }
0x7b: {  	v22 =	vmin.f32 v16, v13;
	v7 =	vmax.f32 v7, v8;
	v13 =	vmax.f32 v16, v13  }
0x7c: {  	v11, _, _ =	vpop (xrf1);
	(xrf1) =	vsort.ascd.msk.f32 $0xffff, v9, v9;
	v21 =	vmax.f32 v12, v18;
	v12 =	vmin.f32 v12, v18  }
0x7d: {  	v8 =	vmin.f32 v19, v22;
	v16 =	vmax.f32 v19, v22;
	v19 =	vmax.f32 v6, v4  }
0x7e: {  	v22 =	vmax.f32 v10, v15;
	v4 =	vmin.f32 v6, v4;
	v10 =	vmin.f32 v10, v15  }
0x7f: {  	v24 =	vmin.f32 v5, v20;
	v5 =	vmax.f32 v5, v20;
	v9, _, _ =	vpop (xrf1);
	(xrf1) =	vsort.dscd.msk.f32 $0xffff, v14, v14  }
0x80: {  	v6 =	vmax.f32 v19, v22;
	v15 =	vmin.f32 v19, v22;
	v19 =	vmax.f32 v4, v10  }
0x81: {  	v4 =	vmin.f32 v4, v10;
	v20 =	vmin.f32 v23, v11;
	v11 =	vmax.f32 v23, v11;
	v14, _, _ =	vpop (xrf1)  }
0x82: {  	(xrf1) =	vsort.dscd.msk.f32 $0xffff, v2, v2;
	v23 =	vmin.f32 v3, v9;
	v3 =	vmax.f32 v3, v9;
	v2, _, _ =	vpop (xrf1)  }
0x83: {  	(xrf1) =	vsort.dscd.msk.f32 $0xffff, v21, v21;
	v21 =	vmin.f32 v7, v13;
	v7 =	vmax.f32 v7, v13;
	v18, _, _ =	vpop (xrf1)  }
0x84: {  	v26 =	vmin.f32 v17, v14;
	v14 =	vmax.f32 v17, v14;
	(xrf1) =	vsort.dscd.msk.f32 $0xffff, v12, v12;
	v12, _, _ =	vpop (xrf1)  }
0x85: {  	v35 =	vmin.f32 v24, v23;
	v23 =	vmax.f32 v24, v23;
	(xrf1) =	vsort.ascd.msk.f32 $0xffff, v8, v8;
	v8, _, _ =	vpop (xrf1)  }
0x86: {  	v42 =	vmin.f32 v5, v3;
	v3 =	vmax.f32 v5, v3;
	(xrf1) =	vsort.ascd.msk.f32 $0xffff, v16, v16;
	v16, _, _ =	vpop (xrf1)  }
0x87: {  	v36 =	vmin.f32 v20, v26;
	v20 =	vmax.f32 v20, v26;
	(xrf1) =	vsort.ascd.msk.f32 $0xffff, v21, v21;
	v13, _, _ =	vpop (xrf1)  }
0x88: {  	v44 =	vmin.f32 v11, v14;
	v11 =	vmax.f32 v11, v14;
	(xrf1) =	vsort.ascd.msk.f32 $0xffff, v7, v7;
	v7, _, _ =	vpop (xrf1)  }
0x89: {  	v40 =	vmin.f32 v35, v36;
	v41 =	vmax.f32 v35, v36;
	(xrf1) =	vsort.dscd.msk.f32 $0xffff, v6, v6;
	v6, _, _ =	vpop (xrf1)  }
0x8a: {  	v43 =	vmin.f32 v23, v20;
	v20 =	vmax.f32 v23, v20;
	(xrf1) =	vsort.dscd.msk.f32 $0xffff, v15, v15;
	v15, _, _ =	vpop (xrf1)  }
0x8b: {  	v5 =	vmin.f32 v42, v44;
	v14 =	vmax.f32 v42, v44;
	(xrf1) =	vsort.dscd.msk.f32 $0xffff, v19, v19;
	v10, _, _ =	vpop (xrf1)  }
0x8c: {  	v17 =	vmin.f32 v2, v16;
	v2 =	vmax.f32 v2, v16;
	(xrf1) =	vsort.dscd.msk.f32 $0xffff, v4, v4  }
0x8d: {  	v16 =	vmin.f32 v18, v13;
	v13 =	vmax.f32 v18, v13;
	v4, _, _ =	vpop (xrf1);
	(xrf1) =	vsort.ascd.msk.f32 $0xffff, v40, v40  }
0x8e: {  	v28 =	vmin.f32 v12, v7;
	v7 =	vmax.f32 v12, v7;
	v19, _, _ =	vpop (xrf1);
	(xrf1) =	vsort.ascd.msk.f32 $0xffff, v41, v41  }
0x8f: {  	v12 =	vmin.f32 v8, v6;
	v6 =	vmax.f32 v8, v6;
	v21, _, _ =	vpop (xrf1);
	(xrf1) =	vsort.ascd.msk.f32 $0xffff, v43, v43  }
0x90: {  	v22, _, _ =	vpop (xrf1);
	v8 =	vmin.f32 v15, v21;
	v15 =	vmax.f32 v15, v21;
	(xrf1) =	vsort.ascd.msk.f32 $0xffff, v20, v20  }
0x91: {  	v20 =	vmin.f32 v3, v11;
	v3 =	vmax.f32 v3, v11;
	v25, _, _ =	vpop (xrf1);
	v30 =	vmin.f32 v10, v22  }
0x92: {  	v10 =	vmax.f32 v10, v22;
	(xrf1) =	vsort.ascd.msk.f32 $0xffff, v5, v5;
	v5 =	vmax.f32 v2, v7;
	v9, _, _ =	vpop (xrf1)  }
0x93: {  	v2 =	vmin.f32 v2, v7;
	v22 =	vmin.f32 v4, v25;
	v4 =	vmax.f32 v4, v25;
	v27, _, _ =	vpop (xrf1)  }
0x94: {  	(xrf1) =	vsort.ascd.msk.f32 $0xffff, v14, v14;
	v14 =	vmax.f32 v13, v6;
	v61 =	vmin.f32 v19, v9;
	v18, _, _ =	vpop (xrf1)  }
0x95: {  	v9 =	vmax.f32 v19, v9;
	(xrf1) =	vsort.ascd.msk.f32 $0xffff, v20, v20;
	v7 =	vmax.f32 v5, v14;
	v29, _, _ =	vpop (xrf1)  }
0x96: {  	v5 =	vmin.f32 v5, v14;
	(xrf1) =	vsort.ascd.msk.f32 $0xffff, v3, v3;
	v3 =	vmin.f32 v13, v6;
	v21, _, _ =	vpop (xrf1)  }
0x97: {  	v6 =	vmax.f32 v17, v28;
	(xrf1) =	vsort.dscd.msk.f32 $0xffff, v7, v7;
	v7 =	vmax.f32 v2, v3;
	v31, _, _ =	vpop (xrf1)  }
0x98: {  	v2 =	vmin.f32 v2, v3;
	v3 =	vmin.f32 v17, v28;
	v19, _, _ =	vpop (xrf1);
	v32 =	vmin.f32 v27, v31  }
0x99: {  	v27 =	vmax.f32 v27, v31;
	v62 =	vmin.f32 v18, v19;
	v33, _, _ =	vpop (xrf1);
	v18 =	vmax.f32 v18, v19  }
0x9a: {  	v19 =	vmin.f32 v29, v33;
	v29 =	vmax.f32 v29, v33;
	v63, _, _ =	vpop (xrf1);
	(xrf1) =	vsort.dscd.msk.f32 $0xffff, v5, v5  }
0x9b: {  	v5 =	vmax.f32 v16, v12;
	v34 =	vmin.f32 v21, v63;
	(xrf1) =	vsort.dscd.msk.f32 $0xffff, v7, v7  }
0x9c: {  	v21 =	vmax.f32 v21, v63;
	v7 =	vmax.f32 v6, v5;
	(xrf1) =	vsort.dscd.msk.f32 $0xffff, v2, v2  }
0x9d: {  	v5 =	vmin.f32 v6, v5;
	v2 =	vmin.f32 v16, v12;
	(xrf1) =	vsort.dscd.msk.f32 $0xffff, v7, v7  }
0x9e: {  	v6 =	vmin.f32 v8, v22;
	v7 =	vmax.f32 v3, v2;
	(xrf1) =	vsort.dscd.msk.f32 $0xffff, v5, v5  }
0x9f: {  	v2 =	vmin.f32 v3, v2;
	v5 =	vmin.f32 v30, v61;
	(xrf1) =	vsort.dscd.msk.f32 $0xffff, v7, v7  }
0xa0: {  	v3, _, _ =	vpop (xrf1);
	v7 =	vmax.f32 v8, v22;
	v8 =	vmin.f32 v6, v5;
	(xrf1) =	vsort.dscd.msk.f32 $0xffff, v2, v2  }
0xa1: {  	v11, _, _ =	vpop (xrf1);
	v5 =	vmax.f32 v6, v5;
	v2 =	vmax.f32 v30, v61;
	(xrf1) =	vsort.ascd.msk.f32 $0xffff, v8, v8  }
0xa2: {  	v6, _, _ =	vpop (xrf1);
	v8 =	vmin.f32 v15, v4;
	v12 =	vmin.f32 v7, v2;
	(xrf1) =	vsort.ascd.msk.f32 $0xffff, v5, v5  }
0xa3: {  	v13, _, _ =	vpop (xrf1);
	v2 =	vmax.f32 v7, v2;
	v5 =	vmin.f32 v10, v9;
	(xrf1) =	vsort.ascd.msk.f32 $0xffff, v12, v12  }
0xa4: {  	v4 =	vmax.f32 v15, v4;
	v7, _, _ =	vpop (xrf1);
	v12 =	vmin.f32 v8, v5;
	(xrf1) =	vsort.ascd.msk.f32 $0xffff, v2, v2  }
0xa5: {  	v14, _, _ =	vpop (xrf1);
	v5 =	vmax.f32 v8, v5;
	v2 =	vmax.f32 v10, v9;
	(xrf1) =	vsort.ascd.msk.f32 $0xffff, v12, v12  }
0xa6: {  	v8, _, _ =	vpop (xrf1);
	v9 =	vmax.f32 v27, v29;
	v10 =	vmin.f32 v4, v2;
	(xrf1) =	vsort.ascd.msk.f32 $0xffff, v5, v5  }
0xa7: {  	v2 =	vmax.f32 v4, v2;
	v12, _, _ =	vpop (xrf1);
	v5 =	vmax.f32 v18, v21;
	(xrf1) =	vsort.ascd.msk.f32 $0xffff, v10, v10  }
0xa8: {  	s26 =	simm.s32 $0x200;
	v4, _, _ =	vpop (xrf1);
	v10 =	vmin.f32 v27, v29;
	v15 =	vmax.f32 v9, v5;
	(xrf1) =	vsort.ascd.msk.f32 $0xffff, v2, v2  }
0xa9: {  	s28 =	sand.u32 $0x1000, s26;
	s17 =	simm.s32 $0x80;
	v5 =	vmin.f32 v9, v5;
	v16, _, _ =	vpop (xrf1);
	v2 =	vmin.f32 v18, v21;
	(xrf1) =	vsort.dscd.msk.f32 $0xffff, v15, v15  }
0xaa: {  	s29 =	sand.u32 $0x380, s17;
	s19 =	sadd.s32 s28, s16;
	v9, _, _ =	vpop (xrf1);
	v15 =	vmax.f32 v32, v19;
	v17 =	vmax.f32 v10, v2;
	(xrf1) =	vsort.dscd.msk.f32 $0xffff, v5, v5  }
0xab: {  	s19 =	sadd.s32 s29, s19;
	v2 =	vmin.f32 v10, v2;
	v18, _, _ =	vpop (xrf1);
	v5 =	vmax.f32 v62, v34;
	(xrf1) =	vsort.dscd.msk.f32 $0xffff, v17, v17  }
0xac: {  	v22 =	vmin.f32 v62, v34;
	v10, _, _ =	vpop (xrf1);
	v17 =	vld [tilespmem:s19+$0x0];
	v20 =	vmax.f32 v15, v5;
	(xrf1) =	vsort.dscd.msk.f32 $0xffff, v2, v2  }
0xad: {  	v19 =	vmin.f32 v32, v19;
	v5 =	vmin.f32 v15, v5;
	v21, _, _ =	vpop (xrf1);
	v2 =	vld [tilespmem:s19+$0x10];
	(xrf1) =	vsort.dscd.msk.f32 $0xffff, v20, v20  }
0xae: {  	v23 =	vmax.f32 v19, v22;
	v19 =	vmin.f32 v19, v22;
	v15, _, _ =	vpop (xrf1);
	v20 =	vld [tilespmem:s19+$0x20];
	(xrf1) =	vsort.dscd.msk.f32 $0xffff, v5, v5  }
0xaf: {  	v48 =	vmin.f32 v7, v10;
	v7 =	vmax.f32 v7, v10;
	v45, _, _ =	vpop (xrf1);
	v5 =	vld [tilespmem:s19+$0x30];
	(xrf1) =	vsort.dscd.msk.f32 $0xffff, v23, v23  }
0xb0: {  	v10 =	vmin.f32 v14, v21;
	v14 =	vmax.f32 v14, v21;
	v22, _, _ =	vpop (xrf1);
	v23 =	vld [tilespmem:s19+$0x40];
	(xrf1) =	vsort.dscd.msk.f32 $0xffff, v19, v19  }
0xb1: {  	v21 =	vmin.f32 v8, v15;
	v8 =	vmax.f32 v8, v15;
	v46, _, _ =	vpop (xrf1);
	(xrf1) =	vsort.ascd.msk.f32 $0xffff, v17, v17  }
0xb2: {  	v50 =	vmin.f32 v12, v45;
	v12 =	vmax.f32 v12, v45;
	v17, _, _ =	vpop (xrf1);
	(xrf1) =	vsort.dscd.msk.f32 $0xffff, v2, v2  }
0xb3: {  	v2, _, _ =	vpop (xrf1);
	(xrf1) =	vsort.ascd.msk.f32 $0xffff, v20, v20;
	v20 =	vmin.f32 v3, v4;
	v3 =	vmax.f32 v3, v4  }
0xb4: {  	(xrf1) =	vsort.dscd.msk.f32 $0xffff, v5, v5;
	v62 =	vmin.f32 v20, v48;
	v20 =	vmax.f32 v20, v48  }
0xb5: {  	v19, _, _ =	vpop (xrf1);
	v40 =	vmin.f32 v3, v7;
	v7 =	vmax.f32 v3, v7;
	(xrf1) =	vsort.ascd.msk.f32 $0xffff, v23, v23  }
0xb6: {  	v5, _, _ =	vpop (xrf1);
	v23 =	vmin.f32 v11, v16;
	v11 =	vmax.f32 v11, v16;
	v16 =	vmin.f32 v6, v9  }
0xb7: {  	v4, _, _ =	vpop (xrf1);
	v6 =	vmax.f32 v6, v9;
	v9 =	vmin.f32 v13, v18;
	v13 =	vmax.f32 v13, v18  }
0xb8: {  	v47, _, _ =	vpop (xrf1);
	v63 =	vmin.f32 v23, v10;
	v10 =	vmax.f32 v23, v10;
	v23 =	vmin.f32 v16, v21  }
0xb9: {  	v16 =	vmax.f32 v16, v21;
	v21 =	vmin.f32 v9, v50;
	v9 =	vmax.f32 v9, v50;
	v18, _, _ =	vpop (xrf1)  }
0xba: {  	v3 =	vmin.f32 v11, v14;
	v11 =	vmax.f32 v11, v14;
	v14 =	vmin.f32 v6, v8;
	v49, _, _ =	vpop (xrf1)  }
0xbb: {  	v6 =	vmax.f32 v6, v8;
	v8 =	vmin.f32 v13, v12;
	v12 =	vmax.f32 v13, v12;
	v15, _, _ =	vpop (xrf1)  }
0xbc: {  	v51 =	vmin.f32 v22, v18;
	v18 =	vmax.f32 v22, v18;
	v22 =	vmin.f32 v46, v49;
	v52, _, _ =	vpop (xrf1)  }
0xbd: {  	v25 =	vmax.f32 v46, v49;
	v54 =	vmin.f32 v17, v15;
	v15 =	vmax.f32 v17, v15;
	v53, _, _ =	vpop (xrf1)  }
0xbe: {  	v17 =	vmin.f32 v2, v52;
	v2 =	vmax.f32 v2, v52;
	v55, _, _ =	vpop (xrf1);
	v56 =	vmin.f32 v19, v53  }
0xbf: {  	v19 =	vmax.f32 v19, v53;
	v58 =	vmin.f32 v5, v55;
	v5 =	vmax.f32 v5, v55  }
0xc0: {  	v57, _, _ =	vpop (xrf1);
	v13 =	vmin.f32 v18, v19;
	v18 =	vmax.f32 v18, v19;
	v37 =	vmin.f32 v51, v56  }
0xc1: {  	v24 =	vmax.f32 v51, v56;
	v59 =	vmin.f32 v4, v57;
	v4 =	vmax.f32 v4, v57  }
0xc2: {  	v60, _, _ =	vpop (xrf1);
	v19 =	vmin.f32 v25, v5;
	v25 =	vmax.f32 v25, v5;
	v43 =	vmin.f32 v22, v58  }
0xc3: {  	v22 =	vmax.f32 v22, v58;
	v5 =	vmax.f32 v62, v23;
	v61 =	vmin.f32 v47, v60  }
0xc4: {  	v26 =	vmax.f32 v47, v60;
	v41 =	vmin.f32 v15, v4;
	v15 =	vmax.f32 v15, v4  }
0xc5: {  	v44 =	vmin.f32 v54, v59;
	v31 =	vmax.f32 v54, v59;
	v4 =	vmin.f32 v63, v21  }
0xc6: {  	v42 =	vmin.f32 v2, v26;
	v26 =	vmax.f32 v2, v26;
	v2 =	vmin.f32 v62, v23  }
0xc7: {  	v21 =	vmax.f32 v63, v21;
	v45 =	vmin.f32 v17, v61;
	v23 =	vmin.f32 v2, v4  }
0xc8: {  	v17 =	vmax.f32 v17, v61;
	v2 =	vmax.f32 v2, v4;
	(xrf1) =	vsort.ascd.msk.f32 $0xffff, v23, v23  }
0xc9: {  	v4 =	vmin.f32 v20, v16;
	v23 =	vmin.f32 v5, v21;
	(xrf1) =	vsort.ascd.msk.f32 $0xffff, v2, v2  }
0xca: {  	v5 =	vmax.f32 v5, v21;
	v2 =	vmin.f32 v10, v9;
	(xrf1) =	vsort.ascd.msk.f32 $0xffff, v23, v23  }
0xcb: {  	v16 =	vmax.f32 v20, v16;
	v20 =	vmin.f32 v4, v2;
	(xrf1) =	vsort.ascd.msk.f32 $0xffff, v5, v5  }
0xcc: {  	v2 =	vmax.f32 v4, v2;
	v5 =	vmax.f32 v10, v9;
	(xrf1) =	vsort.ascd.msk.f32 $0xffff, v20, v20  }
0xcd: {  	v4 =	vmin.f32 v40, v14;
	v9 =	vmin.f32 v16, v5;
	(xrf1) =	vsort.ascd.msk.f32 $0xffff, v2, v2  }
0xce: {  	v5 =	vmax.f32 v16, v5;
	v2 =	vmin.f32 v3, v8;
	(xrf1) =	vsort.ascd.msk.f32 $0xffff, v9, v9  }
0xcf: {  	v3 =	vmax.f32 v3, v8;
	v10 =	vmin.f32 v4, v2;
	(xrf1) =	vsort.ascd.msk.f32 $0xffff, v5, v5  }
0xd0: {  	v9 =	vmax.f32 v40, v14;
	v4 =	vmax.f32 v4, v2;
	(xrf1) =	vsort.ascd.msk.f32 $0xffff, v10, v10  }
0xd1: {  	v8 =	vmin.f32 v7, v6;
	v2, _, _ =	vpop (xrf1);
	v10 =	vmin.f32 v9, v3;
	(xrf1) =	vsort.ascd.msk.f32 $0xffff, v4, v4  }
0xd2: {  	v9 =	vmax.f32 v9, v3;
	v5, _, _ =	vpop (xrf1);
	v4 =	vmin.f32 v11, v12;
	(xrf1) =	vsort.ascd.msk.f32 $0xffff, v10, v10  }
0xd3: {  	v3, _, _ =	vpop (xrf1);
	v10 =	vmin.f32 v8, v4;
	(xrf1) =	vsort.ascd.msk.f32 $0xffff, v9, v9;
	v9 =	vmax.f32 v11, v12  }
0xd4: {  	v7 =	vmax.f32 v7, v6;
	v8 =	vmax.f32 v8, v4;
	v6, _, _ =	vpop (xrf1);
	(xrf1) =	vsort.ascd.msk.f32 $0xffff, v10, v10  }
0xd5: {  	v4, _, _ =	vpop (xrf1);
	v10 =	vmax.f32 v18, v15;
	v11 =	vmin.f32 v7, v9;
	(xrf1) =	vsort.ascd.msk.f32 $0xffff, v8, v8  }
0xd6: {  	v7 =	vmax.f32 v7, v9;
	v8 =	vmax.f32 v25, v26;
	v9, _, _ =	vpop (xrf1);
	(xrf1) =	vsort.ascd.msk.f32 $0xffff, v11, v11  }
0xd7: {  	v11 =	vmin.f32 v18, v15;
	v12 =	vmax.f32 v10, v8;
	v14, _, _ =	vpop (xrf1);
	(xrf1) =	vsort.ascd.msk.f32 $0xffff, v7, v7  }
0xd8: {  	v8 =	vmin.f32 v10, v8;
	v7 =	vmin.f32 v25, v26;
	v10, _, _ =	vpop (xrf1);
	(xrf1) =	vsort.dscd.msk.f32 $0xffff, v12, v12  }
0xd9: {  	v12 =	vmax.f32 v13, v41;
	v15 =	vmax.f32 v11, v7;
	v16, _, _ =	vpop (xrf1);
	(xrf1) =	vsort.dscd.msk.f32 $0xffff, v8, v8  }
0xda: {  	v7 =	vmin.f32 v11, v7;
	v8 =	vmax.f32 v19, v42;
	v11, _, _ =	vpop (xrf1);
	(xrf1) =	vsort.dscd.msk.f32 $0xffff, v15, v15  }
0xdb: {  	v13 =	vmin.f32 v13, v41;
	v15 =	vmax.f32 v12, v8;
	v18, _, _ =	vpop (xrf1);
	(xrf1) =	vsort.dscd.msk.f32 $0xffff, v7, v7  }
0xdc: {  	v8 =	vmin.f32 v12, v8;
	v7 =	vmin.f32 v19, v42;
	v12, _, _ =	vpop (xrf1);
	(xrf1) =	vsort.dscd.msk.f32 $0xffff, v15, v15  }
0xdd: {  	v15 =	vmax.f32 v24, v31;
	v19 =	vmax.f32 v13, v7;
	v20, _, _ =	vpop (xrf1);
	(xrf1) =	vsort.dscd.msk.f32 $0xffff, v8, v8  }
0xde: {  	v7 =	vmin.f32 v13, v7;
	v8 =	vmax.f32 v22, v17;
	v13, _, _ =	vpop (xrf1);
	(xrf1) =	vsort.dscd.msk.f32 $0xffff, v19, v19  }
0xdf: {  	v19 =	vmin.f32 v24, v31;
	v21 =	vmax.f32 v15, v8;
	v23, _, _ =	vpop (xrf1);
	(xrf1) =	vsort.dscd.msk.f32 $0xffff, v7, v7  }
0xe0: {  	v8 =	vmin.f32 v15, v8;
	v7 =	vmin.f32 v22, v17;
	v15, _, _ =	vpop (xrf1);
	(xrf1) =	vsort.dscd.msk.f32 $0xffff, v21, v21  }
0xe1: {  	v17 =	vmax.f32 v37, v44;
	v21 =	vmax.f32 v19, v7;
	v22, _, _ =	vpop (xrf1);
	(xrf1) =	vsort.dscd.msk.f32 $0xffff, v8, v8  }
0xe2: {  	v7 =	vmin.f32 v19, v7;
	v8 =	vmax.f32 v43, v45;
	v19, _, _ =	vpop (xrf1);
	(xrf1) =	vsort.dscd.msk.f32 $0xffff, v21, v21  }
0xe3: {  	v46 =	vmin.f32 v37, v44;
	v21 =	vld [tilespmem:s19+$0x50];
	v47 =	vmax.f32 v17, v8;
	v27, _, _ =	vpop (xrf1);
	(xrf1) =	vsort.dscd.msk.f32 $0xffff, v7, v7  }
0xe4: {  	v48 =	vmin.f32 v43, v45;
	v8 =	vmin.f32 v17, v8;
	v7 =	vld [tilespmem:s19+$0x60];
	v17, _, _ =	vpop (xrf1);
	(xrf1) =	vsort.dscd.msk.f32 $0xffff, v47, v47  }
0xe5: {  	v49 =	vld [tilespmem:s19+$0x70];
	v50 =	vmax.f32 v46, v48;
	v29, _, _ =	vpop (xrf1);
	(xrf1) =	vsort.dscd.msk.f32 $0xffff, v8, v8  }
0xe6: {  	v24 =	vmin.f32 v46, v48;
	v8 =	vld [tilespmem:s19+$0x400];
	v30, _, _ =	vpop (xrf1);
	(xrf1) =	vsort.dscd.msk.f32 $0xffff, v50, v50  }
0xe7: {  	v51 =	vld [tilespmem:s19+$0x410];
	v28, _, _ =	vpop (xrf1);
	(xrf1) =	vsort.dscd.msk.f32 $0xffff, v24, v24  }
0xe8: {  	v52 =	vld [tilespmem:s19+$0x420];
	v63 =	vmax.f32 v9, v30;
	v9 =	vmin.f32 v9, v30;
	(xrf1) =	vsort.dscd.msk.f32 $0xffff, v21, v21  }
0xe9: {  	v53 =	vld [tilespmem:s19+$0x430];
	v21, _, _ =	vpop (xrf1);
	v38 =	vmax.f32 v14, v28;
	v14 =	vmin.f32 v14, v28;
	(xrf1) =	vsort.ascd.msk.f32 $0xffff, v7, v7  }
0xea: {  	v54 =	vld [tilespmem:s19+$0x440];
	v7, _, _ =	vpop (xrf1);
	v39 =	vmax.f32 v10, v21;
	v10 =	vmin.f32 v10, v21;
	(xrf1) =	vsort.dscd.msk.f32 $0xffff, v49, v49  }
0xeb: {  	v55 =	vld [tilespmem:s19+$0x450];
	v25, _, _ =	vpop (xrf1);
	v40 =	vmax.f32 v16, v7;
	v16 =	vmin.f32 v16, v7;
	(xrf1) =	vsort.ascd.msk.f32 $0xffff, v8, v8  }
0xec: {  	v8, _, _ =	vpop (xrf1);
	v42 =	vmax.f32 v11, v25;
	v11 =	vmin.f32 v11, v25;
	(xrf1) =	vsort.dscd.msk.f32 $0xffff, v51, v51  }
0xed: {  	v57, _, _ =	vpop (xrf1);
	v43 =	vmax.f32 v18, v8;
	v30 =	vmin.f32 v18, v8;
	(xrf1) =	vsort.ascd.msk.f32 $0xffff, v52, v52  }
0xee: {  	v56 =	vld [tilespmem:s19+$0x460];
	v59, _, _ =	vpop (xrf1);
	v44 =	vmax.f32 v12, v57;
	v35 =	vmin.f32 v12, v57;
	(xrf1) =	vsort.dscd.msk.f32 $0xffff, v53, v53  }
0xef: {  	v60, _, _ =	vpop (xrf1);
	v24 =	vmax.f32 v20, v59;
	v36 =	vmin.f32 v20, v59;
	(xrf1) =	vsort.ascd.msk.f32 $0xffff, v54, v54  }
0xf0: {  	v61, _, _ =	vpop (xrf1);
	v46 =	vmax.f32 v13, v60;
	v31 =	vmin.f32 v13, v60;
	(xrf1) =	vsort.dscd.msk.f32 $0xffff, v55, v55  }
0xf1: {  	v47 =	vmax.f32 v23, v61;
	v32 =	vmin.f32 v23, v61;
	v18 =	vmax.f32 v63, v46  }
0xf2: {  	v62, _, _ =	vpop (xrf1);
	v7 =	vmin.f32 v9, v31;
	v28 =	vmin.f32 v63, v46;
	v31 =	vmax.f32 v9, v31  }
0xf3: {  	(xrf1) =	vsort.ascd.msk.f32 $0xffff, v56, v56;
	v58, _, _ =	vpop (xrf1);
	v49 =	vmax.f32 v15, v62;
	v15 =	vmin.f32 v15, v62  }
0xf4: {  	v8 =	vmin.f32 v14, v32;
	v32 =	vmax.f32 v14, v32;
	v50 =	vmax.f32 v22, v58  }
0xf5: {  	v41, _, _ =	vpop (xrf1);
	v33 =	vmin.f32 v22, v58;
	v13 =	vmin.f32 v10, v15;
	v25 =	vmin.f32 v39, v49  }
0xf6: {  	v45, _, _ =	vpop (xrf1);
	v51 =	vmax.f32 v19, v41;
	v37 =	vmin.f32 v19, v41;
	v19 =	vmax.f32 v39, v49  }
0xf7: {  	v49 =	vmax.f32 v10, v15;
	v53 =	vmax.f32 v27, v45;
	v41 =	vmin.f32 v27, v45  }
0xf8: {  	v48, _, _ =	vpop (xrf1);
	v12 =	vmin.f32 v11, v37;
	v27 =	vmin.f32 v38, v47;
	v37 =	vmax.f32 v11, v37  }
0xf9: {  	v54 =	vmax.f32 v17, v48;
	v45 =	vmin.f32 v17, v48;
	v17 =	vmax.f32 v38, v47  }
0xfa: {  	v52, _, _ =	vpop (xrf1);
	v48 =	vmin.f32 v16, v33;
	v20 =	vmin.f32 v7, v12;
	v58 =	vmax.f32 v7, v12  }
0xfb: {  	v33 =	vmax.f32 v16, v33;
	v26 =	vmax.f32 v29, v52;
	v29 =	vmin.f32 v29, v52  }
0xfc: {  	v52 =	vmin.f32 v30, v41;
	v55 =	vmin.f32 v35, v45;
	v30 =	vmax.f32 v30, v41  }
0xfd: {  	v35 =	vmax.f32 v35, v45;
	v56 =	vmin.f32 v36, v29;
	v21 =	vmin.f32 v8, v52  }
0xfe: {  	v22 =	vmin.f32 v13, v55;
	v29 =	vmax.f32 v36, v29;
	v36 =	vmin.f32 v31, v37  }
0xff: {  	v31 =	vmax.f32 v31, v37;
	v23 =	vmin.f32 v48, v56;
	v59 =	vmin.f32 v20, v22  }
0x100: {  	v62 =	vmax.f32 v20, v22;
	v20 =	vmax.f32 v40, v50;
	v60 =	vmin.f32 v21, v23  }
0x101: {  	v22 =	vmax.f32 v44, v54;
	v48 =	vmax.f32 v48, v56;
	v61 =	vmin.f32 v59, v60  }
0x102: {  	v56 =	vmin.f32 v49, v35;
	v34 =	vmax.f32 v59, v60;
	(xrf1) =	vsort.ascd.msk.f32 $0xffff, v61, v61  }
0x103: {  	v35 =	vmax.f32 v49, v35;
	v63 =	vmax.f32 v21, v23;
	(xrf1) =	vsort.ascd.msk.f32 $0xffff, v34, v34  }
0x104: {  	v23 =	vmax.f32 v42, v51;
	v21 =	vmax.f32 v43, v53;
	v57 =	vmin.f32 v62, v63  }
0x105: {  	v59 =	vmax.f32 v8, v52;
	v60 =	vmax.f32 v13, v55;
	(xrf1) =	vsort.ascd.msk.f32 $0xffff, v57, v57  }
0x106: {  	v12, _, _ =	vpop (xrf1);
	v8 =	vmax.f32 v62, v63;
	v61 =	vmin.f32 v58, v60;
	v62 =	vmin.f32 v59, v48  }
0x107: {  	v7, _, _ =	vpop (xrf1);
	v42 =	vmin.f32 v42, v51;
	v63 =	vmin.f32 v61, v62;
	(xrf1) =	vsort.ascd.msk.f32 $0xffff, v8, v8  }
0x108: {  	v43 =	vmin.f32 v43, v53;
	v13, _, _ =	vpop (xrf1);
	v55 =	vmin.f32 v32, v30;
	(xrf1) =	vsort.ascd.msk.f32 $0xffff, v63, v63  }
0x109: {  	v30 =	vmax.f32 v32, v30;
	v51 =	vmin.f32 v28, v42;
	v28 =	vmax.f32 v28, v42;
	v8, _, _ =	vpop (xrf1)  }
0x10a: {  	v52 =	vmax.f32 v58, v60;
	v53 =	vmax.f32 v59, v48;
	v10 =	vmax.f32 v61, v62;
	v14, _, _ =	vpop (xrf1)  }
0x10b: {  	v58 =	vmin.f32 v36, v56;
	v36 =	vmax.f32 v36, v56;
	v34 =	vmin.f32 v40, v50;
	v9, _, _ =	vpop (xrf1)  }
0x10c: {  	v40 =	vld [tilespmem:$0x4000];
	v11 =	vmin.f32 v52, v53;
	v38 =	vmax.f32 v52, v53;
	v57 =	vmin.f32 v33, v29;
	v15, _, _ =	vpop (xrf1)  }
0x10d: {  	v41 =	vld [tilespmem:$0x4010];
	v29 =	vmax.f32 v33, v29;
	v60 =	vmin.f32 v55, v57;
	(xrf1) =	vsort.ascd.msk.f32 $0xffff, v10, v10;
	v10, _, _ =	vpop (xrf1)  }
0x10e: {  	v53 =	vmax.f32 v55, v57;
	v62 =	vmin.f32 v58, v60;
	v39 =	vmax.f32 v58, v60;
	v16, _, _ =	vpop (xrf1)  }
0x10f: {  	v59 =	vld [tilespmem:$0x4020];
	v58 =	vmin.f32 v36, v53;
	v36 =	vmax.f32 v36, v53;
	(xrf1) =	vsort.ascd.msk.f32 $0xffff, v11, v11;
	v11, _, _ =	vpop (xrf1)  }
0x110: {  	v60 =	vmin.f32 v31, v35;
	v31 =	vmax.f32 v31, v35;
	(xrf1) =	vsort.ascd.msk.f32 $0xffff, v38, v38;
	v61, _, _ =	vpop (xrf1)  }
0x111: {  	v63 =	vld [tilespmem:$0x4030];
	v38 =	vmin.f32 v44, v54;
	v52, _, _ =	vpop (xrf1);
	(xrf1) =	vsort.ascd.msk.f32 $0xffff, v62, v62;
	v40 =	vmul.f32 v61, v40  }
0x112: {  	v54 =	vld [tilespmem:$0x4040];
	v62 =	vmin.f32 v30, v29;
	v29 =	vmax.f32 v30, v29;
	v37 =	vmul.f32 v52, v41  }
0x113: {  	v55, _, _ =	vpop (xrf1);
	(xrf1) =	vsort.ascd.msk.f32 $0xffff, v39, v39;
	v48 =	vmin.f32 v60, v62;
	v49 =	vmax.f32 v60, v62  }
0x114: {  	v52 =	vmin.f32 v27, v43;
	v27 =	vmax.f32 v27, v43;
	v56 =	vmul.f32 v55, v59  }
0x115: {  	v57, _, _ =	vpop (xrf1);
	(xrf1) =	vsort.ascd.msk.f32 $0xffff, v58, v58;
	v55 =	vmin.f32 v31, v29;
	v58 =	vmax.f32 v31, v29  }
0x116: {  	v37 =	vadd.f32 v37, v40;
	v40 =	vmax.f32 v24, v26;
	v32 =	vmul.f32 v57, v63;
	v61, _, _ =	vpop (xrf1)  }
0x117: {  	v24 =	vmin.f32 v24, v26;
	(xrf1) =	vsort.ascd.msk.f32 $0xffff, v36, v36;
	v41 =	vmul.f32 v61, v54  }
0x118: {  	v59 =	vld [tilespmem:$0x4050];
	(xrf1) =	vsort.ascd.msk.f32 $0xffff, v48, v48;
	v57 =	vmin.f32 v34, v24;
	v24 =	vmax.f32 v34, v24  }
0x119: {  	v37 =	vadd.f32 v37, v56;
	(xrf1) =	vsort.ascd.msk.f32 $0xffff, v49, v49;
	v56 =	vmin.f32 v25, v38  }
0x11a: {  	v60 =	vmin.f32 v52, v57;
	v44 =	vmax.f32 v52, v57;
	v25 =	vmax.f32 v25, v38  }
0x11b: {  	v63 =	vld [tilespmem:$0x4060];
	v48 =	vmin.f32 v27, v24;
	v24 =	vmax.f32 v27, v24;
	v57 =	vmin.f32 v19, v22  }
0x11c: {  	v50, _, _ =	vpop (xrf1);
	v19 =	vmax.f32 v19, v22;
	(xrf1) =	vsort.ascd.msk.f32 $0xffff, v55, v55;
	v47 =	vmin.f32 v28, v25  }
0x11d: {  	v25 =	vmax.f32 v28, v25;
	v32 =	vadd.f32 v37, v32;
	v33 =	vmul.f32 v50, v59  }
0x11e: {  	v54, _, _ =	vpop (xrf1);
	v59 =	vmin.f32 v51, v56;
	(xrf1) =	vsort.ascd.msk.f32 $0xffff, v58, v58;
	v50 =	vmin.f32 v47, v48  }
0x11f: {  	v29 =	vmax.f32 v47, v48;
	v55 =	vmin.f32 v25, v24;
	v58 =	vmin.f32 v20, v40  }
0x120: {  	v24 =	vmax.f32 v25, v24;
	v20 =	vmax.f32 v20, v40;
	v30 =	vmul.f32 v54, v63  }
0x121: {  	v62 =	vmin.f32 v59, v60;
	v63 =	vmax.f32 v59, v60;
	v54 =	vmin.f32 v17, v21  }
0x122: {  	v42 =	vld [tilespmem:$0x4080];
	v17 =	vmax.f32 v17, v21;
	v32 =	vadd.f32 v32, v41;
	(xrf1) =	vsort.ascd.msk.f32 $0xffff, v62, v62  }
0x123: {  	v53 =	vld [tilespmem:$0x4070];
	v41 =	vmax.f32 v51, v56;
	v51 =	vmin.f32 v18, v23;
	v18 =	vmax.f32 v18, v23  }
0x124: {  	v34 =	vld [tilespmem:$0x4100];
	v28 =	vmax.f32 v54, v58;
	(xrf1) =	vsort.ascd.msk.f32 $0xffff, v63, v63;
	v45 =	vmin.f32 v41, v44  }
0x125: {  	v52 =	vld [tilespmem:$0x4090];
	v61, _, _ =	vpop (xrf1);
	v46 =	vmax.f32 v41, v44;
	v60 =	vmin.f32 v51, v57;
	(xrf1) =	vsort.ascd.msk.f32 $0xffff, v45, v45  }
0x126: {  	v22 =	vld [tilespmem:$0x4120];
	v43 =	vmax.f32 v51, v57;
	v32 =	vadd.f32 v32, v33;
	(xrf1) =	vsort.ascd.msk.f32 $0xffff, v46, v46  }
0x127: {  	v38 =	vld [tilespmem:$0x4130];
	v21 =	vmin.f32 v43, v28;
	v25 =	vmax.f32 v43, v28;
	(xrf1) =	vsort.ascd.msk.f32 $0xffff, v50, v50  }
0x128: {  	v37 =	vld [tilespmem:$0x40E0];
	v30 =	vadd.f32 v32, v30;
	v32 =	vmul.f32 v61, v53;
	(xrf1) =	vsort.ascd.msk.f32 $0xffff, v29, v29  }
0x129: {  	v59 =	vld [tilespmem:$0x40C0];
	v45 =	vmin.f32 v18, v19;
	v61 =	vmin.f32 v54, v58;
	v49, _, _ =	vpop (xrf1);
	(xrf1) =	vsort.ascd.msk.f32 $0xffff, v55, v55  }
0x12a: {  	v53 =	vld [tilespmem:$0x40A0];
	v41 =	vmin.f32 v60, v61;
	v30 =	vadd.f32 v30, v32;
	(xrf1) =	vsort.ascd.msk.f32 $0xffff, v24, v24  }
0x12b: {  	v56 =	vld [tilespmem:$0x40B0];
	v31 =	vmul.f32 v49, v42;
	v62, _, _ =	vpop (xrf1);
	v42 =	vmax.f32 v60, v61;
	(xrf1) =	vsort.ascd.msk.f32 $0xffff, v41, v41  }
0x12c: {  	v23 =	vld [tilespmem:$0x40F0];
	v18 =	vmax.f32 v18, v19;
	v46 =	vmin.f32 v17, v20;
	v44, _, _ =	vpop (xrf1);
	(xrf1) =	vsort.ascd.msk.f32 $0xffff, v42, v42  }
0x12d: {  	v63 =	vld [tilespmem:$0x40D0];
	v26 =	vmul.f32 v62, v52;
	v30 =	vadd.f32 v30, v31;
	(xrf1) =	vsort.ascd.msk.f32 $0xffff, v21, v21;
	v21, _, _ =	vpop (xrf1)  }
0x12e: {  	v57 =	vld [tilespmem:s19+$0x830];
	v17 =	vmax.f32 v17, v20;
	v48 =	vmin.f32 v45, v46;
	v28 =	vmax.f32 v45, v46;
	v47, _, _ =	vpop (xrf1)  }
0x12f: {  	v50 =	vld [tilespmem:s19+$0x470];
	v20 =	vmul.f32 v44, v53;
	v26 =	vadd.f32 v30, v26;
	(xrf1) =	vsort.ascd.msk.f32 $0xffff, v25, v25;
	v49, _, _ =	vpop (xrf1)  }
0x130: {  	v19 =	vld [tilespmem:s19+$0x800];
	v53 =	vmin.f32 v18, v17;
	v17 =	vmax.f32 v18, v17;
	(xrf1) =	vsort.ascd.msk.f32 $0xffff, v48, v48;
	v51, _, _ =	vpop (xrf1)  }
0x131: {  	v54 =	vld [tilespmem:s19+$0x810];
	v21 =	vmul.f32 v21, v56;
	v20 =	vadd.f32 v26, v20;
	(xrf1) =	vsort.ascd.msk.f32 $0xffff, v28, v28;
	v52, _, _ =	vpop (xrf1)  }
0x132: {  	v18 =	vld [tilespmem:s19+$0x820];
	(xrf1) =	vsort.ascd.msk.f32 $0xffff, v53, v53;
	v55, _, _ =	vpop (xrf1)  }
0x133: {  	v58 =	vld [tilespmem:s19+$0x840];
	v20 =	vadd.f32 v20, v21;
	v21 =	vmul.f32 v47, v59;
	(xrf1) =	vsort.ascd.msk.f32 $0xffff, v17, v17;
	v56, _, _ =	vpop (xrf1)  }
0x134: {  	v60 =	vld [tilespmem:s19+$0x850];
	(xrf1) =	vsort.dscd.msk.f32 $0xffff, v50, v50;
	v17, _, _ =	vpop (xrf1)  }
0x135: {  	v24 =	vld [tilespmem:$0x4110];
	v20 =	vadd.f32 v20, v21;
	v21 =	vmul.f32 v49, v63;
	(xrf1) =	vsort.ascd.msk.f32 $0xffff, v19, v19;
	v59, _, _ =	vpop (xrf1)  }
0x136: {  	v19 =	vld [tilespmem:s19+$0x860];
	(xrf1) =	vsort.dscd.msk.f32 $0xffff, v54, v54;
	v61, _, _ =	vpop (xrf1)  }
0x137: {  	v63 =	vld [tilespmem:s19+$0x870];
	v20 =	vadd.f32 v20, v21;
	v21 =	vmul.f32 v51, v37;
	(xrf1) =	vsort.ascd.msk.f32 $0xffff, v18, v18;
	v62, _, _ =	vpop (xrf1)  }
0x138: {  	v18 =	vld [tilespmem:s19+$0xC00];
	(xrf1) =	vsort.dscd.msk.f32 $0xffff, v57, v57;
	v32, _, _ =	vpop (xrf1)  }
0x139: {  	v41 =	vld [tilespmem:s19+$0xC10];
	v20 =	vadd.f32 v20, v21;
	v21 =	vmul.f32 v52, v23;
	v40, _, _ =	vpop (xrf1);
	(xrf1) =	vsort.ascd.msk.f32 $0xffff, v58, v58  }
0x13a: {  	v43 =	vld [tilespmem:s19+$0xC20];
	v42, _, _ =	vpop (xrf1);
	(xrf1) =	vsort.dscd.msk.f32 $0xffff, v60, v60  }
0x13b: {  	v44 =	vld [tilespmem:s19+$0xC30];
	v23, _, _ =	vpop (xrf1);
	(xrf1) =	vsort.ascd.msk.f32 $0xffff, v19, v19;
	v19 =	vadd.f32 v20, v21  }
0x13c: {  	v46 =	vld [tilespmem:s19+$0xC40];
	v20 =	vmul.f32 v55, v34;
	v45, _, _ =	vpop (xrf1);
	(xrf1) =	vsort.dscd.msk.f32 $0xffff, v63, v63  }
0x13d: {  	v47 =	vld [tilespmem:s19+$0xC50];
	v21, _, _ =	vpop (xrf1);
	(xrf1) =	vsort.ascd.msk.f32 $0xffff, v18, v18  }
0x13e: {  	v49 =	vld [tilespmem:s19+$0xC60];
	v24 =	vmul.f32 v56, v24;
	v20 =	vadd.f32 v19, v20;
	v48, _, _ =	vpop (xrf1);
	(xrf1) =	vsort.dscd.msk.f32 $0xffff, v41, v41  }
0x13f: {  	v50 =	vld [tilespmem:s19+$0xC70];
	v22 =	vmul.f32 v17, v22;
	v19, _, _ =	vpop (xrf1);
	(xrf1) =	vsort.ascd.msk.f32 $0xffff, v43, v43  }
0x140: {  	v20 =	vadd.f32 v20, v24;
	(xrf1) =	vsort.dscd.msk.f32 $0xffff, v44, v44;
	v18, _, _ =	vpop (xrf1)  }
0x141: {  	(xrf1) =	vsort.ascd.msk.f32 $0xffff, v46, v46;
	v17, _, _ =	vpop (xrf1)  }
0x142: {  	v51 =	vld [tilespmem:$0x4140];
	v20 =	vadd.f32 v20, v22;
	v52, _, _ =	vpop (xrf1);
	(xrf1) =	vsort.dscd.msk.f32 $0xffff, v47, v47  }
0x143: {  	v22, _, _ =	vpop (xrf1);
	(xrf1) =	vsort.ascd.msk.f32 $0xffff, v49, v49  }
0x144: {  	v56 =	vld [tilespmem:$0x4150];
	v53 =	vmul.f32 v59, v38;
	v55 =	vmin.f32 v2, v5;
	v54, _, _ =	vpop (xrf1);
	(xrf1) =	vsort.dscd.msk.f32 $0xffff, v50, v50  }
0x145: {  	v58 =	vmax.f32 v3, v6;
	v2 =	vmax.f32 v2, v5;
	v57, _, _ =	vpop (xrf1);
	(xrf1) =	vsort.ascd.msk.f32 $0xffff, v55, v55  }
0x146: {  	v3 =	vmin.f32 v3, v6;
	v5 =	vadd.f32 v20, v53;
	v20, _, _ =	vpop (xrf1);
	(xrf1) =	vsort.ascd.msk.f32 $0xffff, v2, v2  }
0x147: {  	v6 =	vld [tilespmem:$0x4160];
	v2 =	vmul.f32 v61, v51;
	v59, _, _ =	vpop (xrf1);
	(xrf1) =	vsort.dscd.msk.f32 $0xffff, v58, v58  }
0x148: {  	v61 =	vmin.f32 v4, v12;
	v4 =	vmax.f32 v4, v12;
	v60, _, _ =	vpop (xrf1);
	(xrf1) =	vsort.dscd.msk.f32 $0xffff, v3, v3  }
0x149: {  	v2 =	vadd.f32 v5, v2;
	v5 =	vmul.f32 v62, v56;
	v3, _, _ =	vpop (xrf1);
	(xrf1) =	vsort.ascd.msk.f32 $0xffff, v61, v61  }
0x14a: {  	(xrf1) =	vsort.ascd.msk.f32 $0xffff, v4, v4;
	v4 =	vld [tilespmem:$0x4170]  }
0x14b: {  	v62 =	vmax.f32 v7, v13;
	v7 =	vmin.f32 v7, v13;
	v12, _, _ =	vpop (xrf1)  }
0x14c: {  	v6 =	vmul.f32 v32, v6;
	v63, _, _ =	vpop (xrf1);
	(xrf1) =	vsort.dscd.msk.f32 $0xffff, v62, v62  }
0x14d: {  	v13 =	vmin.f32 v8, v14;
	v2 =	vadd.f32 v2, v5;
	v5, _, _ =	vpop (xrf1);
	(xrf1) =	vsort.dscd.msk.f32 $0xffff, v7, v7  }
0x14e: {  	v8 =	vmax.f32 v8, v14;
	v7, _, _ =	vpop (xrf1);
	(xrf1) =	vsort.ascd.msk.f32 $0xffff, v13, v13;
	v13 =	vld [tilespmem:$0x4180]  }
0x14f: {  	v36 =	vmax.f32 v9, v15;
	v14, _, _ =	vpop (xrf1);
	(xrf1) =	vsort.ascd.msk.f32 $0xffff, v8, v8;
	v4 =	vmul.f32 v40, v4  }
0x150: {  	v2 =	vadd.f32 v2, v6;
	v8 =	vmin.f32 v9, v15;
	v6, _, _ =	vpop (xrf1);
	(xrf1) =	vsort.dscd.msk.f32 $0xffff, v36, v36  }
0x151: {  	v15 =	vmin.f32 v10, v16;
	v10 =	vmax.f32 v10, v16;
	v9, _, _ =	vpop (xrf1);
	(xrf1) =	vsort.dscd.msk.f32 $0xffff, v8, v8;
	v8 =	vld [tilespmem:$0x4190]  }
0x152: {  	v38, _, _ =	vpop (xrf1);
	(xrf1) =	vsort.ascd.msk.f32 $0xffff, v15, v15;
	v2 =	vadd.f32 v2, v4;
	v15 =	vmax.f32 v11, v52  }
0x153: {  	v11 =	vmin.f32 v11, v52;
	v4, _, _ =	vpop (xrf1);
	(xrf1) =	vsort.ascd.msk.f32 $0xffff, v10, v10;
	v10 =	vmul.f32 v42, v13  }
0x154: {  	v16 =	vmin.f32 v22, v54;
	v13, _, _ =	vpop (xrf1);
	(xrf1) =	vsort.dscd.msk.f32 $0xffff, v15, v15;
	v15 =	vld [tilespmem:$0x41A0]  }
0x155: {  	v39, _, _ =	vpop (xrf1);
	(xrf1) =	vsort.dscd.msk.f32 $0xffff, v11, v11;
	v2 =	vadd.f32 v2, v10;
	v10 =	vmax.f32 v22, v54  }
0x156: {  	v8 =	vmul.f32 v23, v8;
	v11, _, _ =	vpop (xrf1);
	(xrf1) =	vsort.ascd.msk.f32 $0xffff, v16, v16;
	v16 =	vmax.f32 v57, v20  }
0x157: {  	v22, _, _ =	vpop (xrf1);
	(xrf1) =	vsort.ascd.msk.f32 $0xffff, v10, v10;
	v10 =	vld [tilespmem:$0x41B0]  }
0x158: {  	v20 =	vmin.f32 v57, v20;
	v2 =	vadd.f32 v2, v8;
	v23, _, _ =	vpop (xrf1);
	(xrf1) =	vsort.dscd.msk.f32 $0xffff, v16, v16  }
0x159: {  	v8 =	vmin.f32 v59, v60;
	v16, _, _ =	vpop (xrf1);
	(xrf1) =	vsort.dscd.msk.f32 $0xffff, v20, v20;
	v15 =	vmul.f32 v15, v45  }
0x15a: {  	v41 =	vmax.f32 v3, v12;
	v20 =	vmax.f32 v59, v60;
	v40, _, _ =	vpop (xrf1);
	(xrf1) =	vsort.ascd.msk.f32 $0xffff, v8, v8;
	v8 =	vld [tilespmem:$0x41C0]  }
0x15b: {  	v3 =	vmin.f32 v3, v12;
	v42, _, _ =	vpop (xrf1);
	(xrf1) =	vsort.ascd.msk.f32 $0xffff, v20, v20;
	v2 =	vadd.f32 v2, v15  }
0x15c: {  	v15 =	vmin.f32 v63, v5;
	v12, _, _ =	vpop (xrf1);
	(xrf1) =	vsort.dscd.msk.f32 $0xffff, v41, v41;
	v10 =	vmul.f32 v10, v21  }
0x15d: {  	v20, _, _ =	vpop (xrf1);
	(xrf1) =	vsort.dscd.msk.f32 $0xffff, v3, v3  }
0x15e: {  	v3 =	vmax.f32 v63, v5;
	v5, _, _ =	vpop (xrf1);
	(xrf1) =	vsort.ascd.msk.f32 $0xffff, v15, v15;
	v2 =	vadd.f32 v2, v10  }
0x15f: {  	v10 =	vmax.f32 v7, v14;
	v15, _, _ =	vpop (xrf1);
	(xrf1) =	vsort.ascd.msk.f32 $0xffff, v3, v3;
	v3 =	vmul.f32 v8, v48  }
0x160: {  	v7 =	vmin.f32 v7, v14;
	v8, _, _ =	vpop (xrf1);
	(xrf1) =	vsort.dscd.msk.f32 $0xffff, v10, v10  }
0x161: {  	v10 =	vmin.f32 v6, v9;
	v14, _, _ =	vpop (xrf1);
	(xrf1) =	vsort.dscd.msk.f32 $0xffff, v7, v7;
	v2 =	vadd.f32 v2, v3  }
0x162: {  	v3 =	vmax.f32 v6, v9;
	v7 =	vmin.f32 v38, v4;
	v6, _, _ =	vpop (xrf1);
	(xrf1) =	vsort.ascd.msk.f32 $0xffff, v10, v10  }
0x163: {  	v4 =	vmax.f32 v38, v4;
	v10 =	vmin.f32 v39, v22;
	v9, _, _ =	vpop (xrf1);
	(xrf1) =	vsort.ascd.msk.f32 $0xffff, v3, v3  }
0x164: {  	v3 =	vmin.f32 v13, v11;
	v21, _, _ =	vpop (xrf1);
	(xrf1) =	vsort.dscd.msk.f32 $0xffff, v4, v4;
	v4 =	vmax.f32 v13, v11  }
0x165: {  	v11 =	vmin.f32 v3, v10;
	v13, _, _ =	vpop (xrf1);
	(xrf1) =	vsort.dscd.msk.f32 $0xffff, v7, v7;
	v7 =	vmax.f32 v39, v22  }
0x166: {  	v3 =	vmax.f32 v3, v10;
	v10, _, _ =	vpop (xrf1);
	(xrf1) =	vsort.ascd.msk.f32 $0xffff, v11, v11;
	v11 =	vmax.f32 v23, v40  }
0x167: {  	v22 =	vmin.f32 v4, v7;
	v4 =	vmax.f32 v4, v7;
	v43, _, _ =	vpop (xrf1);
	(xrf1) =	vsort.ascd.msk.f32 $0xffff, v3, v3  }
0x168: {  	v3 =	vmax.f32 v16, v42;
	v7, _, _ =	vpop (xrf1);
	(xrf1) =	vsort.ascd.msk.f32 $0xffff, v22, v22;
	v22 =	vmin.f32 v23, v40  }
0x169: {  	v23 =	vmax.f32 v11, v3;
	v44, _, _ =	vpop (xrf1);
	(xrf1) =	vsort.ascd.msk.f32 $0xffff, v4, v4;
	v4 =	vmin.f32 v16, v42  }
0x16a: {  	v3 =	vmin.f32 v11, v3;
	v11, _, _ =	vpop (xrf1);
	(xrf1) =	vsort.dscd.msk.f32 $0xffff, v23, v23;
	v23 =	vmax.f32 v22, v4  }
0x16b: {  	v16 =	vmin.f32 v12, v5;
	v5 =	vmax.f32 v12, v5;
	v45, _, _ =	vpop (xrf1);
	(xrf1) =	vsort.dscd.msk.f32 $0xffff, v3, v3  }
0x16c: {  	v4 =	vmin.f32 v22, v4;
	v3 =	vmin.f32 v20, v15;
	v22, _, _ =	vpop (xrf1);
	(xrf1) =	vsort.dscd.msk.f32 $0xffff, v23, v23  }
0x16d: {  	v12 =	vmin.f32 v16, v3;
	v23, _, _ =	vpop (xrf1);
	(xrf1) =	vsort.dscd.msk.f32 $0xffff, v4, v4;
	v4 =	vmax.f32 v20, v15  }
0x16e: {  	v3 =	vmax.f32 v16, v3;
	v15, _, _ =	vpop (xrf1);
	(xrf1) =	vsort.ascd.msk.f32 $0xffff, v12, v12;
	v16 =	vmin.f32 v5, v4  }
0x16f: {  	v12 =	vmax.f32 v8, v6;
	v4 =	vmax.f32 v5, v4;
	v20, _, _ =	vpop (xrf1);
	(xrf1) =	vsort.ascd.msk.f32 $0xffff, v3, v3  }
0x170: {  	v6 =	vmin.f32 v8, v6;
	v3 =	vmax.f32 v14, v9;
	v5, _, _ =	vpop (xrf1);
	(xrf1) =	vsort.ascd.msk.f32 $0xffff, v16, v16  }
0x171: {  	v8 =	vmax.f32 v12, v3;
	v3 =	vmin.f32 v12, v3;
	v16, _, _ =	vpop (xrf1);
	(xrf1) =	vsort.ascd.msk.f32 $0xffff, v4, v4  }
0x172: {  	v4 =	vmin.f32 v14, v9;
	v9, _, _ =	vpop (xrf1);
	(xrf1) =	vsort.dscd.msk.f32 $0xffff, v8, v8;
	v8 =	vmin.f32 v21, v10  }
0x173: {  	v12 =	vmax.f32 v6, v4;
	v4 =	vmin.f32 v6, v4;
	v14, _, _ =	vpop (xrf1);
	(xrf1) =	vsort.dscd.msk.f32 $0xffff, v3, v3  }
0x174: {  	v10 =	vmax.f32 v21, v10;
	v3 =	vmin.f32 v13, v43;
	v6, _, _ =	vpop (xrf1);
	(xrf1) =	vsort.dscd.msk.f32 $0xffff, v12, v12  }
0x175: {  	v12 =	vmin.f32 v8, v3;
	v21, _, _ =	vpop (xrf1);
	(xrf1) =	vsort.dscd.msk.f32 $0xffff, v4, v4;
	v4 =	vmax.f32 v13, v43  }
0x176: {  	v3 =	vmax.f32 v8, v3;
	v8, _, _ =	vpop (xrf1);
	(xrf1) =	vsort.ascd.msk.f32 $0xffff, v12, v12;
	v13 =	vmin.f32 v10, v4  }
0x177: {  	v12 =	vmax.f32 v7, v11;
	v46, _, _ =	vpop (xrf1);
	(xrf1) =	vsort.ascd.msk.f32 $0xffff, v3, v3  }
0x178: {  	v4 =	vmax.f32 v10, v4;
	v3 =	vmax.f32 v44, v45;
	v10, _, _ =	vpop (xrf1);
	(xrf1) =	vsort.ascd.msk.f32 $0xffff, v13, v13  }
0x179: {  	v7 =	vmin.f32 v7, v11;
	v11 =	vmax.f32 v12, v3;
	v13, _, _ =	vpop (xrf1);
	(xrf1) =	vsort.ascd.msk.f32 $0xffff, v4, v4  }
0x17a: {  	v3 =	vmin.f32 v12, v3;
	v4 =	vmin.f32 v44, v45;
	v12, _, _ =	vpop (xrf1);
	(xrf1) =	vsort.dscd.msk.f32 $0xffff, v11, v11  }
0x17b: {  	v11 =	vmin.f32 v22, v15;
	v24 =	vmax.f32 v7, v4;
	v47, _, _ =	vpop (xrf1);
	(xrf1) =	vsort.dscd.msk.f32 $0xffff, v3, v3  }
0x17c: {  	v4 =	vmin.f32 v7, v4;
	v3 =	vmin.f32 v23, v20;
	v7, _, _ =	vpop (xrf1);
	(xrf1) =	vsort.dscd.msk.f32 $0xffff, v24, v24  }
0x17d: {  	v15 =	vmax.f32 v22, v15;
	v22 =	vmin.f32 v11, v3;
	v48, _, _ =	vpop (xrf1);
	(xrf1) =	vsort.dscd.msk.f32 $0xffff, v4, v4;
	v4 =	vld [tilespmem:$0x41D0]  }
0x17e: {  	v20 =	vmax.f32 v23, v20;
	v3 =	vmax.f32 v11, v3;
	v11, _, _ =	vpop (xrf1);
	(xrf1) =	vsort.ascd.msk.f32 $0xffff, v22, v22  }
0x17f: {  	v50 =	vmax.f32 v16, v14;
	v23 =	vmin.f32 v15, v20;
	v49, _, _ =	vpop (xrf1);
	(xrf1) =	vsort.ascd.msk.f32 $0xffff, v3, v3;
	v3 =	vld [tilespmem:$0x41E0]  }
0x180: {  	v14 =	vmin.f32 v16, v14;
	v15 =	vmax.f32 v15, v20;
	v22 =	vmax.f32 v5, v9  }
0x181: {  	v5 =	vmin.f32 v5, v9;
	v9 =	vmax.f32 v22, v50;
	v20, _, _ =	vpop (xrf1);
	(xrf1) =	vsort.ascd.msk.f32 $0xffff, v23, v23  }
0x182: {  	v16 =	vmin.f32 v22, v50;
	v23, _, _ =	vpop (xrf1);
	(xrf1) =	vsort.ascd.msk.f32 $0xffff, v15, v15;
	v15 =	vld [tilespmem:$0x41F0];
	v4 =	vmul.f32 v4, v19  }
0x183: {  	v22, _, _ =	vpop (xrf1);
	(xrf1) =	vsort.dscd.msk.f32 $0xffff, v9, v9;
	v9 =	vmax.f32 v5, v14;
	v5 =	vmin.f32 v5, v14  }
0x184: {  	v19, _, _ =	vpop (xrf1);
	(xrf1) =	vsort.dscd.msk.f32 $0xffff, v16, v16;
	v2 =	vadd.f32 v2, v4;
	v3 =	vmul.f32 v3, v18  }
0x185: {  	v14, _, _ =	vpop (xrf1);
	(xrf1) =	vsort.dscd.msk.f32 $0xffff, v9, v9  }
0x186: {  	v4, _, _ =	vpop (xrf1);
	(xrf1) =	vsort.dscd.msk.f32 $0xffff, v5, v5;
	v2 =	vadd.f32 v2, v3  }
0x187: {  	v3 =	vmul.f32 v15, v17;
	v5, _, _ =	vpop (xrf1)  }
0x188: {  	v9, _, _ =	vpop (xrf1)  }
0x189: {  	v25 =	vmax.f32 v46, v47;
	v15, _, _ =	vpop (xrf1)  }
0x18a: {  	v51 =	vmin.f32 v7, v20;
	v20 =	vmax.f32 v7, v20;
	v16 =	vadd.f32 v2, v3;
	v2, _, _ =	vpop (xrf1)  }
0x18b: {  	v53 =	vmin.f32 v48, v23;
	v23 =	vmax.f32 v48, v23;
	v54 =	vmin.f32 v11, v22;
	v3, _, _ =	vpop (xrf1)  }
0x18c: {  	v11 =	vmax.f32 v11, v22;
	v17 =	vmin.f32 v6, v10;
	v10 =	vmax.f32 v6, v10;
	v6, _, _ =	vpop (xrf1)  }
0x18d: {  	v18 =	vmin.f32 v21, v13;
	v13 =	vmax.f32 v21, v13;
	v21 =	vmin.f32 v8, v12;
	v52, _, _ =	vpop (xrf1)  }
0x18e: {  	v8 =	vmax.f32 v8, v12;
	v12 =	vmin.f32 v46, v47;
	v22 =	vmin.f32 v49, v19;
	v7, _, _ =	vpop (xrf1)  }
0x18f: {  	v19 =	vmax.f32 v49, v19;
	v63 =	vmin.f32 v18, v12;
	v12 =	vmax.f32 v18, v12;
	v55, _, _ =	vpop (xrf1)  }
0x190: {  	v56 =	vmin.f32 v14, v15;
	v14 =	vmax.f32 v14, v15;
	v57 =	vmin.f32 v4, v2;
	v15, _, _ =	vpop (xrf1)  }
0x191: {  	v58 =	vmax.f32 v4, v2;
	v59 =	vmin.f32 v5, v3;
	v60 =	vmax.f32 v5, v3;
	v2, _, _ =	vpop (xrf1)  }
0x192: {  	v61 =	vmin.f32 v9, v6;
	v62 =	vmax.f32 v9, v6;
	v4, _, _ =	vpop (xrf1);
	v3 =	vmin.f32 v52, v2  }
0x193: {  	v28 =	vmax.f32 v52, v2;
	v2 =	vmin.f32 v7, v4;
	v9, _, _ =	vpop (xrf1);
	v6 =	vmax.f32 v7, v4  }
0x194: {  	v5 =	vmin.f32 v55, v9;
	v30 =	vmax.f32 v55, v9;
	v7, _, _ =	vpop (xrf1);
	v9 =	vmin.f32 v17, v21  }
0x195: {  	(xrf2) =	vadd.scan.msk.f32 $0xffff, v16;
	v4 =	vmin.f32 v15, v7;
	v7 =	vmax.f32 v15, v7;
	v16 =	vmin.f32 v9, v63  }
0x196: {  	v15 =	vmax.f32 v17, v21;
	v9 =	vmax.f32 v9, v63;
	(xrf1) =	vsort.ascd.msk.f32 $0xffff, v16, v16  }
0x197: {  	(xrf1) =	vsort.ascd.msk.f32 $0xffff, v9, v9;
	v9 =	vmin.f32 v15, v12;
	v12 =	vmax.f32 v15, v12  }
0x198: {  	v15 =	vmin.f32 v10, v8;
	(xrf1) =	vsort.ascd.msk.f32 $0xffff, v9, v9;
	v9 =	vmin.f32 v13, v25  }
0x199: {  	v8 =	vmax.f32 v10, v8;
	(xrf1) =	vsort.ascd.msk.f32 $0xffff, v12, v12;
	v10 =	vmin.f32 v15, v9  }
0x19a: {  	v12 =	vmax.f32 v13, v25;
	v9 =	vmax.f32 v15, v9;
	(xrf1) =	vsort.ascd.msk.f32 $0xffff, v10, v10  }
0x19b: {  	v10 =	vmax.f32 v20, v11;
	(xrf1) =	vsort.ascd.msk.f32 $0xffff, v9, v9;
	v9 =	vmin.f32 v8, v12  }
0x19c: {  	v8 =	vmax.f32 v8, v12;
	(xrf1) =	vsort.ascd.msk.f32 $0xffff, v9, v9;
	v9 =	vmax.f32 v23, v19  }
0x19d: {  	v11 =	vmin.f32 v20, v11;
	(xrf1) =	vsort.ascd.msk.f32 $0xffff, v8, v8;
	v8 =	vmax.f32 v10, v9  }
0x19e: {  	v12 =	vmin.f32 v23, v19;
	v9 =	vmin.f32 v10, v9;
	(xrf1) =	vsort.dscd.msk.f32 $0xffff, v8, v8  }
0x19f: {  	v10 =	vmax.f32 v51, v54;
	v8 =	vmax.f32 v11, v12;
	(xrf1) =	vsort.dscd.msk.f32 $0xffff, v9, v9  }
0x1a0: {  	v9 =	vmin.f32 v11, v12;
	(xrf1) =	vsort.dscd.msk.f32 $0xffff, v8, v8;
	v8 =	vmax.f32 v53, v22  }
0x1a1: {  	v11 =	vmin.f32 v51, v54;
	(xrf1) =	vsort.dscd.msk.f32 $0xffff, v9, v9;
	v9 =	vmax.f32 v10, v8  }
0x1a2: {  	v12 =	vmin.f32 v53, v22;
	v8 =	vmin.f32 v10, v8;
	(xrf1) =	vsort.dscd.msk.f32 $0xffff, v9, v9  }
0x1a3: {  	(xrf1) =	vsort.dscd.msk.f32 $0xffff, v8, v8;
	v8 =	vmax.f32 v11, v12  }
0x1a4: {  	v9 =	vmin.f32 v11, v12  }
0x1a5: {  	v15, _, _ =	vpop (xrf2);
	v10 =	vmin.f32 v56, v59;
	v11 =	vmin.f32 v57, v61;
	(xrf1) =	vsort.dscd.msk.f32 $0xffff, v8, v8  }
0x1a6: {  	v13 =	vmin.f32 v10, v11;
	v11 =	vmax.f32 v10, v11;
	v8, _, _ =	vpop (xrf1);
	(xrf1) =	vsort.dscd.msk.f32 $0xffff, v9, v9  }
0x1a7: {  	v16 =	vmax.f32 v57, v61;
	v12 =	vmax.f32 v56, v59;
	v9, _, _ =	vpop (xrf1);
	(xrf1) =	vsort.ascd.msk.f32 $0xffff, v13, v13  }
0x1a8: {  	v18 =	vmin.f32 v58, v62;
	v13 =	vmin.f32 v12, v16;
	v10, _, _ =	vpop (xrf1);
	(xrf1) =	vsort.ascd.msk.f32 $0xffff, v11, v11  }
0x1a9: {  	v17 =	vmin.f32 v14, v60;
	v16 =	vmax.f32 v12, v16;
	v11, _, _ =	vpop (xrf1);
	(xrf1) =	vsort.ascd.msk.f32 $0xffff, v13, v13  }
0x1aa: {  	s18 =	sshll.u32 s18, $0x8;
	v20 =	vmax.f32 v14, v60;
	v19 =	vmin.f32 v17, v18;
	v12, _, _ =	vpop (xrf1);
	(xrf1) =	vsort.ascd.msk.f32 $0xffff, v16, v16  }
0x1ab: {  	s18 =	sand.u32 $0x3FFFFF00, s18;
	v17 =	vmax.f32 v17, v18;
	v16 =	vmax.f32 v58, v62;
	v13, _, _ =	vpop (xrf1);
	(xrf1) =	vsort.ascd.msk.f32 $0xffff, v19, v19  }
0x1ac: {  	s18 =	sadd.s32 $0x4480, s18;
	s30 =	sand.u32 $0x80, s15;
	v14, _, _ =	vpop (xrf1);
	(xrf1) =	vsort.ascd.msk.f32 $0xffff, v17, v17;
	v17 =	vmax.f32 v20, v16  }
0x1ad: {  	s31 =	sand.u32 $0x70, s15;
	s19 =	sadd.s32 s30, s18;
	v18 =	vbroadcast v15, $0xF;
	v21 =	vmin.f32 v20, v16;
	v15, _, _ =	vpop (xrf1)  }
0x1ae: {  	s19 =	sadd.s32 s31, s19;
	v19 =	vmax.f32 v28, v30;
	v20 =	vmax.f32 v6, v7;
	(xrf1) =	vsort.ascd.msk.f32 $0xffff, v21, v21;
	v16, _, _ =	vpop (xrf1)  }
0x1af: {  	[tilespmem:s19+$0x0] =	vst v18;
	v18 =	vmin.f32 v28, v30;
	s19 =	simm.s32 $0x400;
	v21 =	vmax.f32 v19, v20;
	(xrf1) =	vsort.ascd.msk.f32 $0xffff, v17, v17;
	v17, _, _ =	vpop (xrf1)  }
.LBB2_3:
0x1b0: {  	v6 =	vmin.f32 v6, v7;
	v7 =	vmin.f32 v19, v20;
	v19, _, _ =	vpop (xrf1);
	(xrf1) =	vsort.dscd.msk.f32 $0xffff, v21, v21  }
0x1b1: {  	s20 =	sand.u32 $0x1000, s19;
	s17 =	sadd.s32 $0x80, s17;
	v20 =	vmax.f32 v3, v5;
	v0 =	vmax.f32 v2, v4;
	v3 =	vmin.f32 v3, v5  }
0x1b2: {  	v2 =	vmin.f32 v2, v4;
	s21 =	sand.u32 $0x380, s17;
	s20 =	sadd.s32 s20, s16;
	v21 =	vmax.f32 v18, v6;
	v22, _, _ =	vpop (xrf1);
	(xrf1) =	vsort.dscd.msk.f32 $0xffff, v7, v7  }
0x1b3: {  	v6 =	vmin.f32 v18, v6;
	v5 =	vmax.f32 v20, v0;
	s20 =	sadd.s32 s21, s20;
	v18, _, _ =	vpop (xrf1);
	(xrf1) =	vsort.dscd.msk.f32 $0xffff, v21, v21  }
0x1b4: {  	v4 =	vmin.f32 v20, v0;
	v20 =	vmax.f32 v3, v2;
	v21 =	vld [tilespmem:s20+$0x0];
	v23, _, _ =	vpop (xrf1);
	(xrf1) =	vsort.dscd.msk.f32 $0xffff, v6, v6  }
0x1b5: {  	v0 =	vmin.f32 v3, v2;
	v27 =	vmin.f32 v12, v18;
	v7, _, _ =	vpop (xrf1);
	(xrf1) =	vsort.dscd.msk.f32 $0xffff, v5, v5  }
0x1b6: {  	v6 =	vld [tilespmem:s20+$0x10];
	v12 =	vmax.f32 v12, v18;
	v18 =	vmin.f32 v13, v23;
	v24, _, _ =	vpop (xrf1);
	(xrf1) =	vsort.dscd.msk.f32 $0xffff, v4, v4  }
0x1b7: {  	v13 =	vmax.f32 v13, v23;
	v23 =	vmin.f32 v14, v7;
	v3, _, _ =	vpop (xrf1);
	(xrf1) =	vsort.dscd.msk.f32 $0xffff, v20, v20  }
0x1b8: {  	v7 =	vmax.f32 v14, v7;
	v29 =	vmin.f32 v15, v24;
	v25, _, _ =	vpop (xrf1);
	(xrf1) =	vsort.dscd.msk.f32 $0xffff, v0, v0  }
0x1b9: {  	v15 =	vmax.f32 v15, v24;
	(xrf1) =	vsort.ascd.msk.f32 $0xffff, v21, v21;
	v21 =	vmin.f32 v9, v17  }
0x1ba: {  	v5 =	vld [tilespmem:s20+$0x20];
	v9 =	vmax.f32 v9, v17;
	v17 =	vmin.f32 v10, v19;
	v10 =	vmax.f32 v10, v19  }
0x1bb: {  	v4 =	vld [tilespmem:s20+$0x30];
	v2, _, _ =	vpop (xrf1);
	v19 =	vmin.f32 v11, v22;
	v11 =	vmax.f32 v11, v22;
	(xrf1) =	vsort.dscd.msk.f32 $0xffff, v6, v6  }
0x1bc: {  	v20 =	vld [tilespmem:s20+$0x40];
	v48 =	vmin.f32 v21, v18;
	v18 =	vmax.f32 v21, v18;
	v21 =	vmin.f32 v17, v23  }
0x1bd: {  	v17 =	vmax.f32 v17, v23;
	v23 =	vmin.f32 v19, v29;
	v19 =	vmax.f32 v19, v29  }
0x1be: {  	v6, _, _ =	vpop (xrf1);
	v40 =	vmin.f32 v9, v13;
	v9 =	vmax.f32 v9, v13;
	v41 =	vmin.f32 v10, v7  }
0x1bf: {  	v10 =	vmax.f32 v10, v7;
	v42 =	vmin.f32 v11, v15;
	(xrf1) =	vsort.ascd.msk.f32 $0xffff, v5, v5;
	v5, _, _ =	vpop (xrf1)  }
0x1c0: {  	v11 =	vmax.f32 v11, v15;
	v54 =	vmin.f32 v48, v23;
	(xrf1) =	vsort.dscd.msk.f32 $0xffff, v4, v4;
	v4, _, _ =	vpop (xrf1)  }
0x1c1: {  	(xrf1) =	vsort.ascd.msk.f32 $0xffff, v20, v20;
	v20 =	vmin.f32 v8, v16;
	v8 =	vmax.f32 v8, v16;
	v16, _, _ =	vpop (xrf1)  }
0x1c2: {  	v23 =	vmax.f32 v48, v23;
	v59 =	vmin.f32 v18, v19;
	v18 =	vmax.f32 v18, v19;
	v26, _, _ =	vpop (xrf1)  }
0x1c3: {  	v39 =	vmin.f32 v20, v27;
	v20 =	vmax.f32 v20, v27;
	v49 =	vmin.f32 v8, v12;
	v22, _, _ =	vpop (xrf1)  }
0x1c4: {  	v8 =	vmax.f32 v8, v12;
	v53 =	vmin.f32 v39, v21;
	v21 =	vmax.f32 v39, v21;
	v28, _, _ =	vpop (xrf1)  }
0x1c5: {  	v57 =	vmin.f32 v20, v17;
	v17 =	vmax.f32 v20, v17;
	v62 =	vmin.f32 v3, v22;
	v14, _, _ =	vpop (xrf1)  }
0x1c6: {  	v22 =	vmax.f32 v3, v22;
	v55 =	vmin.f32 v53, v54;
	v56 =	vmax.f32 v53, v54;
	v30, _, _ =	vpop (xrf1)  }
0x1c7: {  	v58 =	vmin.f32 v21, v23;
	v21 =	vmax.f32 v21, v23;
	v20 =	vmin.f32 v57, v59;
	v3, _, _ =	vpop (xrf1)  }
0x1c8: {  	v19 =	vmax.f32 v57, v59;
	v63 =	vmin.f32 v2, v14;
	v14 =	vmax.f32 v2, v14;
	v2, _, _ =	vpop (xrf1)  }
0x1c9: {  	v31 =	vmin.f32 v25, v28;
	v33 =	vmin.f32 v5, v3;
	v34 =	vmax.f32 v5, v3;
	v3, _, _ =	vpop (xrf1)  }
0x1ca: {  	v25 =	vmax.f32 v25, v28;
	v35 =	vmin.f32 v4, v2;
	v36 =	vmax.f32 v4, v2;
	v4, _, _ =	vpop (xrf1)  }
0x1cb: {  	v32 =	vmin.f32 v6, v30;
	v30 =	vmax.f32 v6, v30;
	v43 =	vmin.f32 v22, v34;
	v0, _, _ =	vpop (xrf1)  }
0x1cc: {  	v22 =	vmax.f32 v22, v34;
	v12 =	vmin.f32 v62, v33;
	v24 =	vmax.f32 v62, v33;
	[tilespmem:$0x1FFA0] =	vst v0;
	v0, _, _ =	vpop (xrf1)  }
0x1cd: {  	v37 =	vmin.f32 v16, v3;
	v16 =	vmax.f32 v16, v3;
	v50 =	vmin.f32 v25, v36;
	[tilespmem:$0x1FFB0] =	vst v0;
	v0, _, _ =	vpop (xrf1)  }
0x1ce: {  	v25 =	vmax.f32 v25, v36;
	v7 =	vmin.f32 v31, v35;
	v52 =	vmax.f32 v31, v35;
	v6, _, _ =	vpop (xrf1)  }
0x1cf: {  	v38 =	vmin.f32 v26, v4;
	v26 =	vmax.f32 v26, v4;
	[tilespmem:$0x1FFC0] =	vst v0;
	v0, _, _ =	vpop (xrf1);
	(xrf1) =	vsort.ascd.msk.f32 $0xffff, v55, v55  }
0x1d0: {  	v51 =	vmin.f32 v14, v16;
	v14 =	vmax.f32 v14, v16;
	(xrf1) =	vsort.ascd.msk.f32 $0xffff, v56, v56  }
0x1d1: {  	v15 =	vmin.f32 v63, v37;
	v28 =	vmax.f32 v63, v37;
	(xrf1) =	vsort.ascd.msk.f32 $0xffff, v58, v58  }
0x1d2: {  	v44 =	vmin.f32 v30, v26;
	v16 =	vmax.f32 v30, v26;
	(xrf1) =	vsort.ascd.msk.f32 $0xffff, v21, v21  }
0x1d3: {  	v13 =	vmin.f32 v32, v38;
	v32 =	vmax.f32 v32, v38;
	(xrf1) =	vsort.ascd.msk.f32 $0xffff, v20, v20  }
0x1d4: {  	v21 =	vmin.f32 v17, v18;
	v17 =	vmax.f32 v17, v18;
	(xrf1) =	vsort.ascd.msk.f32 $0xffff, v19, v19  }
0x1d5: {  	v20 =	vmin.f32 v49, v41;
	v19 =	vmin.f32 v40, v42;
	(xrf1) =	vsort.ascd.msk.f32 $0xffff, v21, v21  }
0x1d6: {  	v18 =	vmax.f32 v49, v41;
	v21 =	vmin.f32 v20, v19;
	(xrf1) =	vsort.ascd.msk.f32 $0xffff, v17, v17  }
0x1d7: {  	v19 =	vmax.f32 v20, v19;
	v17 =	vmax.f32 v40, v42;
	(xrf1) =	vsort.ascd.msk.f32 $0xffff, v21, v21  }
0x1d8: {  	v20 =	vmin.f32 v8, v10;
	v21 =	vmin.f32 v18, v17;
	(xrf1) =	vsort.ascd.msk.f32 $0xffff, v19, v19  }
0x1d9: {  	v17 =	vmax.f32 v18, v17;
	v19 =	vmin.f32 v9, v11;
	(xrf1) =	vsort.ascd.msk.f32 $0xffff, v21, v21  }
0x1da: {  	v8 =	vmax.f32 v8, v10;
	v10 =	vmin.f32 v20, v19;
	(xrf1) =	vsort.ascd.msk.f32 $0xffff, v17, v17  }
0x1db: {  	v9 =	vmax.f32 v9, v11;
	v11 =	vmax.f32 v20, v19;
	(xrf1) =	vsort.ascd.msk.f32 $0xffff, v10, v10  }
0x1dc: {  	v17 =	vmin.f32 v8, v9;
	v10 =	vmax.f32 v22, v14;
	(xrf1) =	vsort.ascd.msk.f32 $0xffff, v11, v11  }
0x1dd: {  	v18 =	vmax.f32 v8, v9;
	v11 =	vmax.f32 v25, v16;
	v8, _, _ =	vpop (xrf1);
	(xrf1) =	vsort.ascd.msk.f32 $0xffff, v17, v17  }
0x1de: {  	v14 =	vmin.f32 v22, v14;
	v17 =	vmax.f32 v10, v11;
	v9, _, _ =	vpop (xrf1);
	(xrf1) =	vsort.ascd.msk.f32 $0xffff, v18, v18  }
0x1df: {  	v16 =	vmin.f32 v25, v16;
	v18 =	vmin.f32 v10, v11;
	v10, _, _ =	vpop (xrf1);
	(xrf1) =	vsort.dscd.msk.f32 $0xffff, v17, v17  }
0x1e0: {  	v19 =	vmax.f32 v14, v16;
	v17 =	vmax.f32 v43, v51;
	v11, _, _ =	vpop (xrf1);
	(xrf1) =	vsort.dscd.msk.f32 $0xffff, v18, v18  }
0x1e1: {  	v20 =	vmin.f32 v14, v16;
	v18 =	vmax.f32 v50, v44;
	v14, _, _ =	vpop (xrf1);
	(xrf1) =	vsort.dscd.msk.f32 $0xffff, v19, v19  }
0x1e2: {  	[tilespmem:$0x1FFD0] =	vst v0;
	v0 =	vmin.f32 v50, v44;
	v21 =	vmax.f32 v17, v18;
	v16, _, _ =	vpop (xrf1);
	(xrf1) =	vsort.dscd.msk.f32 $0xffff, v20, v20  }
0x1e3: {  	v19 =	vmin.f32 v43, v51;
	v18 =	vmin.f32 v17, v18;
	v17, _, _ =	vpop (xrf1);
	(xrf1) =	vsort.dscd.msk.f32 $0xffff, v21, v21  }
0x1e4: {  	v22 =	vmax.f32 v19, v0;
	v21 =	vmax.f32 v24, v28;
	v23, _, _ =	vpop (xrf1);
	(xrf1) =	vsort.dscd.msk.f32 $0xffff, v18, v18  }
0x1e5: {  	v19 =	vmin.f32 v19, v0;
	v18 =	vmax.f32 v52, v32;
	v20, _, _ =	vpop (xrf1);
	(xrf1) =	vsort.dscd.msk.f32 $0xffff, v22, v22  }
0x1e6: {  	v22 =	vmin.f32 v24, v28;
	v60 =	vmax.f32 v21, v18;
	v25, _, _ =	vpop (xrf1);
	(xrf1) =	vsort.dscd.msk.f32 $0xffff, v19, v19  }
0x1e7: {  	v18 =	vmin.f32 v21, v18;
	v19 =	vmin.f32 v52, v32;
	v21, _, _ =	vpop (xrf1);
	(xrf1) =	vsort.dscd.msk.f32 $0xffff, v60, v60  }
0x1e8: {  	v61 =	vmax.f32 v12, v15;
	v26 =	vmax.f32 v22, v19;
	v27, _, _ =	vpop (xrf1);
	(xrf1) =	vsort.dscd.msk.f32 $0xffff, v18, v18  }
0x1e9: {  	v0 =	vmax.f32 v7, v13;
	v19 =	vmin.f32 v22, v19;
	v22, _, _ =	vpop (xrf1);
	(xrf1) =	vsort.dscd.msk.f32 $0xffff, v26, v26  }
0x1ea: {  	v62 =	vld [tilespmem:s20+$0x50];
	v12 =	vmin.f32 v12, v15;
	v15 =	vmax.f32 v61, v0;
	v28, _, _ =	vpop (xrf1);
	(xrf1) =	vsort.dscd.msk.f32 $0xffff, v19, v19  }
0x1eb: {  	v7 =	vmin.f32 v7, v13;
	v13 =	vmin.f32 v61, v0;
	v19 =	vld [tilespmem:s20+$0x60];
	v18, _, _ =	vpop (xrf1);
	(xrf1) =	vsort.dscd.msk.f32 $0xffff, v15, v15  }
0x1ec: {  	v0 =	vmax.f32 v12, v7;
	v15 =	vld [tilespmem:s20+$0x70];
	v31, _, _ =	vpop (xrf1);
	(xrf1) =	vsort.dscd.msk.f32 $0xffff, v13, v13  }
0x1ed: {  	v7 =	vmin.f32 v12, v7;
	v13 =	vld [tilespmem:s20+$0x400];
	v32, _, _ =	vpop (xrf1);
	(xrf1) =	vsort.dscd.msk.f32 $0xffff, v0, v0  }
0x1ee: {  	v12 =	vld [tilespmem:s20+$0x410];
	v24, _, _ =	vpop (xrf1);
	(xrf1) =	vsort.dscd.msk.f32 $0xffff, v7, v7  }
0x1ef: {  	v7 =	vld [tilespmem:s20+$0x420];
	(xrf1) =	vsort.dscd.msk.f32 $0xffff, v62, v62  }
0x1f0: {  	v60 =	vld [tilespmem:s20+$0x430];
	v39 =	vmax.f32 v8, v32;
	v63, _, _ =	vpop (xrf1);
	(xrf1) =	vsort.ascd.msk.f32 $0xffff, v19, v19  }
0x1f1: {  	v58 =	vmin.f32 v8, v32;
	v41 =	vmax.f32 v9, v24;
	v19, _, _ =	vpop (xrf1);
	(xrf1) =	vsort.dscd.msk.f32 $0xffff, v15, v15  }
0x1f2: {  	v61 =	vld [tilespmem:s20+$0x440];
	v59 =	vmin.f32 v9, v24;
	v42 =	vmax.f32 v10, v63;
	v15, _, _ =	vpop (xrf1);
	(xrf1) =	vsort.ascd.msk.f32 $0xffff, v13, v13  }
0x1f3: {  	v62 =	vld [tilespmem:s20+$0x450];
	v43 =	vmax.f32 v11, v19;
	v34, _, _ =	vpop (xrf1);
	v45 =	vmax.f32 v14, v15;
	(xrf1) =	vsort.dscd.msk.f32 $0xffff, v12, v12  }
0x1f4: {  	v13 =	vld [tilespmem:s20+$0x460];
	v35, _, _ =	vpop (xrf1);
	v46 =	vmax.f32 v16, v34;
	v34 =	vmin.f32 v16, v34;
	(xrf1) =	vsort.ascd.msk.f32 $0xffff, v7, v7  }
0x1f5: {  	v36, _, _ =	vpop (xrf1);
	v29 =	vmax.f32 v17, v35;
	v35 =	vmin.f32 v17, v35;
	(xrf1) =	vsort.dscd.msk.f32 $0xffff, v60, v60  }
0x1f6: {  	v37, _, _ =	vpop (xrf1);
	v30 =	vmax.f32 v23, v36;
	v60 =	vmin.f32 v10, v63;
	v36 =	vmin.f32 v23, v36  }
0x1f7: {  	(xrf1) =	vsort.ascd.msk.f32 $0xffff, v61, v61;
	v38, _, _ =	vpop (xrf1);
	v48 =	vmax.f32 v20, v37;
	v61 =	vmin.f32 v11, v19  }
0x1f8: {  	v37 =	vmin.f32 v20, v37;
	(xrf1) =	vsort.dscd.msk.f32 $0xffff, v62, v62;
	v33, _, _ =	vpop (xrf1);
	v49 =	vmax.f32 v25, v38  }
0x1f9: {  	v62 =	vmin.f32 v14, v15;
	v38 =	vmin.f32 v25, v38;
	(xrf1) =	vsort.ascd.msk.f32 $0xffff, v13, v13;
	v40, _, _ =	vpop (xrf1)  }
0x1fa: {  	v63 =	vmin.f32 v58, v37;
	v51 =	vmax.f32 v21, v33;
	v33 =	vmin.f32 v21, v33;
	v44, _, _ =	vpop (xrf1)  }
0x1fb: {  	v21 =	vmax.f32 v39, v48;
	v4 =	vmin.f32 v59, v38;
	v48 =	vmin.f32 v39, v48;
	v47, _, _ =	vpop (xrf1)  }
0x1fc: {  	v52 =	vmax.f32 v27, v40;
	v40 =	vmin.f32 v27, v40;
	v17 =	vmax.f32 v42, v51;
	v50, _, _ =	vpop (xrf1)  }
0x1fd: {  	v5 =	vmin.f32 v60, v33;
	v51 =	vmin.f32 v42, v51;
	v53 =	vmax.f32 v22, v44;
	v54, _, _ =	vpop (xrf1)  }
0x1fe: {  	v44 =	vmin.f32 v22, v44;
	v22 =	vmax.f32 v41, v49;
	v25 =	vmin.f32 v61, v40;
	v12, _, _ =	vpop (xrf1)  }
0x1ff: {  	v49 =	vmin.f32 v41, v49;
	v41 =	vmin.f32 v43, v52;
	v55 =	vmax.f32 v28, v47;
	v7, _, _ =	vpop (xrf1)  }
0x200: {  	v47 =	vmin.f32 v28, v47;
	v23 =	vmax.f32 v45, v53;
	v26 =	vmin.f32 v62, v44;
	v13, _, _ =	vpop (xrf1)  }
0x201: {  	v56 =	vmax.f32 v18, v50;
	v50 =	vmin.f32 v18, v50;
	v18 =	vmax.f32 v43, v52;
	v9, _, _ =	vpop (xrf1)  }
0x202: {  	v27 =	vmin.f32 v34, v47;
	v57 =	vmax.f32 v31, v54;
	v54 =	vmin.f32 v31, v54;
	v15, _, _ =	vpop (xrf1)  }
0x203: {  	v32 =	vmin.f32 v63, v26;
	v28 =	vmin.f32 v35, v50;
	v31 =	vmin.f32 v36, v54;
	v10, _, _ =	vpop (xrf1)  }
0x204: {  	v3 =	vmin.f32 v4, v27;
	v2 =	vmin.f32 v5, v28;
	v1 =	vmin.f32 v25, v31;
	v16, _, _ =	vpop (xrf1)  }
0x205: {  	v24 =	vmax.f32 v46, v55;
	v39 =	vmin.f32 v32, v2;
	v0 =	vmin.f32 v3, v1;
	v8, _, _ =	vpop (xrf1)  }
0x206: {  	v47 =	vmax.f32 v34, v47;
	v19 =	vmax.f32 v29, v56;
	v42 =	vmin.f32 v39, v0;
	v14, _, _ =	vpop (xrf1)  }
0x207: {  	v4 =	vmax.f32 v4, v27;
	v0 =	vmax.f32 v39, v0;
	v11, _, _ =	vpop (xrf1);
	(xrf1) =	vsort.ascd.msk.f32 $0xffff, v42, v42  }
0x208: {  	v2 =	vmax.f32 v32, v2;
	v1 =	vmax.f32 v3, v1;
	(xrf1) =	vsort.ascd.msk.f32 $0xffff, v0, v0  }
0x209: {  	v20 =	vmax.f32 v30, v57;
	v32 =	vmin.f32 v46, v55;
	v0 =	vmin.f32 v2, v1  }
0x20a: {  	v46 =	vmax.f32 v62, v44;
	v3 =	vmax.f32 v63, v26;
	(xrf1) =	vsort.ascd.msk.f32 $0xffff, v0, v0  }
0x20b: {  	v1 =	vmax.f32 v2, v1;
	v0 =	vmax.f32 v5, v28;
	v5 =	vmax.f32 v25, v31  }
0x20c: {  	v2 =	vmin.f32 v3, v0;
	v25 =	vmin.f32 v4, v5;
	(xrf1) =	vsort.ascd.msk.f32 $0xffff, v1, v1  }
0x20d: {  	v63 =	vmax.f32 v59, v38;
	v42 =	vmin.f32 v45, v53;
	v45 =	vmin.f32 v2, v25  }
0x20e: {  	v26 =	vmax.f32 v63, v47;
	v28 =	vmax.f32 v60, v33;
	(xrf1) =	vsort.ascd.msk.f32 $0xffff, v45, v45  }
0x20f: {  	v31 =	vmax.f32 v61, v40;
	v1 =	vmax.f32 v58, v37;
	v2 =	vmax.f32 v2, v25  }
0x210: {  	v0 =	vmax.f32 v3, v0;
	v3 =	vmax.f32 v4, v5;
	(xrf1) =	vsort.ascd.msk.f32 $0xffff, v2, v2  }
0x211: {  	v52 =	vld [tilespmem:$0x4000];
	v4 =	vmax.f32 v36, v54;
	v54 =	vmin.f32 v63, v47;
	v5 =	vmin.f32 v0, v3  }
0x212: {  	v55 =	vld [tilespmem:$0x4010];
	v53 =	vmin.f32 v1, v46;
	v2 =	vmax.f32 v35, v50;
	(xrf1) =	vsort.ascd.msk.f32 $0xffff, v5, v5  }
0x213: {  	v58 =	vmin.f32 v31, v4;
	v0 =	vmax.f32 v0, v3;
	v5 =	vmin.f32 v28, v2  }
0x214: {  	v60 =	vld [tilespmem:$0x4020];
	v59 =	vmin.f32 v54, v58;
	v3 =	vmin.f32 v53, v5;
	(xrf1) =	vsort.ascd.msk.f32 $0xffff, v0, v0  }
0x215: {  	v1 =	vmax.f32 v1, v46;
	v4 =	vmax.f32 v31, v4;
	v61 =	vmin.f32 v3, v59;
	v62, _, _ =	vpop (xrf1)  }
0x216: {  	v63 =	vld [tilespmem:$0x4030];
	v45 =	vmax.f32 v54, v58;
	v2 =	vmax.f32 v28, v2;
	v43, _, _ =	vpop (xrf1);
	(xrf1) =	vsort.ascd.msk.f32 $0xffff, v61, v61  }
0x217: {  	v3 =	vmax.f32 v3, v59;
	v25 =	vmul.f32 v62, v52;
	v44 =	vmul.f32 v43, v55  }
0x218: {  	v46 =	vld [tilespmem:$0x4040];
	v0 =	vmin.f32 v29, v56;
	v5 =	vmax.f32 v53, v5;
	v47, _, _ =	vpop (xrf1);
	(xrf1) =	vsort.ascd.msk.f32 $0xffff, v3, v3  }
0x219: {  	v3 =	vmin.f32 v5, v45;
	v50 =	vmul.f32 v47, v60;
	v25 =	vadd.f32 v44, v25  }
0x21a: {  	v29 =	vmin.f32 v30, v57;
	v56 =	vmin.f32 v26, v4;
	v52 =	vld [tilespmem:$0x4050];
	v53, _, _ =	vpop (xrf1);
	(xrf1) =	vsort.ascd.msk.f32 $0xffff, v3, v3  }
0x21b: {  	v3 =	vmax.f32 v5, v45;
	v54 =	vmul.f32 v53, v63;
	v5 =	vadd.f32 v25, v50  }
0x21c: {  	v57 =	vld [tilespmem:$0x4060];
	v38 =	vmin.f32 v51, v0;
	v55 =	vmin.f32 v1, v2;
	v58, _, _ =	vpop (xrf1);
	(xrf1) =	vsort.ascd.msk.f32 $0xffff, v3, v3  }
0x21d: {  	v3 =	vmin.f32 v55, v56;
	v59 =	vmul.f32 v58, v46;
	v5 =	vadd.f32 v5, v54  }
0x21e: {  	v39 =	vmin.f32 v41, v29;
	v0 =	vmax.f32 v51, v0;
	v62 =	vld [tilespmem:$0x4070];
	v63, _, _ =	vpop (xrf1);
	(xrf1) =	vsort.ascd.msk.f32 $0xffff, v3, v3  }
0x21f: {  	v3 =	vmax.f32 v55, v56;
	v30 =	vmul.f32 v63, v52;
	v5 =	vadd.f32 v5, v59  }
0x220: {  	v1 =	vmax.f32 v1, v2;
	v2 =	vmax.f32 v26, v4;
	v4 =	vld [tilespmem:$0x4080];
	v36, _, _ =	vpop (xrf1);
	(xrf1) =	vsort.ascd.msk.f32 $0xffff, v3, v3  }
0x221: {  	v3 =	vmin.f32 v1, v2;
	v37 =	vmul.f32 v36, v57;
	v5 =	vadd.f32 v5, v30  }
0x222: {  	v40 =	vld [tilespmem:$0x4090];
	v61 =	vmin.f32 v49, v32;
	v60 =	vmin.f32 v48, v42;
	v43, _, _ =	vpop (xrf1);
	(xrf1) =	vsort.ascd.msk.f32 $0xffff, v3, v3  }
0x223: {  	v1 =	vmax.f32 v1, v2;
	v3 =	vmul.f32 v43, v62;
	v2 =	vadd.f32 v5, v37  }
0x224: {  	v45 =	vld [tilespmem:$0x40A0];
	v44 =	vmin.f32 v61, v39;
	v5 =	vmin.f32 v60, v38;
	v46, _, _ =	vpop (xrf1);
	(xrf1) =	vsort.ascd.msk.f32 $0xffff, v1, v1  }
0x225: {  	v1 =	vmin.f32 v5, v44;
	v2 =	vadd.f32 v2, v3;
	v3 =	vmul.f32 v46, v4  }
0x226: {  	v47 =	vmax.f32 v49, v32;
	v4 =	vmax.f32 v48, v42;
	v48 =	vld [tilespmem:$0x40B0];
	v49, _, _ =	vpop (xrf1);
	(xrf1) =	vsort.ascd.msk.f32 $0xffff, v1, v1  }
0x227: {  	v1 =	vmax.f32 v5, v44;
	v2 =	vadd.f32 v2, v3;
	v3 =	vmul.f32 v49, v40  }
0x228: {  	v50 =	vmax.f32 v61, v39;
	v52 =	vld [tilespmem:$0x40C0];
	v5 =	vmax.f32 v60, v38;
	v53, _, _ =	vpop (xrf1);
	(xrf1) =	vsort.ascd.msk.f32 $0xffff, v1, v1  }
0x229: {  	v1 =	vmin.f32 v5, v50;
	v2 =	vadd.f32 v2, v3;
	v3 =	vmul.f32 v53, v45  }
0x22a: {  	v55 =	vld [tilespmem:$0x40D0];
	v61 =	vmin.f32 v22, v24;
	v54 =	vmax.f32 v41, v29;
	v56, _, _ =	vpop (xrf1);
	(xrf1) =	vsort.ascd.msk.f32 $0xffff, v1, v1  }
0x22b: {  	v1 =	vmax.f32 v5, v50;
	v2 =	vadd.f32 v2, v3;
	v3 =	vmul.f32 v56, v48  }
0x22c: {  	v58 =	vld [tilespmem:$0x40E0];
	v57 =	vmin.f32 v47, v54;
	v5 =	vmin.f32 v4, v0;
	v59, _, _ =	vpop (xrf1);
	(xrf1) =	vsort.ascd.msk.f32 $0xffff, v1, v1  }
0x22d: {  	v1 =	vmin.f32 v5, v57;
	v2 =	vadd.f32 v2, v3;
	v3 =	vmul.f32 v59, v52  }
0x22e: {  	v36 =	vmin.f32 v17, v19;
	v17 =	vmax.f32 v17, v19;
	v62 =	vld [tilespmem:$0x40F0];
	v63, _, _ =	vpop (xrf1);
	(xrf1) =	vsort.ascd.msk.f32 $0xffff, v1, v1  }
0x22f: {  	v1 =	vmax.f32 v5, v57;
	v2 =	vadd.f32 v2, v3;
	v3 =	vmul.f32 v63, v55  }
0x230: {  	v0 =	vmax.f32 v4, v0;
	v4 =	vmax.f32 v47, v54;
	v5 =	vld [tilespmem:$0x4100];
	v35, _, _ =	vpop (xrf1);
	(xrf1) =	vsort.ascd.msk.f32 $0xffff, v1, v1  }
0x231: {  	v1 =	vmin.f32 v0, v4;
	v2 =	vadd.f32 v2, v3;
	v3 =	vmul.f32 v35, v58  }
0x232: {  	v37 =	vmin.f32 v18, v20;
	v60 =	vmin.f32 v21, v23;
	v38 =	vld [tilespmem:$0x4110];
	v39, _, _ =	vpop (xrf1);
	(xrf1) =	vsort.ascd.msk.f32 $0xffff, v1, v1  }
0x233: {  	v51 =	vld [tilespmem:$0x4170];
	v0 =	vmax.f32 v0, v4;
	v1 =	vadd.f32 v2, v3;
	v2 =	vmul.f32 v39, v62  }
0x234: {  	v41 =	vld [tilespmem:$0x4120];
	v4 =	vmin.f32 v61, v37;
	v3 =	vmin.f32 v60, v36;
	v42, _, _ =	vpop (xrf1);
	(xrf1) =	vsort.ascd.msk.f32 $0xffff, v0, v0  }
0x235: {  	v19 =	vld [tilespmem:$0x4150];
	v0 =	vmin.f32 v3, v4;
	v1 =	vadd.f32 v1, v2;
	v2 =	vmul.f32 v42, v5  }
0x236: {  	v21 =	vmax.f32 v21, v23;
	v23 =	vld [tilespmem:$0x4130];
	v43, _, _ =	vpop (xrf1);
	(xrf1) =	vsort.ascd.msk.f32 $0xffff, v0, v0  }
0x237: {  	v40 =	vld [tilespmem:$0x41E0];
	v0 =	vmax.f32 v3, v4;
	v1 =	vadd.f32 v1, v2;
	v2 =	vmul.f32 v43, v38  }
0x238: {  	v44 =	vmax.f32 v61, v37;
	v45 =	vld [tilespmem:$0x4140];
	v4 =	vmax.f32 v60, v36;
	v46, _, _ =	vpop (xrf1);
	(xrf1) =	vsort.ascd.msk.f32 $0xffff, v0, v0  }
0x239: {  	v47 =	vld [tilespmem:$0x41B0];
	v0 =	vmin.f32 v4, v44;
	v1 =	vadd.f32 v1, v2;
	v2 =	vmul.f32 v46, v41  }
0x23a: {  	v22 =	vmax.f32 v22, v24;
	v18 =	vmax.f32 v18, v20;
	v50 =	vld [tilespmem:$0x4190];
	v20, _, _ =	vpop (xrf1);
	(xrf1) =	vsort.ascd.msk.f32 $0xffff, v0, v0  }
0x23b: {  	v48 =	vld [tilespmem:$0x4160];
	v0 =	vmax.f32 v4, v44;
	v1 =	vadd.f32 v1, v2;
	v2 =	vmul.f32 v20, v23  }
0x23c: {  	v5 =	vld [tilespmem:$0x41D0];
	v49, _, _ =	vpop (xrf1);
	(xrf1) =	vsort.ascd.msk.f32 $0xffff, v0, v0;
	v20 =	vmin.f32 v21, v17;
	v23 =	vmin.f32 v22, v18  }
0x23d: {  	v3 =	vld [tilespmem:$0x41C0];
	v0 =	vmin.f32 v20, v23;
	v1 =	vadd.f32 v1, v2;
	v2 =	vmul.f32 v49, v45  }
0x23e: {  	v4 =	vld [tilespmem:$0x41A0];
	v52, _, _ =	vpop (xrf1);
	(xrf1) =	vsort.ascd.msk.f32 $0xffff, v0, v0  }
0x23f: {  	v0 =	vmax.f32 v20, v23;
	v20 =	vld [tilespmem:s20+$0x470];
	v1 =	vadd.f32 v1, v2;
	v2 =	vmul.f32 v52, v19  }
0x240: {  	v17 =	vmax.f32 v21, v17;
	v18 =	vmax.f32 v22, v18;
	v19 =	vld [tilespmem:$0x4180];
	v21, _, _ =	vpop (xrf1);
	(xrf1) =	vsort.ascd.msk.f32 $0xffff, v0, v0  }
0x241: {  	v22 =	vmin.f32 v17, v18;
	v0 =	vld [tilespmem:s20+$0x800];
	v1 =	vadd.f32 v1, v2;
	v2 =	vmul.f32 v21, v48  }
0x242: {  	v21 =	vld [tilespmem:s20+$0x810];
	v23, _, _ =	vpop (xrf1);
	(xrf1) =	vsort.ascd.msk.f32 $0xffff, v22, v22  }
0x243: {  	v17 =	vmax.f32 v17, v18;
	v22 =	vld [tilespmem:s20+$0x820];
	v1 =	vadd.f32 v1, v2;
	v2 =	vmul.f32 v23, v51  }
0x244: {  	v18 =	vld [tilespmem:s20+$0x830];
	v23, _, _ =	vpop (xrf1);
	(xrf1) =	vsort.ascd.msk.f32 $0xffff, v17, v17  }
0x245: {  	v17 =	vld [tilespmem:s20+$0x840];
	(xrf1) =	vsort.dscd.msk.f32 $0xffff, v20, v20;
	v1 =	vadd.f32 v1, v2;
	v2 =	vmul.f32 v23, v19  }
0x246: {  	v20 =	vld [tilespmem:s20+$0x860];
	(xrf1) =	vsort.ascd.msk.f32 $0xffff, v0, v0;
	v0, _, _ =	vpop (xrf1)  }
0x247: {  	v19 =	vld [tilespmem:s20+$0x850];
	(xrf1) =	vsort.dscd.msk.f32 $0xffff, v21, v21;
	v0 =	vmul.f32 v0, v50;
	v1 =	vadd.f32 v1, v2  }
0x248: {  	v21, _, _ =	vpop (xrf1);
	v2 =	vld [tilespmem:s20+$0x870];
	(xrf1) =	vsort.ascd.msk.f32 $0xffff, v22, v22  }
0x249: {  	v22 =	vld [tilespmem:s20+$0xC00];
	(xrf1) =	vsort.dscd.msk.f32 $0xffff, v18, v18;
	v0 =	vadd.f32 v1, v0;
	v1 =	vmul.f32 v4, v21  }
0x24a: {  	v18 =	vld [tilespmem:s20+$0xC20];
	(xrf1) =	vsort.ascd.msk.f32 $0xffff, v17, v17;
	v17, _, _ =	vpop (xrf1)  }
0x24b: {  	v4 =	vld [tilespmem:s20+$0xC10];
	v0 =	vadd.f32 v0, v1;
	v1 =	vmul.f32 v47, v17  }
0x24c: {  	(xrf1) =	vsort.dscd.msk.f32 $0xffff, v19, v19;
	v17 =	vld [tilespmem:s20+$0xC30];
	v19, _, _ =	vpop (xrf1)  }
0x24d: {  	(xrf1) =	vsort.ascd.msk.f32 $0xffff, v20, v20;
	v20 =	vld [tilespmem:s20+$0xC40];
	v0 =	vadd.f32 v0, v1;
	v1 =	vmul.f32 v3, v19  }
0x24e: {  	(xrf1) =	vsort.dscd.msk.f32 $0xffff, v2, v2;
	v2 =	vld [tilespmem:$0x41F0];
	v3, _, _ =	vpop (xrf1)  }
0x24f: {  	(xrf1) =	vsort.ascd.msk.f32 $0xffff, v22, v22;
	v19 =	vld [tilespmem:s20+$0xC50];
	v0 =	vadd.f32 v0, v1;
	v1 =	vmul.f32 v5, v3  }
0x250: {  	(xrf1) =	vsort.dscd.msk.f32 $0xffff, v4, v4;
	v4, _, _ =	vpop (xrf1)  }
0x251: {  	(xrf1) =	vsort.ascd.msk.f32 $0xffff, v18, v18;
	v0 =	vadd.f32 v0, v1;
	v1 =	vmul.f32 v40, v4  }
0x252: {  	v3 =	vld [tilespmem:s20+$0xC60];
	(xrf1) =	vsort.dscd.msk.f32 $0xffff, v17, v17;
	v4, _, _ =	vpop (xrf1)  }
0x253: {  	v5 =	vld [tilespmem:s20+$0xC70];
	(xrf1) =	vsort.ascd.msk.f32 $0xffff, v20, v20;
	v17, _, _ =	vpop (xrf1);
	v18 =	vmul.f32 v2, v4;
	v0 =	vadd.f32 v0, v1  }
0x254: {  	v2, _, _ =	vpop (xrf1);
	(xrf1) =	vsort.dscd.msk.f32 $0xffff, v19, v19;
	v19 =	vld [tilespmem:$0x1FFB0]  }
0x255: {  	v0 =	vadd.f32 v0, v18;
	v18 =	vld [tilespmem:$0x1FFA0];
	_ =	sdelay $0x1  }
0x256: {  	v20 =	vld [tilespmem:$0x1FFC0]  }
0x257: {  	v4, _, _ =	vpop (xrf1);
	(xrf1) =	vsort.ascd.msk.f32 $0xffff, v3, v3  }
0x258: {  	v21 =	vld [tilespmem:$0x1FFD0];
	v1, _, _ =	vpop (xrf1);
	(xrf1) =	vsort.dscd.msk.f32 $0xffff, v5, v5  }
0x259: {  	v5, _, _ =	vpop (xrf1);
	(xrf2) =	vadd.scan.msk.f32 $0xffff, v0;
	v3 =	vmin.f32 v18, v19  }
0x25a: {  	v0 =	vmax.f32 v18, v19;
	v18, _, _ =	vpop (xrf1);
	(xrf1) =	vsort.ascd.msk.f32 $0xffff, v3, v3  }
0x25b: {  	v3 =	vmax.f32 v20, v6;
	v19, _, _ =	vpop (xrf1);
	(xrf1) =	vsort.ascd.msk.f32 $0xffff, v0, v0  }
0x25c: {  	v0 =	vmin.f32 v20, v6;
	v6, _, _ =	vpop (xrf1);
	(xrf1) =	vsort.dscd.msk.f32 $0xffff, v3, v3  }
0x25d: {  	v3 =	vmin.f32 v21, v12;
	v20, _, _ =	vpop (xrf1);
	(xrf1) =	vsort.dscd.msk.f32 $0xffff, v0, v0  }
0x25e: {  	v0 =	vmax.f32 v21, v12;
	v12, _, _ =	vpop (xrf1);
	(xrf1) =	vsort.ascd.msk.f32 $0xffff, v3, v3  }
0x25f: {  	v3 =	vmax.f32 v7, v13;
	v21, _, _ =	vpop (xrf1);
	(xrf1) =	vsort.ascd.msk.f32 $0xffff, v0, v0  }
0x260: {  	v0 =	vmin.f32 v7, v13;
	v7, _, _ =	vpop (xrf1);
	(xrf1) =	vsort.dscd.msk.f32 $0xffff, v3, v3  }
0x261: {  	v3 =	vmin.f32 v9, v15;
	v13, _, _ =	vpop (xrf1);
	(xrf1) =	vsort.dscd.msk.f32 $0xffff, v0, v0  }
0x262: {  	v23 =	vmax.f32 v9, v15;
	v9, _, _ =	vpop (xrf1);
	(xrf1) =	vsort.ascd.msk.f32 $0xffff, v3, v3  }
0x263: {  	s15 =	sadd.s32 $0x10, s15;
	v3 =	vmax.f32 v10, v16;
	v0, _, _ =	vpop (xrf2);
	(xrf1) =	vsort.ascd.msk.f32 $0xffff, v23, v23  }
0x264: {  	s30 =	sand.u32 $0x80, s15;
	v22 =	vmin.f32 v10, v16;
	v15, _, _ =	vpop (xrf1);
	(xrf1) =	vsort.dscd.msk.f32 $0xffff, v3, v3  }
0x265: {  	s31 =	sand.u32 $0x70, s15;
	s20 =	sadd.s32 s30, s18;
	v0 =	vbroadcast v0, $0xF;
	v16, _, _ =	vpop (xrf1);
	v3 =	vmin.f32 v8, v14;
	(xrf1) =	vsort.dscd.msk.f32 $0xffff, v22, v22  }
0x266: {  	s20 =	sadd.s32 s31, s20;
	v14 =	vmax.f32 v8, v14;
	v10, _, _ =	vpop (xrf1);
	(xrf1) =	vsort.ascd.msk.f32 $0xffff, v3, v3  }
0x267: {  	[tilespmem:s20+$0x0] =	vst v0;
	v0 =	vmax.f32 v11, v17;
	(xrf1) =	vsort.ascd.msk.f32 $0xffff, v14, v14  }
0x268: {  	v14 =	vmin.f32 v11, v17;
	v8, _, _ =	vpop (xrf1);
	(xrf1) =	vsort.dscd.msk.f32 $0xffff, v0, v0  }
0x269: {  	v0 =	vmin.f32 v2, v4;
	v11, _, _ =	vpop (xrf1);
	(xrf1) =	vsort.dscd.msk.f32 $0xffff, v14, v14  }
0x26a: {  	v14 =	vmax.f32 v2, v4;
	v3, _, _ =	vpop (xrf1);
	(xrf1) =	vsort.ascd.msk.f32 $0xffff, v0, v0  }
0x26b: {  	v0 =	vmax.f32 v1, v5;
	v4, _, _ =	vpop (xrf1);
	(xrf1) =	vsort.ascd.msk.f32 $0xffff, v14, v14  }
0x26c: {  	v1 =	vmin.f32 v1, v5;
	v2, _, _ =	vpop (xrf1);
	(xrf1) =	vsort.dscd.msk.f32 $0xffff, v0, v0  }
0x26d: {  	v0 =	vmin.f32 v18, v19;
	v5, _, _ =	vpop (xrf1);
	(xrf1) =	vsort.dscd.msk.f32 $0xffff, v1, v1  }
0x26e: {  	v1 =	vmax.f32 v18, v19;
	v14, _, _ =	vpop (xrf1);
	(xrf1) =	vsort.ascd.msk.f32 $0xffff, v0, v0  }
0x26f: {  	v0 =	vmax.f32 v6, v20;
	v17, _, _ =	vpop (xrf1);
	(xrf1) =	vsort.ascd.msk.f32 $0xffff, v1, v1  }
0x270: {  	v1 =	vmin.f32 v6, v20;
	v6, _, _ =	vpop (xrf1);
	(xrf1) =	vsort.dscd.msk.f32 $0xffff, v0, v0  }
0x271: {  	v0 =	vmin.f32 v12, v21;
	v18, _, _ =	vpop (xrf1);
	(xrf1) =	vsort.dscd.msk.f32 $0xffff, v1, v1  }
0x272: {  	v1 =	vmax.f32 v12, v21;
	v12, _, _ =	vpop (xrf1);
	(xrf1) =	vsort.ascd.msk.f32 $0xffff, v0, v0  }
0x273: {  	v0 =	vmax.f32 v7, v13;
	v19, _, _ =	vpop (xrf1);
	(xrf1) =	vsort.ascd.msk.f32 $0xffff, v1, v1  }
0x274: {  	v1 =	vmin.f32 v7, v13;
	v7, _, _ =	vpop (xrf1);
	(xrf1) =	vsort.dscd.msk.f32 $0xffff, v0, v0  }
0x275: {  	v0 =	vmin.f32 v9, v15;
	v13, _, _ =	vpop (xrf1);
	(xrf1) =	vsort.dscd.msk.f32 $0xffff, v1, v1  }
0x276: {  	v1 =	vmax.f32 v9, v15;
	v9, _, _ =	vpop (xrf1);
	(xrf1) =	vsort.ascd.msk.f32 $0xffff, v0, v0  }
0x277: {  	v21 =	vmax.f32 v16, v10;
	v0 =	vmin.f32 v16, v10;
	v15, _, _ =	vpop (xrf1);
	(xrf1) =	vsort.ascd.msk.f32 $0xffff, v1, v1  }
0x278: {  	v16 =	vmin.f32 v11, v4;
	v1 =	vmin.f32 v8, v3;
	v20, _, _ =	vpop (xrf1);
	(xrf1) =	vsort.dscd.msk.f32 $0xffff, v21, v21  }
0x279: {  	v3 =	vmax.f32 v8, v3;
	v8 =	vmin.f32 v1, v16;
	v10, _, _ =	vpop (xrf1);
	(xrf1) =	vsort.dscd.msk.f32 $0xffff, v0, v0  }
0x27a: {  	v1 =	vmax.f32 v1, v16;
	v0 =	vmax.f32 v11, v4;
	v4, _, _ =	vpop (xrf1);
	(xrf1) =	vsort.ascd.msk.f32 $0xffff, v8, v8  }
0x27b: {  	v8 =	vmax.f32 v2, v14;
	v11 =	vmin.f32 v3, v0;
	v16, _, _ =	vpop (xrf1);
	(xrf1) =	vsort.ascd.msk.f32 $0xffff, v1, v1  }
0x27c: {  	v0 =	vmax.f32 v3, v0;
	v1 =	vmax.f32 v5, v17;
	v3, _, _ =	vpop (xrf1);
	(xrf1) =	vsort.ascd.msk.f32 $0xffff, v11, v11  }
0x27d: {  	v2 =	vmin.f32 v2, v14;
	v11 =	vmax.f32 v8, v1;
	v14, _, _ =	vpop (xrf1);
	(xrf1) =	vsort.ascd.msk.f32 $0xffff, v0, v0  }
0x27e: {  	v1 =	vmin.f32 v8, v1;
	v0 =	vmin.f32 v5, v17;
	v5, _, _ =	vpop (xrf1);
	(xrf1) =	vsort.dscd.msk.f32 $0xffff, v11, v11  }
0x27f: {  	v8 =	vmin.f32 v6, v12;
	v11 =	vmax.f32 v2, v0;
	v17, _, _ =	vpop (xrf1);
	(xrf1) =	vsort.dscd.msk.f32 $0xffff, v1, v1  }
0x280: {  	v0 =	vmin.f32 v2, v0;
	v1 =	vmin.f32 v18, v19;
	v2, _, _ =	vpop (xrf1);
	(xrf1) =	vsort.dscd.msk.f32 $0xffff, v11, v11  }
0x281: {  	v6 =	vmax.f32 v6, v12;
	v11 =	vmin.f32 v8, v1;
	v12, _, _ =	vpop (xrf1);
	(xrf1) =	vsort.dscd.msk.f32 $0xffff, v0, v0  }
0x282: {  	v1 =	vmax.f32 v8, v1;
	v0 =	vmax.f32 v18, v19;
	v8, _, _ =	vpop (xrf1);
	(xrf1) =	vsort.ascd.msk.f32 $0xffff, v11, v11  }
0x283: {  	v11 =	vmax.f32 v7, v9;
	v21 =	vmin.f32 v6, v0;
	v19, _, _ =	vpop (xrf1);
	(xrf1) =	vsort.ascd.msk.f32 $0xffff, v1, v1  }
0x284: {  	v0 =	vmax.f32 v6, v0;
	v1 =	vmax.f32 v13, v15;
	v6, _, _ =	vpop (xrf1);
	(xrf1) =	vsort.ascd.msk.f32 $0xffff, v21, v21  }
0x285: {  	v7 =	vmin.f32 v7, v9;
	v9 =	vmax.f32 v11, v1;
	v18, _, _ =	vpop (xrf1);
	(xrf1) =	vsort.ascd.msk.f32 $0xffff, v0, v0  }
0x286: {  	v1 =	vmin.f32 v11, v1;
	v0 =	vmin.f32 v13, v15;
	v11, _, _ =	vpop (xrf1);
	(xrf1) =	vsort.dscd.msk.f32 $0xffff, v9, v9  }
0x287: {  	v9 =	vmin.f32 v20, v4;
	v13 =	vmax.f32 v7, v0;
	v15, _, _ =	vpop (xrf1);
	(xrf1) =	vsort.dscd.msk.f32 $0xffff, v1, v1  }
0x288: {  	v0 =	vmin.f32 v7, v0;
	v1 =	vmin.f32 v10, v16;
	v7, _, _ =	vpop (xrf1);
	(xrf1) =	vsort.dscd.msk.f32 $0xffff, v13, v13  }
0x289: {  	v4 =	vmax.f32 v20, v4;
	v13 =	vmin.f32 v9, v1;
	v20, _, _ =	vpop (xrf1);
	(xrf1) =	vsort.dscd.msk.f32 $0xffff, v0, v0  }
0x28a: {  	v1 =	vmax.f32 v9, v1;
	v0 =	vmax.f32 v10, v16;
	v9, _, _ =	vpop (xrf1);
	(xrf1) =	vsort.ascd.msk.f32 $0xffff, v13, v13  }
0x28b: {  	v10 =	vmax.f32 v3, v5;
	v21 =	vmin.f32 v4, v0;
	v16, _, _ =	vpop (xrf1);
	(xrf1) =	vsort.ascd.msk.f32 $0xffff, v1, v1  }
0x28c: {  	v0 =	vmax.f32 v4, v0;
	v1 =	vmax.f32 v14, v17;
	v4, _, _ =	vpop (xrf1);
	(xrf1) =	vsort.ascd.msk.f32 $0xffff, v21, v21  }
0x28d: {  	v3 =	vmin.f32 v3, v5;
	v5 =	vmax.f32 v10, v1;
	v13, _, _ =	vpop (xrf1);
	(xrf1) =	vsort.ascd.msk.f32 $0xffff, v0, v0  }
0x28e: {  	v1 =	vmin.f32 v10, v1;
	v0 =	vmin.f32 v14, v17;
	v10, _, _ =	vpop (xrf1);
	(xrf1) =	vsort.dscd.msk.f32 $0xffff, v5, v5  }
0x28f: {  	v5 =	vmin.f32 v2, v8;
	v21 =	vmax.f32 v3, v0;
	v17, _, _ =	vpop (xrf1);
	(xrf1) =	vsort.dscd.msk.f32 $0xffff, v1, v1  }
0x290: {  	v0 =	vmin.f32 v3, v0;
	v1 =	vmin.f32 v12, v19;
	v3, _, _ =	vpop (xrf1);
	(xrf1) =	vsort.dscd.msk.f32 $0xffff, v21, v21  }
0x291: {  	v2 =	vmax.f32 v2, v8;
	v8 =	vmin.f32 v5, v1;
	v14, _, _ =	vpop (xrf1);
	(xrf1) =	vsort.dscd.msk.f32 $0xffff, v0, v0  }
0x292: {  	v1 =	vmax.f32 v5, v1;
	v0 =	vmax.f32 v12, v19;
	v5, _, _ =	vpop (xrf1);
	(xrf1) =	vsort.ascd.msk.f32 $0xffff, v8, v8  }
0x293: {  	v8 =	vmax.f32 v6, v11;
	v21 =	vmin.f32 v2, v0;
	v19, _, _ =	vpop (xrf1);
	(xrf1) =	vsort.ascd.msk.f32 $0xffff, v1, v1  }
0x294: {  	v0 =	vmax.f32 v2, v0;
	v1 =	vmax.f32 v18, v15;
	v2, _, _ =	vpop (xrf1);
	(xrf1) =	vsort.ascd.msk.f32 $0xffff, v21, v21  }
0x295: {  	v6 =	vmin.f32 v6, v11;
	v11 =	vmax.f32 v8, v1;
	v12, _, _ =	vpop (xrf1);
	(xrf1) =	vsort.ascd.msk.f32 $0xffff, v0, v0  }
0x296: {  	v0 =	vmin.f32 v18, v15;
	v18 =	vmin.f32 v8, v1;
	v8, _, _ =	vpop (xrf1);
	(xrf1) =	vsort.dscd.msk.f32 $0xffff, v11, v11  }
0x297: {  	v11 =	vmax.f32 v6, v0;
	v15, _, _ =	vpop (xrf1);
	(xrf1) =	vsort.dscd.msk.f32 $0xffff, v18, v18  }
0x298: {  	v18 =	vmin.f32 v6, v0;
	v1, _, _ =	vpop (xrf1);
	(xrf1) =	vsort.dscd.msk.f32 $0xffff, v11, v11  }
0x299: {  	v6, _, _ =	vpop (xrf1);
	(xrf1) =	vsort.dscd.msk.f32 $0xffff, v18, v18  }
0x29a: {  	v0, _, _ =	vpop (xrf1)  }
0x29b: {  	v11, _, _ =	vpop (xrf1)  }
0x29c: {  	v18, _, _ =	vpop (xrf1)  }
0x29d: {  	v21, _, _ =	vpop (xrf1)  }
0x29e: {  	v22 =	vmin.f32 v7, v4;
	v23 =	vmax.f32 v7, v4;
	v53 =	vmin.f32 v20, v13;
	v4, _, _ =	vpop (xrf1)  }
0x29f: {  	v13 =	vmax.f32 v20, v13;
	v20 =	vmin.f32 v9, v10;
	v9 =	vmax.f32 v9, v10;
	v7, _, _ =	vpop (xrf1)  }
0x2a0: {  	v10 =	vmin.f32 v16, v17;
	v16 =	vmax.f32 v16, v17;
	v17 =	vmin.f32 v3, v2;
	v54, _, _ =	vpop (xrf1)  }
0x2a1: {  	v55 =	vmax.f32 v3, v2;
	v56 =	vmin.f32 v14, v12;
	v12 =	vmax.f32 v14, v12;
	v14, _, _ =	vpop (xrf1)  }
0x2a2: {  	v57 =	vmin.f32 v5, v8;
	v8 =	vmax.f32 v5, v8;
	v58 =	vmin.f32 v19, v15;
	v59, _, _ =	vpop (xrf1)  }
0x2a3: {  	v15 =	vmax.f32 v19, v15;
	v19 =	vmin.f32 v1, v18;
	v1 =	vmax.f32 v1, v18;
	v18, _, _ =	vpop (xrf1)  }
0x2a4: {  	v60 =	vmin.f32 v6, v21;
	v21 =	vmax.f32 v6, v21;
	v61 =	vmin.f32 v0, v4;
	v2, _, _ =	vpop (xrf1)  }
0x2a5: {  	v0 =	vmax.f32 v0, v4;
	v62 =	vmin.f32 v11, v7;
	v63 =	vmax.f32 v11, v7;
	v4, _, _ =	vpop (xrf1)  }
0x2a6: {  	v11 =	vmin.f32 v22, v20;
	v3 =	vmin.f32 v54, v2;
	v25 =	vmax.f32 v54, v2;
	v7, _, _ =	vpop (xrf1)  }
0x2a7: {  	v2 =	vmin.f32 v14, v4;
	v5 =	vmin.f32 v59, v7;
	v30 =	vmax.f32 v59, v7;
	v7, _, _ =	vpop (xrf1)  }
0x2a8: {  	v6 =	vmax.f32 v14, v4;
	v14 =	vmin.f32 v53, v10;
	v4 =	vmin.f32 v18, v7  }
0x2a9: {  	v7 =	vmax.f32 v18, v7;
	v18 =	vmax.f32 v22, v20;
	v20 =	vmin.f32 v11, v14  }
0x2aa: {  	v10 =	vmax.f32 v53, v10;
	v11 =	vmax.f32 v11, v14;
	(xrf1) =	vsort.ascd.msk.f32 $0xffff, v20, v20  }
0x2ab: {  	v14 =	vmin.f32 v23, v9;
	v20 =	vmin.f32 v18, v10;
	(xrf1) =	vsort.ascd.msk.f32 $0xffff, v11, v11  }
0x2ac: {  	v10 =	vmax.f32 v18, v10;
	v11 =	vmin.f32 v13, v16;
	(xrf1) =	vsort.ascd.msk.f32 $0xffff, v20, v20  }
0x2ad: {  	v9 =	vmax.f32 v23, v9;
	v18 =	vmin.f32 v14, v11;
	(xrf1) =	vsort.ascd.msk.f32 $0xffff, v10, v10  }
0x2ae: {  	v11 =	vmax.f32 v14, v11;
	v10 =	vmax.f32 v13, v16;
	(xrf1) =	vsort.ascd.msk.f32 $0xffff, v18, v18  }
0x2af: {  	v13 =	vmax.f32 v55, v8;
	v14 =	vmin.f32 v9, v10;
	(xrf1) =	vsort.ascd.msk.f32 $0xffff, v11, v11  }
0x2b0: {  	v9 =	vmax.f32 v9, v10;
	v11 =	vmax.f32 v12, v15;
	(xrf1) =	vsort.ascd.msk.f32 $0xffff, v14, v14  }
0x2b1: {  	v8 =	vmin.f32 v55, v8;
	v10 =	vmax.f32 v13, v11;
	(xrf1) =	vsort.ascd.msk.f32 $0xffff, v9, v9  }
0x2b2: {  	v11 =	vmin.f32 v13, v11;
	v9 =	vmin.f32 v12, v15;
	(xrf1) =	vsort.dscd.msk.f32 $0xffff, v10, v10  }
0x2b3: {  	v10 =	vmax.f32 v17, v57;
	v12 =	vmax.f32 v8, v9;
	(xrf1) =	vsort.dscd.msk.f32 $0xffff, v11, v11  }
0x2b4: {  	v8 =	vmin.f32 v8, v9;
	v11 =	vmax.f32 v56, v58;
	(xrf1) =	vsort.dscd.msk.f32 $0xffff, v12, v12  }
0x2b5: {  	v14 =	vmin.f32 v56, v58;
	v12 =	vmax.f32 v10, v11;
	(xrf1) =	vsort.dscd.msk.f32 $0xffff, v8, v8  }
0x2b6: {  	v9 =	vmin.f32 v17, v57;
	v10 =	vmin.f32 v10, v11;
	(xrf1) =	vsort.dscd.msk.f32 $0xffff, v12, v12  }
0x2b7: {  	v16 =	vmin.f32 v60, v62;
	v12 =	vmax.f32 v9, v14;
	(xrf1) =	vsort.dscd.msk.f32 $0xffff, v10, v10  }
0x2b8: {  	v13 =	vmin.f32 v9, v14;
	v11 =	vmin.f32 v19, v61;
	v8, _, _ =	vpop (xrf1);
	(xrf1) =	vsort.dscd.msk.f32 $0xffff, v12, v12  }
0x2b9: {  	v14 =	vmin.f32 v11, v16;
	v12 =	vmax.f32 v19, v61;
	v9, _, _ =	vpop (xrf1);
	(xrf1) =	vsort.dscd.msk.f32 $0xffff, v13, v13  }
0x2ba: {  	v15 =	vmax.f32 v11, v16;
	v13 =	vmax.f32 v60, v62;
	v10, _, _ =	vpop (xrf1);
	(xrf1) =	vsort.ascd.msk.f32 $0xffff, v14, v14  }
0x2bb: {  	v14 =	vmin.f32 v1, v0;
	v16 =	vmin.f32 v12, v13;
	v11, _, _ =	vpop (xrf1);
	(xrf1) =	vsort.ascd.msk.f32 $0xffff, v15, v15  }
0x2bc: {  	p0 =	seq.s32 s19, $0x1E00;
	v17 =	vmax.f32 v12, v13;
	v15 =	vmin.f32 v21, v63;
	v12, _, _ =	vpop (xrf1);
	(xrf1) =	vsort.ascd.msk.f32 $0xffff, v16, v16  }
.Ltmp0:
0x2bd: {  	v0 =	vmax.f32 v1, v0;
	v1 =	vmin.f32 v14, v15;
	v13, _, _ =	vpop (xrf1);
	(xrf1) =	vsort.ascd.msk.f32 $0xffff, v17, v17;
	(pc) =	sbr.rel @!p0 .LBB2_3-.Ltmp0, $4  }
0x2be: {  	v18 =	vmax.f32 v21, v63;
	v17 =	vmax.f32 v14, v15;
	v14, _, _ =	vpop (xrf1);
	(xrf1) =	vsort.ascd.msk.f32 $0xffff, v1, v1  }
0x2bf: {  	v20 =	vmax.f32 v6, v7;
	v1 =	vmin.f32 v0, v18;
	v15, _, _ =	vpop (xrf1);
	(xrf1) =	vsort.ascd.msk.f32 $0xffff, v17, v17  }
0x2c0: {  	v19 =	vmax.f32 v25, v30;
	v0 =	vmax.f32 v0, v18;
	v16, _, _ =	vpop (xrf1);
	(xrf1) =	vsort.ascd.msk.f32 $0xffff, v1, v1  }
0x2c1: {  	s19 =	sadd.s32 $0x200, s19;
	v21 =	vmax.f32 v19, v20;
	v18 =	vmin.f32 v25, v30;
	v17, _, _ =	vpop (xrf1);
	(xrf1) =	vsort.ascd.msk.f32 $0xffff, v0, v0  }
0x2c2: {  	v60, _, _ =	vpop (xrf1);
	(xrf1) =	vsort.dscd.msk.f32 $0xffff, v21, v21  }
0x2c3: {  	v0 =	vmin.f32 v6, v7;
	v1 =	vmin.f32 v19, v20;
	v61 =	vmax.f32 v3, v5;
	v63, _, _ =	vpop (xrf1)  }
0x2c4: {  	v28 =	vmax.f32 v2, v4;
	v62 =	vmax.f32 v18, v0;
	(xrf1) =	vsort.dscd.msk.f32 $0xffff, v1, v1;
	v29, _, _ =	vpop (xrf1)  }
0x2c5: {  	v30 =	vmin.f32 v3, v5;
	v33 =	vmin.f32 v2, v4;
	(xrf1) =	vsort.dscd.msk.f32 $0xffff, v62, v62;
	v32, _, _ =	vpop (xrf1)  }
0x2c6: {  	v22 =	vmin.f32 v8, v16;
	v42 =	vmax.f32 v8, v16;
	v23 =	vmin.f32 v9, v17;
	v34, _, _ =	vpop (xrf1)  }
0x2c7: {  	v44 =	vmax.f32 v9, v17;
	v0 =	vmin.f32 v18, v0;
	v31 =	vmax.f32 v61, v28;
	v35, _, _ =	vpop (xrf1)  }
0x2c8: {  	v1 =	vmin.f32 v61, v28;
	v4 =	vmax.f32 v30, v33;
	(xrf1) =	vsort.dscd.msk.f32 $0xffff, v0, v0;
	v36, _, _ =	vpop (xrf1)  }
0x2c9: {  	v45 =	vmin.f32 v10, v60;
	v6 =	vmax.f32 v10, v60;
	(xrf1) =	vsort.dscd.msk.f32 $0xffff, v31, v31;
	v37, _, _ =	vpop (xrf1)  }
0x2ca: {  	v46 =	vmin.f32 v11, v63;
	v47 =	vmax.f32 v11, v63;
	v0 =	vmin.f32 v30, v33;
	v38, _, _ =	vpop (xrf1)  }
0x2cb: {  	v25 =	vmin.f32 v12, v29;
	v49 =	vmax.f32 v12, v29;
	(xrf1) =	vsort.dscd.msk.f32 $0xffff, v1, v1;
	v39, _, _ =	vpop (xrf1)  }
0x2cc: {  	v50 =	vmin.f32 v13, v32;
	v51 =	vmax.f32 v13, v32;
	v62 =	vmin.f32 v22, v25;
	v40, _, _ =	vpop (xrf1)  }
0x2cd: {  	v22 =	vmax.f32 v22, v25;
	v8 =	vmax.f32 v42, v49;
	v52 =	vmin.f32 v14, v34;
	v41, _, _ =	vpop (xrf1)  }
0x2ce: {  	v2 =	vmax.f32 v14, v34;
	v63 =	vmin.f32 v23, v50;
	v18 =	vmax.f32 v23, v50;
	v43, _, _ =	vpop (xrf1)  }
0x2cf: {  	v9 =	vmax.f32 v44, v51;
	(xrf1) =	vsort.dscd.msk.f32 $0xffff, v4, v4;
	v27 =	vmin.f32 v15, v35;
	v24, _, _ =	vpop (xrf1)  }
0x2d0: {  	v5 =	vmax.f32 v15, v35;
	v17 =	vmax.f32 v45, v52;
	(xrf1) =	vsort.dscd.msk.f32 $0xffff, v0, v0;
	v48, _, _ =	vpop (xrf1)  }
0x2d1: {  	v10 =	vmax.f32 v46, v27;
	v54 =	vmin.f32 v36, v48;
	v1 =	vmax.f32 v36, v48  }
0x2d2: {  	v26, _, _ =	vpop (xrf1);
	v36 =	vmin.f32 v45, v52;
	v52 =	vmin.f32 v22, v17;
	v17 =	vmax.f32 v22, v17  }
0x2d3: {  	v53, _, _ =	vpop (xrf1);
	v55 =	vmin.f32 v37, v26;
	v3 =	vmax.f32 v37, v26;
	v37 =	vmin.f32 v46, v27  }
0x2d4: {  	v33 =	vmin.f32 v62, v36;
	v23 =	vmax.f32 v62, v36;
	v29 =	vmin.f32 v38, v53  }
0x2d5: {  	v0 =	vmax.f32 v38, v53;
	v38 =	vmin.f32 v42, v49;
	v34 =	vmin.f32 v63, v37  }
0x2d6: {  	v28, _, _ =	vpop (xrf1);
	v19 =	vmax.f32 v63, v37;
	v53 =	vmin.f32 v18, v10;
	v10 =	vmax.f32 v18, v10  }
0x2d7: {  	v56, _, _ =	vpop (xrf1);
	v57 =	vmin.f32 v39, v28;
	v4 =	vmax.f32 v39, v28;
	v39 =	vmin.f32 v44, v51  }
0x2d8: {  	v50 =	vmin.f32 v33, v34;
	v51 =	vmax.f32 v33, v34;
	v58 =	vmin.f32 v40, v56  }
0x2d9: {  	v30, _, _ =	vpop (xrf1);
	v7 =	vmax.f32 v40, v56;
	v40 =	vmin.f32 v6, v2;
	v2 =	vmax.f32 v6, v2  }
0x2da: {  	(xrf1) =	vsort.ascd.msk.f32 $0xffff, v50, v50;
	v31 =	vmin.f32 v41, v30;
	v21 =	vmax.f32 v41, v30  }
0x2db: {  	v41 =	vmin.f32 v47, v5;
	v5 =	vmax.f32 v47, v5;
	v42 =	vmin.f32 v1, v7  }
0x2dc: {  	v1 =	vmax.f32 v1, v7;
	v46 =	vmin.f32 v54, v58;
	v15 =	vmax.f32 v54, v58  }
0x2dd: {  	v59, _, _ =	vpop (xrf1);
	(xrf1) =	vsort.ascd.msk.f32 $0xffff, v51, v51;
	v54 =	vmin.f32 v52, v53;
	v56 =	vmin.f32 v38, v40  }
0x2de: {  	v13 =	vmax.f32 v38, v40;
	v60 =	vmin.f32 v43, v59;
	v16 =	vmax.f32 v43, v59  }
0x2df: {  	v43 =	vmin.f32 v3, v21;
	v3 =	vmax.f32 v3, v21;
	v47 =	vmin.f32 v55, v31  }
0x2e0: {  	v32, _, _ =	vpop (xrf1);
	v20 =	vmax.f32 v55, v31;
	v55 =	vmax.f32 v52, v53;
	v58 =	vmin.f32 v39, v41  }
0x2e1: {  	v61 =	vmin.f32 v24, v32;
	v24 =	vmax.f32 v24, v32;
	v32 =	vmin.f32 v23, v19  }
0x2e2: {  	v6 =	vmax.f32 v39, v41;
	v19 =	vmax.f32 v23, v19;
	(xrf1) =	vsort.ascd.msk.f32 $0xffff, v32, v32  }
0x2e3: {  	v63 =	vmin.f32 v9, v5;
	v5 =	vmax.f32 v9, v5;
	(xrf1) =	vsort.ascd.msk.f32 $0xffff, v19, v19  }
0x2e4: {  	v44 =	vmin.f32 v0, v16;
	v49 =	vmin.f32 v57, v61;
	(xrf1) =	vsort.ascd.msk.f32 $0xffff, v54, v54  }
0x2e5: {  	v14 =	vmax.f32 v57, v61;
	v57 =	vmin.f32 v17, v10;
	(xrf1) =	vsort.ascd.msk.f32 $0xffff, v55, v55  }
0x2e6: {  	v0 =	vmax.f32 v0, v16;
	v10 =	vmax.f32 v17, v10;
	(xrf1) =	vsort.ascd.msk.f32 $0xffff, v57, v57  }
0x2e7: {  	v48 =	vmin.f32 v29, v60;
	v59 =	vmin.f32 v56, v58;
	(xrf1) =	vsort.ascd.msk.f32 $0xffff, v10, v10  }
0x2e8: {  	v29 =	vmax.f32 v29, v60;
	v60 =	vmax.f32 v56, v58;
	(xrf1) =	vsort.ascd.msk.f32 $0xffff, v59, v59  }
0x2e9: {  	v62 =	vmin.f32 v13, v6;
	v6 =	vmax.f32 v13, v6;
	(xrf1) =	vsort.ascd.msk.f32 $0xffff, v60, v60  }
0x2ea: {  	v45 =	vmin.f32 v4, v24;
	v61 =	vmin.f32 v8, v2;
	(xrf1) =	vsort.ascd.msk.f32 $0xffff, v62, v62  }
0x2eb: {  	v2 =	vmax.f32 v8, v2;
	v13 =	vmin.f32 v61, v63;
	(xrf1) =	vsort.ascd.msk.f32 $0xffff, v6, v6  }
0x2ec: {  	v17 =	vmax.f32 v61, v63;
	v9 =	vmin.f32 v2, v5;
	(xrf1) =	vsort.ascd.msk.f32 $0xffff, v13, v13  }
0x2ed: {  	v4 =	vmax.f32 v4, v24;
	v18 =	vmax.f32 v1, v0;
	(xrf1) =	vsort.ascd.msk.f32 $0xffff, v17, v17  }
0x2ee: {  	v19 =	vmax.f32 v3, v4;
	v2 =	vmax.f32 v2, v5;
	v5, _, _ =	vpop (xrf1);
	(xrf1) =	vsort.ascd.msk.f32 $0xffff, v9, v9  }
0x2ef: {  	v0 =	vmin.f32 v1, v0;
	v22 =	vmax.f32 v18, v19;
	v9, _, _ =	vpop (xrf1);
	(xrf1) =	vsort.ascd.msk.f32 $0xffff, v2, v2  }
0x2f0: {  	v23 =	vmin.f32 v3, v4;
	v25 =	vmin.f32 v18, v19;
	v4, _, _ =	vpop (xrf1);
	(xrf1) =	vsort.dscd.msk.f32 $0xffff, v22, v22  }
0x2f1: {  	v26 =	vmax.f32 v42, v44;
	v27 =	vmax.f32 v0, v23;
	v8, _, _ =	vpop (xrf1);
	(xrf1) =	vsort.dscd.msk.f32 $0xffff, v25, v25  }
0x2f2: {  	v32 =	vmax.f32 v43, v45;
	v0 =	vmin.f32 v0, v23;
	v2, _, _ =	vpop (xrf1);
	(xrf1) =	vsort.dscd.msk.f32 $0xffff, v27, v27  }
0x2f3: {  	v33 =	vmin.f32 v42, v44;
	v34 =	vmax.f32 v26, v32;
	v11, _, _ =	vpop (xrf1);
	(xrf1) =	vsort.dscd.msk.f32 $0xffff, v0, v0  }
0x2f4: {  	v35 =	vmin.f32 v43, v45;
	v1 =	vmin.f32 v26, v32;
	v3, _, _ =	vpop (xrf1);
	(xrf1) =	vsort.dscd.msk.f32 $0xffff, v34, v34  }
0x2f5: {  	v36 =	vmax.f32 v15, v29;
	v37 =	vmax.f32 v33, v35;
	v12, _, _ =	vpop (xrf1);
	(xrf1) =	vsort.dscd.msk.f32 $0xffff, v1, v1  }
0x2f6: {  	v38 =	vmax.f32 v20, v14;
	v0 =	vmin.f32 v33, v35;
	v6, _, _ =	vpop (xrf1);
	(xrf1) =	vsort.dscd.msk.f32 $0xffff, v37, v37  }
0x2f7: {  	v39 =	vmin.f32 v15, v29;
	v40 =	vmax.f32 v36, v38;
	v15, _, _ =	vpop (xrf1);
	(xrf1) =	vsort.dscd.msk.f32 $0xffff, v0, v0  }
0x2f8: {  	v1 =	vmin.f32 v36, v38;
	v7, _, _ =	vpop (xrf1);
	(xrf1) =	vsort.dscd.msk.f32 $0xffff, v40, v40  }
0x2f9: {  	v41 =	vmin.f32 v20, v14;
	v16, _, _ =	vpop (xrf1);
	(xrf1) =	vsort.dscd.msk.f32 $0xffff, v1, v1  }
0x2fa: {  	v14 =	vmax.f32 v39, v41;
	v10, _, _ =	vpop (xrf1)  }
0x2fb: {  	(xrf1) =	vsort.dscd.msk.f32 $0xffff, v14, v14;
	v18, _, _ =	vpop (xrf1)  }
0x2fc: {  	v42 =	vmax.f32 v46, v48;
	v0 =	vmin.f32 v39, v41;
	v13, _, _ =	vpop (xrf1)  }
0x2fd: {  	v44 =	vmin.f32 v46, v48;
	v43 =	vmax.f32 v47, v49;
	(xrf1) =	vsort.dscd.msk.f32 $0xffff, v0, v0;
	v48, _, _ =	vpop (xrf1)  }
0x2fe: {  	v46 =	vmin.f32 v47, v49;
	v45 =	vmax.f32 v42, v43;
	v49, _, _ =	vpop (xrf1)  }
0x2ff: {  	v1 =	vmin.f32 v42, v43;
	(xrf1) =	vsort.dscd.msk.f32 $0xffff, v45, v45;
	v50, _, _ =	vpop (xrf1)  }
0x300: {  	v47 =	vmax.f32 v44, v46;
	(xrf1) =	vsort.dscd.msk.f32 $0xffff, v1, v1;
	v51, _, _ =	vpop (xrf1)  }
0x301: {  	v0 =	vmin.f32 v44, v46;
	(xrf1) =	vsort.dscd.msk.f32 $0xffff, v47, v47;
	v52, _, _ =	vpop (xrf1)  }
0x302: {  	(xrf1) =	vsort.dscd.msk.f32 $0xffff, v0, v0;
	v63 =	vmax.f32 v5, v49;
	v53, _, _ =	vpop (xrf1)  }
0x303: {  	v1 =	vmin.f32 v5, v49;
	v29 =	vmax.f32 v9, v50;
	v14 =	vmin.f32 v9, v50;
	v54, _, _ =	vpop (xrf1)  }
0x304: {  	v30 =	vmax.f32 v4, v51;
	v0 =	vmin.f32 v4, v51;
	v31 =	vmax.f32 v8, v52;
	v58, _, _ =	vpop (xrf1)  }
0x305: {  	v17 =	vmin.f32 v8, v52;
	v33 =	vmax.f32 v2, v53;
	v20 =	vmin.f32 v2, v53;
	v59, _, _ =	vpop (xrf1)  }
0x306: {  	v57 =	vmax.f32 v11, v54;
	v21 =	vmin.f32 v11, v54;
	v35 =	vmax.f32 v3, v58;
	v60, _, _ =	vpop (xrf1)  }
0x307: {  	v22 =	vmin.f32 v3, v58;
	v37 =	vmax.f32 v12, v59;
	v12 =	vmin.f32 v12, v59;
	v61, _, _ =	vpop (xrf1)  }
0x308: {  	v38 =	vmax.f32 v6, v60;
	v23 =	vmin.f32 v6, v60;
	v39 =	vmax.f32 v15, v61  }
0x309: {  	v62, _, _ =	vpop (xrf1);
	v15 =	vmin.f32 v15, v61;
	v6 =	vmax.f32 v63, v38;
	v26 =	vmin.f32 v1, v23  }
0x30a: {  	v27 =	vmin.f32 v63, v38;
	v1 =	vmax.f32 v1, v23;
	v41 =	vmax.f32 v7, v62  }
0x30b: {  	v55, _, _ =	vpop (xrf1);
	v24 =	vmin.f32 v7, v62;
	v7 =	vmax.f32 v29, v39;
	v58 =	vmin.f32 v14, v15  }
0x30c: {  	v29 =	vmin.f32 v29, v39;
	v14 =	vmax.f32 v14, v15;
	v42 =	vmax.f32 v16, v55  }
0x30d: {  	v56, _, _ =	vpop (xrf1);
	v16 =	vmin.f32 v16, v55;
	v2 =	vmax.f32 v30, v41;
	v59 =	vmin.f32 v0, v24  }
0x30e: {  	v36, _, _ =	vpop (xrf1);
	v43 =	vmax.f32 v10, v56;
	v25 =	vmin.f32 v10, v56;
	v3 =	vmax.f32 v31, v42  }
0x30f: {  	v60 =	vmin.f32 v17, v16;
	v40, _, _ =	vpop (xrf1);
	v45 =	vmax.f32 v18, v36;
	v18 =	vmin.f32 v18, v36  }
0x310: {  	v61 =	vmin.f32 v20, v25;
	v44, _, _ =	vpop (xrf1);
	v46 =	vmax.f32 v13, v40;
	v13 =	vmin.f32 v13, v40  }
0x311: {  	v62 =	vmin.f32 v21, v18;
	v50 =	vmin.f32 v26, v61;
	v19 =	vmin.f32 v48, v44  }
0x312: {  	v47 =	vmax.f32 v48, v44;
	v48 =	vmin.f32 v22, v13;
	v49 =	vmin.f32 v12, v19  }
0x313: {  	v51 =	vmin.f32 v58, v62;
	v52 =	vmin.f32 v59, v48;
	v53 =	vmin.f32 v60, v49  }
0x314: {  	v10 =	vmin.f32 v30, v41;
	v63 =	vmin.f32 v50, v52;
	v54 =	vmin.f32 v51, v53  }
0x315: {  	v11 =	vmin.f32 v31, v42;
	v8 =	vmax.f32 v33, v43;
	v41 =	vmin.f32 v63, v54  }
0x316: {  	v31 =	vmin.f32 v33, v43;
	v54 =	vmax.f32 v63, v54;
	(xrf1) =	vsort.ascd.msk.f32 $0xffff, v41, v41  }
0x317: {  	v55 =	vmax.f32 v50, v52;
	v56 =	vmax.f32 v51, v53;
	(xrf1) =	vsort.ascd.msk.f32 $0xffff, v54, v54  }
0x318: {  	v9 =	vmax.f32 v57, v45;
	v33 =	vmin.f32 v57, v45;
	v57 =	vmin.f32 v55, v56  }
0x319: {  	v26 =	vmax.f32 v26, v61;
	v28 =	vmax.f32 v58, v62;
	(xrf1) =	vsort.ascd.msk.f32 $0xffff, v57, v57  }
0x31a: {  	v32 =	vmax.f32 v59, v48;
	v58 =	vmax.f32 v60, v49;
	v30 =	vmax.f32 v55, v56  }
0x31b: {  	v59 =	vmin.f32 v26, v32;
	v60 =	vmin.f32 v28, v58;
	(xrf1) =	vsort.ascd.msk.f32 $0xffff, v30, v30  }
0x31c: {  	v0 =	vmax.f32 v0, v24;
	v16 =	vmax.f32 v17, v16;
	v61 =	vmin.f32 v59, v60  }
0x31d: {  	v4 =	vmax.f32 v35, v46;
	v62 =	vmax.f32 v20, v25;
	(xrf1) =	vsort.ascd.msk.f32 $0xffff, v61, v61  }
0x31e: {  	v13 =	vmax.f32 v22, v13;
	v5 =	vmax.f32 v37, v47;
	v36 =	vmax.f32 v59, v60  }
0x31f: {  	v38 =	vmax.f32 v26, v32;
	v39 =	vmax.f32 v28, v58;
	(xrf1) =	vsort.ascd.msk.f32 $0xffff, v36, v36  }
0x320: {  	v44 =	vld [tilespmem:$0x4010];
	v12 =	vmax.f32 v12, v19;
	v42 =	vmin.f32 v1, v62;
	v40 =	vmin.f32 v38, v39  }
0x321: {  	v45 =	vmin.f32 v0, v13;
	v63 =	vmax.f32 v21, v18;
	v41 =	vld [tilespmem:$0x4000];
	(xrf1) =	vsort.ascd.msk.f32 $0xffff, v40, v40  }
0x322: {  	v48 =	vmin.f32 v16, v12;
	v20 =	vmax.f32 v38, v39;
	v43 =	vmin.f32 v14, v63  }
0x323: {  	v49 =	vmin.f32 v42, v45;
	v51 =	vld [tilespmem:$0x4020];
	v50 =	vmin.f32 v43, v48;
	(xrf1) =	vsort.ascd.msk.f32 $0xffff, v20, v20  }
0x324: {  	v1 =	vmax.f32 v1, v62;
	v0 =	vmax.f32 v0, v13;
	v52 =	vmin.f32 v49, v50;
	v53, _, _ =	vpop (xrf1)  }
0x325: {  	v12 =	vmax.f32 v16, v12;
	v18 =	vmax.f32 v42, v45;
	v54 =	vld [tilespmem:$0x4030];
	(xrf1) =	vsort.ascd.msk.f32 $0xffff, v52, v52;
	v55, _, _ =	vpop (xrf1)  }
0x326: {  	v21 =	vmax.f32 v49, v50;
	v19 =	vmul.f32 v53, v41;
	v17 =	vmul.f32 v55, v44  }
0x327: {  	v38 =	vmin.f32 v29, v33;
	v56 =	vmax.f32 v43, v48;
	v57 =	vld [tilespmem:$0x4040];
	(xrf1) =	vsort.ascd.msk.f32 $0xffff, v21, v21;
	v58, _, _ =	vpop (xrf1)  }
0x328: {  	v59 =	vmin.f32 v18, v56;
	v60 =	vmul.f32 v58, v51;
	v17 =	vadd.f32 v17, v19  }
0x329: {  	v14 =	vmax.f32 v14, v63;
	v63 =	vmin.f32 v1, v0;
	v61 =	vld [tilespmem:$0x4050];
	(xrf1) =	vsort.ascd.msk.f32 $0xffff, v59, v59;
	v62, _, _ =	vpop (xrf1)  }
0x32a: {  	v18 =	vmax.f32 v18, v56;
	v15 =	vmul.f32 v62, v54;
	v17 =	vadd.f32 v17, v60  }
0x32b: {  	v32 =	vld [tilespmem:$0x4060];
	v28 =	vmin.f32 v14, v12;
	v20 =	vmin.f32 v35, v46;
	(xrf1) =	vsort.ascd.msk.f32 $0xffff, v18, v18;
	v34, _, _ =	vpop (xrf1)  }
0x32c: {  	v35 =	vmin.f32 v63, v28;
	v36 =	vmul.f32 v34, v57;
	v15 =	vadd.f32 v17, v15  }
0x32d: {  	v39 =	vld [tilespmem:$0x4070];
	v0 =	vmax.f32 v1, v0;
	v16 =	vmax.f32 v63, v28;
	(xrf1) =	vsort.ascd.msk.f32 $0xffff, v35, v35;
	v40, _, _ =	vpop (xrf1)  }
0x32e: {  	v30 =	vmin.f32 v37, v47;
	v13 =	vmul.f32 v40, v61;
	v15 =	vadd.f32 v15, v36  }
0x32f: {  	v42 =	vld [tilespmem:$0x4080];
	v37 =	vmin.f32 v27, v31;
	v41 =	vmax.f32 v14, v12;
	(xrf1) =	vsort.ascd.msk.f32 $0xffff, v16, v16;
	v43, _, _ =	vpop (xrf1)  }
0x330: {  	v44 =	vmin.f32 v0, v41;
	v14 =	vmul.f32 v43, v32;
	v13 =	vadd.f32 v15, v13  }
0x331: {  	v47 =	vld [tilespmem:$0x4090];
	v46 =	vmin.f32 v11, v30;
	v45 =	vmin.f32 v10, v20;
	(xrf1) =	vsort.ascd.msk.f32 $0xffff, v44, v44;
	v48, _, _ =	vpop (xrf1)  }
0x332: {  	v0 =	vmax.f32 v0, v41;
	v50 =	vmul.f32 v48, v39;
	v49 =	vadd.f32 v13, v14  }
0x333: {  	v52 =	vmin.f32 v38, v46;
	v53 =	vld [tilespmem:$0x40A0];
	v51 =	vmin.f32 v37, v45;
	v54, _, _ =	vpop (xrf1);
	(xrf1) =	vsort.ascd.msk.f32 $0xffff, v0, v0  }
0x334: {  	v55 =	vmin.f32 v51, v52;
	v12 =	vmul.f32 v54, v42;
	v1 =	vadd.f32 v49, v50  }
0x335: {  	v56 =	vmax.f32 v27, v31;
	v11 =	vmax.f32 v11, v30;
	v58 =	vld [tilespmem:$0x40B0];
	v59, _, _ =	vpop (xrf1);
	(xrf1) =	vsort.ascd.msk.f32 $0xffff, v55, v55  }
0x336: {  	v60 =	vmax.f32 v51, v52;
	v61 =	vmul.f32 v59, v47;
	v1 =	vadd.f32 v1, v12  }
0x337: {  	v22 =	vld [tilespmem:$0x40C0];
	v63 =	vmax.f32 v38, v46;
	v62 =	vmax.f32 v37, v45;
	v23, _, _ =	vpop (xrf1);
	(xrf1) =	vsort.ascd.msk.f32 $0xffff, v60, v60  }
0x338: {  	v25 =	vmin.f32 v62, v63;
	v26 =	vmul.f32 v23, v53;
	v1 =	vadd.f32 v1, v61  }
0x339: {  	v27 =	vld [tilespmem:$0x40D0];
	v10 =	vmax.f32 v10, v20;
	v57 =	vmax.f32 v29, v33;
	v28, _, _ =	vpop (xrf1);
	(xrf1) =	vsort.ascd.msk.f32 $0xffff, v25, v25  }
0x33a: {  	v29 =	vmax.f32 v62, v63;
	v30 =	vmul.f32 v28, v58;
	v1 =	vadd.f32 v1, v26  }
0x33b: {  	v31 =	vmin.f32 v56, v10;
	v33 =	vld [tilespmem:$0x40E0];
	v32 =	vmin.f32 v57, v11;
	v34, _, _ =	vpop (xrf1);
	(xrf1) =	vsort.ascd.msk.f32 $0xffff, v29, v29  }
0x33c: {  	v35 =	vmin.f32 v31, v32;
	v36 =	vmul.f32 v34, v22;
	v1 =	vadd.f32 v1, v30  }
0x33d: {  	v10 =	vmax.f32 v56, v10;
	v38 =	vmin.f32 v7, v9;
	v39 =	vld [tilespmem:$0x40F0];
	v40, _, _ =	vpop (xrf1);
	(xrf1) =	vsort.ascd.msk.f32 $0xffff, v35, v35  }
0x33e: {  	v41 =	vmax.f32 v31, v32;
	v42 =	vmul.f32 v40, v27;
	v1 =	vadd.f32 v1, v36  }
0x33f: {  	v37 =	vmin.f32 v6, v8;
	v11 =	vmax.f32 v57, v11;
	v43 =	vld [tilespmem:$0x4100];
	v44, _, _ =	vpop (xrf1);
	(xrf1) =	vsort.ascd.msk.f32 $0xffff, v41, v41  }
0x340: {  	v45 =	vmin.f32 v10, v11;
	v46 =	vmul.f32 v44, v33;
	v1 =	vadd.f32 v1, v42  }
0x341: {  	v48 =	vmin.f32 v3, v5;
	v51 =	vmax.f32 v10, v11;
	v49 =	vld [tilespmem:$0x4110];
	v50, _, _ =	vpop (xrf1);
	(xrf1) =	vsort.ascd.msk.f32 $0xffff, v45, v45  }
0x342: {  	v47 =	vmin.f32 v2, v4;
	v52 =	vmul.f32 v50, v39;
	v1 =	vadd.f32 v1, v46  }
0x343: {  	v54 =	vmin.f32 v38, v48;
	v55 =	vld [tilespmem:$0x4120];
	v53 =	vmin.f32 v37, v47;
	v56, _, _ =	vpop (xrf1);
	(xrf1) =	vsort.ascd.msk.f32 $0xffff, v51, v51  }
0x344: {  	v57 =	vmin.f32 v53, v54;
	v58 =	vmul.f32 v56, v43;
	v1 =	vadd.f32 v1, v52  }
0x345: {  	v7 =	vmax.f32 v7, v9;
	v6 =	vmax.f32 v6, v8;
	v59 =	vld [tilespmem:$0x4130];
	v60, _, _ =	vpop (xrf1);
	(xrf1) =	vsort.ascd.msk.f32 $0xffff, v57, v57  }
0x346: {  	v61 =	vmax.f32 v53, v54;
	v9 =	vmul.f32 v60, v49;
	v1 =	vadd.f32 v1, v58  }
0x347: {  	v16 =	vld [tilespmem:$0x4140];
	v63 =	vmax.f32 v38, v48;
	v62 =	vmax.f32 v37, v47;
	v17, _, _ =	vpop (xrf1);
	(xrf1) =	vsort.ascd.msk.f32 $0xffff, v61, v61  }
0x348: {  	v19 =	vmin.f32 v62, v63;
	v20 =	vmul.f32 v17, v55;
	v1 =	vadd.f32 v1, v9  }
0x349: {  	v21 =	vld [tilespmem:$0x4150];
	v3 =	vmax.f32 v3, v5;
	v2 =	vmax.f32 v2, v4;
	v22, _, _ =	vpop (xrf1);
	(xrf1) =	vsort.ascd.msk.f32 $0xffff, v19, v19  }
0x34a: {  	v23 =	vmax.f32 v62, v63;
	v5 =	vmul.f32 v22, v59;
	v1 =	vadd.f32 v1, v20  }
0x34b: {  	v24 =	vmin.f32 v6, v2;
	v25 =	vmin.f32 v7, v3;
	v26 =	vld [tilespmem:$0x4160];
	v27, _, _ =	vpop (xrf1);
	(xrf1) =	vsort.ascd.msk.f32 $0xffff, v23, v23  }
0x34c: {  	v28 =	vmin.f32 v24, v25;
	v29 =	vmul.f32 v27, v16;
	v1 =	vadd.f32 v1, v5  }
0x34d: {  	v30 =	vld [tilespmem:$0x4170];
	v31, _, _ =	vpop (xrf1);
	(xrf1) =	vsort.ascd.msk.f32 $0xffff, v28, v28  }
0x34e: {  	v32 =	vmax.f32 v24, v25;
	v4 =	vmul.f32 v31, v21;
	v1 =	vadd.f32 v1, v29  }
0x34f: {  	v2 =	vmax.f32 v6, v2;
	v3 =	vmax.f32 v7, v3;
	v33 =	vld [tilespmem:$0x4180];
	v34, _, _ =	vpop (xrf1);
	(xrf1) =	vsort.ascd.msk.f32 $0xffff, v32, v32  }
0x350: {  	v35 =	vmin.f32 v2, v3;
	v36 =	vmul.f32 v34, v26;
	v1 =	vadd.f32 v1, v4  }
0x351: {  	v37 =	vld [tilespmem:$0x4190];
	v38, _, _ =	vpop (xrf1);
	(xrf1) =	vsort.ascd.msk.f32 $0xffff, v35, v35  }
0x352: {  	v39 =	vmax.f32 v2, v3;
	v40 =	vmul.f32 v38, v30;
	v1 =	vadd.f32 v1, v36  }
0x353: {  	v41 =	vld [tilespmem:$0x41A0];
	v42, _, _ =	vpop (xrf1);
	(xrf1) =	vsort.ascd.msk.f32 $0xffff, v39, v39  }
0x354: {  	v44 =	vmul.f32 v42, v33;
	v43 =	vadd.f32 v1, v40  }
0x355: {  	v45 =	vld [tilespmem:$0x41B0];
	v46, _, _ =	vpop (xrf1)  }
0x356: {  	v47 =	vmul.f32 v46, v37;
	v0 =	vadd.f32 v43, v44  }
0x357: {  	v48 =	vld [tilespmem:$0x41C0];
	v49, _, _ =	vpop (xrf1)  }
0x358: {  	v50 =	vmul.f32 v41, v49;
	v0 =	vadd.f32 v0, v47  }
0x359: {  	v51 =	vld [tilespmem:$0x41D0];
	v52, _, _ =	vpop (xrf1)  }
0x35a: {  	v53 =	vmul.f32 v45, v52;
	v0 =	vadd.f32 v0, v50  }
0x35b: {  	v54 =	vld [tilespmem:$0x41E0];
	v55, _, _ =	vpop (xrf1)  }
0x35c: {  	v56 =	vmul.f32 v48, v55;
	v0 =	vadd.f32 v0, v53  }
0x35d: {  	v57 =	vld [tilespmem:$0x41F0];
	v58, _, _ =	vpop (xrf1)  }
0x35e: {  	v59 =	vmul.f32 v51, v58;
	v0 =	vadd.f32 v0, v56  }
0x35f: {  	v60, _, _ =	vpop (xrf1)  }
0x360: {  	v61 =	vmul.f32 v54, v60;
	v0 =	vadd.f32 v0, v59  }
0x361: {  	v62, _, _ =	vpop (xrf1)  }
0x362: {  	v63 =	vmul.f32 v57, v62;
	v0 =	vadd.f32 v0, v61;
	_ =	sdelay $0x1  }
0x363: {  	v0 =	vadd.f32 v0, v63;
	_ =	sdelay $0x1  }
0x364: {  	(xrf2) =	vadd.scan.msk.f32 $0xffff, v0;
	_ =	sdelay $0x7  }
0x365: {  	p0 =	seq.s32 s14, $0x20  }
.Ltmp1:
0x366: {  	s15 =	sadd.s32 $0x10, s15;
	(pc) =	sbr.rel @!p0 .LBB2_2-.Ltmp1, $4  }
0x367: {  	s16 =	sand.u32 $0x80, s15;
	v0, _, _ =	vpop (xrf2)  }
0x368: {  	s15 =	sand.u32 $0x70, s15;
	s16 =	sadd.s32 s16, s18;
	v0 =	vbroadcast v0, $0xF  }
0x369: {  	s15 =	sadd.s32 s15, s16  }
0x36a: {  	[tilespmem:s15+$0x0] =	vst v0  }
0x36b: {  	v4 =	vld [tilespmem:$0x1FFF0];
	_ =	sdelay $0x3  }
0x36c: {  	s15 =	simm.s32 $0x0  }
0x36d: {  	v0 =	vor.u32 s15, v4;
	_ =	sdelay $0x3  }
0x36e: {  	v5 =	vld [tilespmem:$0x1FFE0]  }
0x36f: {  	v0 =	vld.idx.msk [tilespmem:v0+s11+$0x0], $0xffff;
	_ =	sdelay $0x1  }
0x370: {  	s30 =	simm.s32 $0x100  }
0x371: {  	v1 =	vor.u32 s30, v4;
	_ =	sdelay $0x1  }
0x372: {  	v0 =	vadd.f32 v0, v5  }
0x373: {  	s14 =	simm.s32 $0x4280  }
0x374: {  	[tilespmem:s14+$0x0] =	vst v0  }
0x375: {  	v3 =	vld.idx.msk [tilespmem:v1+s11+$0x0], $0xffff;
	_ =	sdelay $0x1  }
0x376: {  	s31 =	simm.s32 $0x200  }
0x377: {  	v2 =	vor.u32 s31, v4;
	s15 =	simm.s32 $0x300  }
.LBB2_6:
0x378: {  	p0 =	sne.s32 s15, $0x1F00  }
0x379: {  	v0 =	vadd.f32 v3, v5  }
0x37a: {  	s14 =	sadd.s32 $0x10, s14  }
0x37b: {  	[tilespmem:s14+$0x0] =	vst v0  }
.Ltmp2:
0x37c: {  	v3 =	vld.idx.msk [tilespmem:v2+s11+$0x0], $0xffff;
	(pc) =	sbr.rel @p0 .LBB2_6-.Ltmp2, $2  }
0x37d: {  	_ =	sdelay $0x2  }
0x37e: {  	v2 =	vor.u32 s15, v4;
	s15 =	sadd.s32 $0x100, s15  }
0x37f: {  	_ = 	snop  }
0x380: {  	v0 =	vadd.f32 v3, v5  }
0x381: {  	s14 =	sadd.s32 $0x10, s14  }
0x382: {  	[tilespmem:s14+$0x0] =	vst v0  }
0x383: {  	v0 =	vld.idx.msk [tilespmem:v2+s11+$0x0], $0xffff;
	_ =	sdelay $0x4  }
0x384: {  	s13 =	sadd.s32 $0x1, s13;
	v0 =	vadd.f32 v0, v5  }
0x385: {  	p0 =	sne.s32 s13, s7;
	s14 =	sadd.s32 $0x10, s14  }
.Ltmp3:
0x386: {  	[tilespmem:s14+$0x0] =	vst v0;
	(pc) =	sbr.rel @p0 .LBB2_1-.Ltmp3, $4  }
0x387: {  	[hbm4b:s6+s1] =	stream.linear.scatter [tilespmem:s12], [sflag:$0x3], $0x200, $0x38;
	[tilespmem:$0x6480] =	vst v63  }
0x388: {  	_ =	swait.ge [sflag:s9], $0x200  }
0x389: {  	[sflag:s9] =	ssyncset.done $0x0  }
0x38a: {  	[sflag:s9] =	ssyncadd.s32 $0xFFFFFE00  }
0x38b: {  	_ =	sfence.sel $0x180000  }
0x38c: {  	[bflag:$0x0] =	sbarrier.arrive $0xFFFF  }
0x38d: {  	p0 =	sne.s32 s2, $0x0;
	_ =	strace $0x90000047  }
0x38e: {  	s0 =	sadd.s32 @!p0 $0x100000, s0;
	[bflag:$0x2] =	sbarrier.arrive $0xFFFF  }
0x38f: {  	[sflag:s0] =	ssyncadd.tile.s32 @!p0 $0x1;
	_ =	shalt  }
.Lfunc_end2:
_tile_overlayer_lowered:
.L_overlay_start_2:
0x390: {  	(tag) =	ssettag $0x2  }
0x391: {  	s0 =	rddreg [dreg:$0x0];
	s2 =	stileid.u32  }
0x392: {  	s1 =	rddreg [dreg:$0x1];
	p0 =	sne.s32 s2, $0x0  }
0x393: {  	s3 =	rddreg [dreg:$0x2];
	[bflag:$0x3] =	sbarrier.arrive $0xFFFF;
	s2 =	simm.s32 @!p0 $0x1C03  }
0x394: {  	[timem:s3], [sflag:s2] =	dma.local @!p0 [hbm:s0], s1  }
0x395: {  	s0 =	simm.s32 @!p0 $0x3  }
0x396: {  	_ =	swait.ge @!p0 [sflag:s0], s1  }
0x397: {  	s1 =	ssub.s32 @!p0 $0x0, s1;
	[sflag:s0] =	ssyncset.done @!p0 $0x0  }
0x398: {  	[sflag:s0] =	ssyncadd.s32 @!p0 s1  }
0x399: {  	[bflag:$0x3] =	sbarrier.arrive $0xFFFF  }
0x39a: {  	_ =	shalt  }

</sc_bundles>
